<compile_context>
chip_gen: v7x
topology: tpu7x:2x2x1
jax: 0.10.2.dev20260603
libtpu: 0.0.44.dev20260713+nightly
codegen_flags: <defaults>
</compile_context>

<pallas_src>
import functools

import jax
import jax.numpy as jnp
from jax import lax
from jax.experimental import pallas as pl
from jax.experimental.pallas import tpu as pltpu
from jax.experimental.pallas import tpu_sc as plsc

_SEQ = 200
_HID = 64
_BATCH = 1024
_VPR = _HID // 16
_NW = 32
_IPW = _BATCH // _NW
_S0 = 104
_S1 = _SEQ - _S0
_NGRP = 13
_NIDX = _IPW * _SEQ
_NIDX_PAD = _NIDX + 208


def _emb_body(x_hbm, table_hbm, pos_hbm, out_hbm,
              idx_v, rows0, rows1, pe_v, gs0, gs1, ss0, ss1):
    wid = lax.axis_index("s") * 2 + lax.axis_index("c")
    base_item = wid * _IPW
    pltpu.sync_copy(pos_hbm, pe_v)
    pltpu.sync_copy(x_hbm.at[pl.ds(base_item * _SEQ, _NIDX)],
                    idx_v.at[pl.ds(0, _NIDX)])
    for i in range(_NIDX, _NIDX_PAD, 16):
        idx_v[pl.ds(i, 16)] = jnp.zeros((16,), jnp.int32)

    rows = (rows0, rows1)
    gsem = (gs0, gs1)
    ssem = (ss0, ss1)
    lane = jnp.arange(16, dtype=jnp.int32)
    zeros16 = jnp.zeros((16,), jnp.float32)

    def gathers(k, b):
        off = k * _SEQ
        c0 = pltpu.async_copy(
            table_hbm.at[idx_v.at[pl.ds(off, _S0)]],
            rows[b].at[pl.ds(0, _S0)], gsem[b])
        c1 = pltpu.async_copy(
            table_hbm.at[idx_v.at[pl.ds(off + _S0, _S1)]],
            rows[b].at[pl.ds(_S0, _S1)], gsem[b])
        return c0, c1

    def wait_gathers(b):
        pltpu.make_async_copy(
            table_hbm.at[idx_v.at[pl.ds(0, _S0)]],
            rows[b].at[pl.ds(0, _S0)], gsem[b]).wait()
        pltpu.make_async_copy(
            table_hbm.at[idx_v.at[pl.ds(0, _S1)]],
            rows[b].at[pl.ds(_S0, _S1)], gsem[b]).wait()

    def store(k, b):
        pltpu.async_copy(rows[b].at[pl.ds(0, _SEQ)],
                         out_hbm.at[base_item + k], ssem[b])

    def wait_store(b):
        pltpu.make_async_copy(rows[b].at[pl.ds(0, _SEQ)],
                              out_hbm.at[base_item], ssem[b]).wait()

    store(0, 0)
    store(1, 1)
    gathers(0, 0)

    def item_body(ko, carry):
        for b2 in range(2):
            k = ko * 2 + b2
            b = b2
            nb = 1 - b2
            wait_store(nb)
            gathers(k + 1, nb)
            wait_gathers(b)

            def grp_body(g, c2):
                iv = idx_v[pl.ds(k * _SEQ + g * 16, 16)]
                m = iv == 1

                def fixup():
                    rr = g * 16 + lane
                    for c in range(_HID):
                        plsc.store_scatter(
                            rows[b], [rr, jnp.zeros((16,), jnp.int32) + c],
                            zeros16, mask=m)

                lax.cond(jnp.any(m), fixup, lambda: None)
                return c2

            lax.fori_loop(0, _NGRP, grp_body, 0, unroll=False)

            @plsc.parallel_loop(0, _SEQ, step=4, unroll=2)
            def add_body(r):
                for dr in range(4):
                    for c in range(_VPR):
                        sl = pl.ds(c * 16, 16)
                        rows[b][r + dr, sl] = (rows[b][r + dr, sl]
                                               + pe_v[r + dr, sl])

            store(k, b)
        return carry

    lax.fori_loop(0, _IPW // 2, item_body, 0, unroll=False)
    wait_gathers(0)
    wait_store(0)
    wait_store(1)


@functools.partial(
    pl.kernel,
    mesh=plsc.VectorSubcoreMesh(core_axis_name="c", subcore_axis_name="s"),
    compiler_params=pltpu.CompilerParams(
        needs_layout_passes=False, use_tc_tiling_on_sc=False),
    out_type=jax.ShapeDtypeStruct((_BATCH, _SEQ, _HID), jnp.float32),
    scratch_types=[
        pltpu.VMEM((_NIDX_PAD,), jnp.int32),
        pltpu.VMEM((_NGRP * 16, _HID), jnp.float32),
        pltpu.VMEM((_NGRP * 16, _HID), jnp.float32),
        pltpu.VMEM((_SEQ, _HID), jnp.float32),
        pltpu.SemaphoreType.DMA,
        pltpu.SemaphoreType.DMA,
        pltpu.SemaphoreType.DMA,
        pltpu.SemaphoreType.DMA,
    ],
)
def _emb_call(x_hbm, table_hbm, pos_hbm, out_hbm,
              idx_v, rows0, rows1, pe_v, gs0, gs1, ss0, ss1):
    _emb_body(x_hbm, table_hbm, pos_hbm, out_hbm,
              idx_v, rows0, rows1, pe_v, gs0, gs1, ss0, ss1)


def kernel(x, table, pos_emb):
    return _emb_call(x.astype(jnp.int32).reshape(-1), table, pos_emb)

# --- scband reference (transcript-rebuilt; emitter-appended) ---
"""Pipeline reference for scband-sinusoidal-embedding-6201932775472 (READ-ONLY COPY).

The authoritative reference and input builder live on the scoring server;
editing this copy changes nothing except your own understanding.
"""

import jax, jax.numpy as jnp
import numpy as np

SEQ_LEN = 200
HIDDEN = 64
VOCAB = 1000000
BATCH = 1024


def _pos_embedding(seq_len, hidden):
    pos = jnp.arange(seq_len, dtype=jnp.float32)[:, None]
    i = jnp.arange(0, hidden, 2, dtype=jnp.float32)
    angle = pos / jnp.power(10000.0, i / hidden)
    pe = jnp.zeros((seq_len, hidden), dtype=jnp.float32)
    pe = pe.at[:, 0::2].set(jnp.sin(angle))
    pe = pe.at[:, 1::2].set(jnp.cos(angle))
    return pe


def setup_inputs(seed: int = 0) -> dict:
    key = jax.random.key(seed)
    k1, k2 = jax.random.split(key)
    x = jax.random.randint(k1, (BATCH, SEQ_LEN), 0, VOCAB)
    table = jax.random.normal(k2, (VOCAB, HIDDEN), dtype=jnp.float32) * 0.02
    pos_emb = _pos_embedding(SEQ_LEN, HIDDEN)
    return {"x": x, "table": table, "pos_emb": pos_emb}


def reference(x, table, pos_emb):
    # padding_idx=1: that embedding row is pinned to zero
    tbl = table.at[1].set(0.0)
    seq_len = x.shape[1]
    token_emb = jnp.take(tbl, x, axis=0)          # gather: [B, S, H]
    pe = pos_emb[:seq_len, :]
    return token_emb + pe[None, :, :]

if __name__ == "__main__":
    import jax
    _d = setup_inputs()
    print(jax.jit(kernel)(*tuple(_d.values())))

</pallas_src>

<mosaic_0001>
#map = affine_map<(d0, d1) -> (0)>
#map1 = affine_map<(d0, d1) -> (0, 0)>
#map2 = affine_map<(d0, d1) -> (0, 0, 0)>
module attributes {stable_mosaic.version = 14 : i64} {
  func.func @_emb_call(%arg0: i32, %arg1: i32, %arg2: memref<204800xi32, #tpu.memory_space<hbm>>, %arg3: memref<1000000x64xf32, #tpu.memory_space<hbm>>, %arg4: memref<200x64xf32, #tpu.memory_space<hbm>>, %arg5: memref<1024x200x64xf32, #tpu.memory_space<hbm>>, %arg6: memref<6608xi32, #tpu.memory_space<vmem>>, %arg7: memref<208x64xf32, #tpu.memory_space<vmem>>, %arg8: memref<208x64xf32, #tpu.memory_space<vmem>>, %arg9: memref<200x64xf32, #tpu.memory_space<vmem>>, %arg10: memref<!tpu.dma_semaphore, #tpu.memory_space<semaphore_mem>>, %arg11: memref<!tpu.dma_semaphore, #tpu.memory_space<semaphore_mem>>, %arg12: memref<!tpu.dma_semaphore, #tpu.memory_space<semaphore_mem>>, %arg13: memref<!tpu.dma_semaphore, #tpu.memory_space<semaphore_mem>>) attributes {dimension_semantics = [#tpu.dimension_semantics<core_parallel>, #tpu.dimension_semantics<subcore_parallel>], iteration_bounds = array<i64: 2, 16>, scalar_prefetch = 0 : i64, scratch_operands = 8 : i64, tpu.core_type = #tpu.core_type<sc_vector_subcore>, window_params = [{transform_indices = #map}, {transform_indices = #map1}, {transform_indices = #map1}, {transform_indices = #map2}]} {
    %mul3A = arith.constant 2 : i32
    %mul3A_0 = arith.muli %arg1, %mul3A : i32
    %add3A = arith.addi %mul3A_0, %arg0 : i32
    %mul3A_1 = arith.constant 32 : i32
    %mul3A_2 = arith.muli %add3A, %mul3A_1 : i32
    "tpu.region"() ({
      %run_scoped3A = tpu.sem_alloc : memref<!tpu.dma_semaphore, #tpu.memory_space<semaphore_mem>>
      tpu.enqueue_dma source(%arg4 : memref<200x64xf32, #tpu.memory_space<hbm>>) target(%arg9 : memref<200x64xf32, #tpu.memory_space<vmem>>) target_semaphore(%run_scoped3A : memref<!tpu.dma_semaphore, #tpu.memory_space<semaphore_mem>>)
      tpu.wait_dma2 semaphore(%run_scoped3A : memref<!tpu.dma_semaphore, #tpu.memory_space<semaphore_mem>>) src(%arg4 : memref<200x64xf32, #tpu.memory_space<hbm>>) dst(%arg9 : memref<200x64xf32, #tpu.memory_space<vmem>>)
      tpu.yield
    }) : () -> ()
    %mul3A_3 = arith.constant 200 : i32
    %mul3A_4 = arith.muli %mul3A_2, %mul3A_3 : i32
    "tpu.region"() ({
      %run_scoped3A = tpu.sem_alloc : memref<!tpu.dma_semaphore, #tpu.memory_space<semaphore_mem>>
      %dma_start3A_152 = arith.constant 0 : i32
      %dma_start3A_153 = tpu.memref_slice %arg6[%dma_start3A_152] : memref<6608xi32, #tpu.memory_space<vmem>> -> memref<6400xi32, #tpu.memory_space<vmem>>
      %dma_start3A_154 = tpu.memref_slice %arg2[%mul3A_4] : memref<204800xi32, #tpu.memory_space<hbm>> -> memref<6400xi32, #tpu.memory_space<hbm>>
      %dma_start3A_155 = arith.constant 0 : i32
      %dma_start3A_156 = tpu.memref_slice %arg6[%dma_start3A_155] : memref<6608xi32, #tpu.memory_space<vmem>> -> memref<6400xi32, #tpu.memory_space<vmem>>
      %dma_start3A_157 = tpu.memref_slice %arg2[%mul3A_4] : memref<204800xi32, #tpu.memory_space<hbm>> -> memref<6400xi32, #tpu.memory_space<hbm>>
      tpu.enqueue_dma source(%dma_start3A_157 : memref<6400xi32, #tpu.memory_space<hbm>>) target(%dma_start3A_156 : memref<6400xi32, #tpu.memory_space<vmem>>) target_semaphore(%run_scoped3A : memref<!tpu.dma_semaphore, #tpu.memory_space<semaphore_mem>>)
      %dma_wait3A_158 = arith.constant 0 : i32
      %dma_wait3A_159 = tpu.memref_slice %arg6[%dma_wait3A_158] : memref<6608xi32, #tpu.memory_space<vmem>> -> memref<6400xi32, #tpu.memory_space<vmem>>
      %dma_wait3A_160 = tpu.memref_slice %arg2[%mul3A_4] : memref<204800xi32, #tpu.memory_space<hbm>> -> memref<6400xi32, #tpu.memory_space<hbm>>
      %dma_wait3A_161 = arith.constant 0 : i32
      %dma_wait3A_162 = tpu.memref_slice %arg6[%dma_wait3A_161] : memref<6608xi32, #tpu.memory_space<vmem>> -> memref<6400xi32, #tpu.memory_space<vmem>>
      %dma_wait3A_163 = tpu.memref_slice %arg2[%mul3A_4] : memref<204800xi32, #tpu.memory_space<hbm>> -> memref<6400xi32, #tpu.memory_space<hbm>>
      tpu.wait_dma2 semaphore(%run_scoped3A : memref<!tpu.dma_semaphore, #tpu.memory_space<semaphore_mem>>) src(%dma_wait3A_163 : memref<6400xi32, #tpu.memory_space<hbm>>) dst(%dma_wait3A_162 : memref<6400xi32, #tpu.memory_space<vmem>>)
      tpu.yield
    }) : () -> ()
    %broadcast_in_dim3A = arith.constant 0 : i32
    %broadcast_in_dim3A_5 = vector.broadcast %broadcast_in_dim3A : i32 to vector<16xi32>
    %swap3A = arith.constant 6400 : index
    %swap3A_6 = tpu.vector_load %arg6[%swap3A] {strides = array<i32>} : memref<6608xi32, #tpu.memory_space<vmem>>, vector<16xi32>,
    tpu.vector_store %arg6[%swap3A], %broadcast_in_dim3A_5 {strides = array<i32>} : memref<6608xi32, #tpu.memory_space<vmem>>, vector<16xi32>,
    %broadcast_in_dim3A_7 = arith.constant 0 : i32
    %broadcast_in_dim3A_8 = vector.broadcast %broadcast_in_dim3A_7 : i32 to vector<16xi32>
    %swap3A_9 = arith.constant 6416 : index
    %swap3A_10 = tpu.vector_load %arg6[%swap3A_9] {strides = array<i32>} : memref<6608xi32, #tpu.memory_space<vmem>>, vector<16xi32>,
    tpu.vector_store %arg6[%swap3A_9], %broadcast_in_dim3A_8 {strides = array<i32>} : memref<6608xi32, #tpu.memory_space<vmem>>, vector<16xi32>,
    %broadcast_in_dim3A_11 = arith.constant 0 : i32
    %broadcast_in_dim3A_12 = vector.broadcast %broadcast_in_dim3A_11 : i32 to vector<16xi32>
    %swap3A_13 = arith.constant 6432 : index
    %swap3A_14 = tpu.vector_load %arg6[%swap3A_13] {strides = array<i32>} : memref<6608xi32, #tpu.memory_space<vmem>>, vector<16xi32>,
    tpu.vector_store %arg6[%swap3A_13], %broadcast_in_dim3A_12 {strides = array<i32>} : memref<6608xi32, #tpu.memory_space<vmem>>, vector<16xi32>,
    %broadcast_in_dim3A_15 = arith.constant 0 : i32
    %broadcast_in_dim3A_16 = vector.broadcast %broadcast_in_dim3A_15 : i32 to vector<16xi32>
    %swap3A_17 = arith.constant 6448 : index
    %swap3A_18 = tpu.vector_load %arg6[%swap3A_17] {strides = array<i32>} : memref<6608xi32, #tpu.memory_space<vmem>>, vector<16xi32>,
    tpu.vector_store %arg6[%swap3A_17], %broadcast_in_dim3A_16 {strides = array<i32>} : memref<6608xi32, #tpu.memory_space<vmem>>, vector<16xi32>,
    %broadcast_in_dim3A_19 = arith.constant 0 : i32
    %broadcast_in_dim3A_20 = vector.broadcast %broadcast_in_dim3A_19 : i32 to vector<16xi32>
    %swap3A_21 = arith.constant 6464 : index
    %swap3A_22 = tpu.vector_load %arg6[%swap3A_21] {strides = array<i32>} : memref<6608xi32, #tpu.memory_space<vmem>>, vector<16xi32>,
    tpu.vector_store %arg6[%swap3A_21], %broadcast_in_dim3A_20 {strides = array<i32>} : memref<6608xi32, #tpu.memory_space<vmem>>, vector<16xi32>,
    %broadcast_in_dim3A_23 = arith.constant 0 : i32
    %broadcast_in_dim3A_24 = vector.broadcast %broadcast_in_dim3A_23 : i32 to vector<16xi32>
    %swap3A_25 = arith.constant 6480 : index
    %swap3A_26 = tpu.vector_load %arg6[%swap3A_25] {strides = array<i32>} : memref<6608xi32, #tpu.memory_space<vmem>>, vector<16xi32>,
    tpu.vector_store %arg6[%swap3A_25], %broadcast_in_dim3A_24 {strides = array<i32>} : memref<6608xi32, #tpu.memory_space<vmem>>, vector<16xi32>,
    %broadcast_in_dim3A_27 = arith.constant 0 : i32
    %broadcast_in_dim3A_28 = vector.broadcast %broadcast_in_dim3A_27 : i32 to vector<16xi32>
    %swap3A_29 = arith.constant 6496 : index
    %swap3A_30 = tpu.vector_load %arg6[%swap3A_29] {strides = array<i32>} : memref<6608xi32, #tpu.memory_space<vmem>>, vector<16xi32>,
    tpu.vector_store %arg6[%swap3A_29], %broadcast_in_dim3A_28 {strides = array<i32>} : memref<6608xi32, #tpu.memory_space<vmem>>, vector<16xi32>,
    %broadcast_in_dim3A_31 = arith.constant 0 : i32
    %broadcast_in_dim3A_32 = vector.broadcast %broadcast_in_dim3A_31 : i32 to vector<16xi32>
    %swap3A_33 = arith.constant 6512 : index
    %swap3A_34 = tpu.vector_load %arg6[%swap3A_33] {strides = array<i32>} : memref<6608xi32, #tpu.memory_space<vmem>>, vector<16xi32>,
    tpu.vector_store %arg6[%swap3A_33], %broadcast_in_dim3A_32 {strides = array<i32>} : memref<6608xi32, #tpu.memory_space<vmem>>, vector<16xi32>,
    %broadcast_in_dim3A_35 = arith.constant 0 : i32
    %broadcast_in_dim3A_36 = vector.broadcast %broadcast_in_dim3A_35 : i32 to vector<16xi32>
    %swap3A_37 = arith.constant 6528 : index
    %swap3A_38 = tpu.vector_load %arg6[%swap3A_37] {strides = array<i32>} : memref<6608xi32, #tpu.memory_space<vmem>>, vector<16xi32>,
    tpu.vector_store %arg6[%swap3A_37], %broadcast_in_dim3A_36 {strides = array<i32>} : memref<6608xi32, #tpu.memory_space<vmem>>, vector<16xi32>,
    %broadcast_in_dim3A_39 = arith.constant 0 : i32
    %broadcast_in_dim3A_40 = vector.broadcast %broadcast_in_dim3A_39 : i32 to vector<16xi32>
    %swap3A_41 = arith.constant 6544 : index
    %swap3A_42 = tpu.vector_load %arg6[%swap3A_41] {strides = array<i32>} : memref<6608xi32, #tpu.memory_space<vmem>>, vector<16xi32>,
    tpu.vector_store %arg6[%swap3A_41], %broadcast_in_dim3A_40 {strides = array<i32>} : memref<6608xi32, #tpu.memory_space<vmem>>, vector<16xi32>,
    %broadcast_in_dim3A_43 = arith.constant 0 : i32
    %broadcast_in_dim3A_44 = vector.broadcast %broadcast_in_dim3A_43 : i32 to vector<16xi32>
    %swap3A_45 = arith.constant 6560 : index
    %swap3A_46 = tpu.vector_load %arg6[%swap3A_45] {strides = array<i32>} : memref<6608xi32, #tpu.memory_space<vmem>>, vector<16xi32>,
    tpu.vector_store %arg6[%swap3A_45], %broadcast_in_dim3A_44 {strides = array<i32>} : memref<6608xi32, #tpu.memory_space<vmem>>, vector<16xi32>,
    %broadcast_in_dim3A_47 = arith.constant 0 : i32
    %broadcast_in_dim3A_48 = vector.broadcast %broadcast_in_dim3A_47 : i32 to vector<16xi32>
    %swap3A_49 = arith.constant 6576 : index
    %swap3A_50 = tpu.vector_load %arg6[%swap3A_49] {strides = array<i32>} : memref<6608xi32, #tpu.memory_space<vmem>>, vector<16xi32>,
    tpu.vector_store %arg6[%swap3A_49], %broadcast_in_dim3A_48 {strides = array<i32>} : memref<6608xi32, #tpu.memory_space<vmem>>, vector<16xi32>,
    %broadcast_in_dim3A_51 = arith.constant 0 : i32
    %broadcast_in_dim3A_52 = vector.broadcast %broadcast_in_dim3A_51 : i32 to vector<16xi32>
    %swap3A_53 = arith.constant 6592 : index
    %swap3A_54 = tpu.vector_load %arg6[%swap3A_53] {strides = array<i32>} : memref<6608xi32, #tpu.memory_space<vmem>>, vector<16xi32>,
    tpu.vector_store %arg6[%swap3A_53], %broadcast_in_dim3A_52 {strides = array<i32>} : memref<6608xi32, #tpu.memory_space<vmem>>, vector<16xi32>,
    %iota3A = tpu.iota {dimensions = array<i32: 0>} : vector<16xi32>
    %broadcast_in_dim3A_55 = arith.constant 0.000000e+00 : f32
    %broadcast_in_dim3A_56 = vector.broadcast %broadcast_in_dim3A_55 : f32 to vector<16xf32>
    %add3A_57 = arith.constant 0 : i32
    %add3A_58 = arith.addi %mul3A_2, %add3A_57 : i32
    %dma_start3A = arith.constant 0 : i32
    %dma_start3A_59 = arith.constant 0 : i32
    %dma_start3A_60 = tpu.memref_slice %arg7[%dma_start3A, %dma_start3A_59] : memref<208x64xf32, #tpu.memory_space<vmem>> -> memref<200x64xf32, #tpu.memory_space<vmem>>
    %dma_start3A_61 = arith.constant 0 : i32
    %dma_start3A_62 = arith.constant 0 : i32
    %dma_start3A_63 = tpu.memref_slice %arg5[%add3A_58, %dma_start3A_61, %dma_start3A_62] : memref<1024x200x64xf32, #tpu.memory_space<hbm>> -> memref<1x200x64xf32, #tpu.memory_space<hbm>>
    %dma_start3A_64 = tpu.memref_squeeze %dma_start3A_63 : memref<1x200x64xf32, #tpu.memory_space<hbm>> -> memref<200x64xf32, #tpu.memory_space<hbm>>
    %dma_start3A_65 = arith.constant 0 : i32
    %dma_start3A_66 = arith.constant 0 : i32
    %dma_start3A_67 = tpu.memref_slice %arg5[%add3A_58, %dma_start3A_65, %dma_start3A_66] : memref<1024x200x64xf32, #tpu.memory_space<hbm>> -> memref<1x200x64xf32, #tpu.memory_space<hbm>>
    %dma_start3A_68 = tpu.memref_squeeze %dma_start3A_67 : memref<1x200x64xf32, #tpu.memory_space<hbm>> -> memref<200x64xf32, #tpu.memory_space<hbm>>
    %dma_start3A_69 = arith.constant 0 : i32
    %dma_start3A_70 = arith.constant 0 : i32
    %dma_start3A_71 = tpu.memref_slice %arg7[%dma_start3A_69, %dma_start3A_70] : memref<208x64xf32, #tpu.memory_space<vmem>> -> memref<200x64xf32, #tpu.memory_space<vmem>>
    tpu.enqueue_dma source(%dma_start3A_71 : memref<200x64xf32, #tpu.memory_space<vmem>>) target(%dma_start3A_68 : memref<200x64xf32, #tpu.memory_space<hbm>>) target_semaphore(%arg12 : memref<!tpu.dma_semaphore, #tpu.memory_space<semaphore_mem>>)
    %add3A_72 = arith.constant 1 : i32
    %add3A_73 = arith.addi %mul3A_2, %add3A_72 : i32
    %dma_start3A_74 = arith.constant 0 : i32
    %dma_start3A_75 = arith.constant 0 : i32
    %dma_start3A_76 = tpu.memref_slice %arg8[%dma_start3A_74, %dma_start3A_75] : memref<208x64xf32, #tpu.memory_space<vmem>> -> memref<200x64xf32, #tpu.memory_space<vmem>>
    %dma_start3A_77 = arith.constant 0 : i32
    %dma_start3A_78 = arith.constant 0 : i32
    %dma_start3A_79 = tpu.memref_slice %arg5[%add3A_73, %dma_start3A_77, %dma_start3A_78] : memref<1024x200x64xf32, #tpu.memory_space<hbm>> -> memref<1x200x64xf32, #tpu.memory_space<hbm>>
    %dma_start3A_80 = tpu.memref_squeeze %dma_start3A_79 : memref<1x200x64xf32, #tpu.memory_space<hbm>> -> memref<200x64xf32, #tpu.memory_space<hbm>>
    %dma_start3A_81 = arith.constant 0 : i32
    %dma_start3A_82 = arith.constant 0 : i32
    %dma_start3A_83 = tpu.memref_slice %arg5[%add3A_73, %dma_start3A_81, %dma_start3A_82] : memref<1024x200x64xf32, #tpu.memory_space<hbm>> -> memref<1x200x64xf32, #tpu.memory_space<hbm>>
    %dma_start3A_84 = tpu.memref_squeeze %dma_start3A_83 : memref<1x200x64xf32, #tpu.memory_space<hbm>> -> memref<200x64xf32, #tpu.memory_space<hbm>>
    %dma_start3A_85 = arith.constant 0 : i32
    %dma_start3A_86 = arith.constant 0 : i32
    %dma_start3A_87 = tpu.memref_slice %arg8[%dma_start3A_85, %dma_start3A_86] : memref<208x64xf32, #tpu.memory_space<vmem>> -> memref<200x64xf32, #tpu.memory_space<vmem>>
    tpu.enqueue_dma source(%dma_start3A_87 : memref<200x64xf32, #tpu.memory_space<vmem>>) target(%dma_start3A_84 : memref<200x64xf32, #tpu.memory_space<hbm>>) target_semaphore(%arg13 : memref<!tpu.dma_semaphore, #tpu.memory_space<semaphore_mem>>)
    %dma_start3A_88 = arith.constant 0 : i32
    %dma_start3A_89 = arith.constant 0 : i32
    %dma_start3A_90 = tpu.memref_slice %arg7[%dma_start3A_88, %dma_start3A_89] : memref<208x64xf32, #tpu.memory_space<vmem>> -> memref<104x64xf32, #tpu.memory_space<vmem>>
    %dma_start3A_91 = arith.constant 0 : i32
    %dma_start3A_92 = tpu.memref_slice %arg6[%dma_start3A_91] : memref<6608xi32, #tpu.memory_space<vmem>> -> memref<104xi32, #tpu.memory_space<vmem>>
    %dma_start3A_93 = arith.constant 0 : i32
    %dma_start3A_94 = arith.constant 0 : i32
    %dma_start3A_95 = tpu.memref_slice %arg3[%dma_start3A_93, %dma_start3A_94] : memref<1000000x64xf32, #tpu.memory_space<hbm>> -> memref<1000000x64xf32, #tpu.memory_space<hbm>>
    tpu.enqueue_indirect_dma source(%dma_start3A_95 : memref<1000000x64xf32, #tpu.memory_space<hbm>>) target(%dma_start3A_90 : memref<104x64xf32, #tpu.memory_space<vmem>>) offsets(%dma_start3A_92 : memref<104xi32, #tpu.memory_space<vmem>>) semaphore(%arg10 : memref<!tpu.dma_semaphore, #tpu.memory_space<semaphore_mem>>)
    %dma_start3A_96 = arith.constant 104 : i32
    %dma_start3A_97 = arith.constant 0 : i32
    %dma_start3A_98 = tpu.memref_slice %arg7[%dma_start3A_96, %dma_start3A_97] : memref<208x64xf32, #tpu.memory_space<vmem>> -> memref<96x64xf32, #tpu.memory_space<vmem>>
    %dma_start3A_99 = arith.constant 104 : i32
    %dma_start3A_100 = tpu.memref_slice %arg6[%dma_start3A_99] : memref<6608xi32, #tpu.memory_space<vmem>> -> memref<96xi32, #tpu.memory_space<vmem>>
    %dma_start3A_101 = arith.constant 0 : i32
    %dma_start3A_102 = arith.constant 0 : i32
    %dma_start3A_103 = tpu.memref_slice %arg3[%dma_start3A_101, %dma_start3A_102] : memref<1000000x64xf32, #tpu.memory_space<hbm>> -> memref<1000000x64xf32, #tpu.memory_space<hbm>>
    tpu.enqueue_indirect_dma source(%dma_start3A_103 : memref<1000000x64xf32, #tpu.memory_space<hbm>>) target(%dma_start3A_98 : memref<96x64xf32, #tpu.memory_space<vmem>>) offsets(%dma_start3A_100 : memref<96xi32, #tpu.memory_space<vmem>>) semaphore(%arg10 : memref<!tpu.dma_semaphore, #tpu.memory_space<semaphore_mem>>)
    %scan3A = arith.constant 0 : i32
    %scan3A_104 = arith.constant 0 : i32
    %scan3A_105 = arith.constant 16 : i32
    %scan3A_106 = arith.addi %scan3A_104, %scan3A_105 : i32
    %scan3A_107 = arith.constant 1 : i32
    scf.for %scan3A_152 = %scan3A_104 to %scan3A_106 step %scan3A_107  : i32 {
      %mul3A_153 = arith.constant 2 : i32
      %mul3A_154 = arith.muli %scan3A_152, %mul3A_153 : i32
      %add3A_155 = arith.constant 0 : i32
      %add3A_156 = arith.addi %mul3A_154, %add3A_155 : i32
      %dma_wait3A_157 = arith.constant 0 : i32
      %dma_wait3A_158 = arith.constant 0 : i32
      %dma_wait3A_159 = tpu.memref_slice %arg8[%dma_wait3A_157, %dma_wait3A_158] : memref<208x64xf32, #tpu.memory_space<vmem>> -> memref<200x64xf32, #tpu.memory_space<vmem>>
      %dma_wait3A_160 = arith.constant 0 : i32
      %dma_wait3A_161 = arith.constant 0 : i32
      %dma_wait3A_162 = tpu.memref_slice %arg5[%mul3A_2, %dma_wait3A_160, %dma_wait3A_161] : memref<1024x200x64xf32, #tpu.memory_space<hbm>> -> memref<1x200x64xf32, #tpu.memory_space<hbm>>
      %dma_wait3A_163 = tpu.memref_squeeze %dma_wait3A_162 : memref<1x200x64xf32, #tpu.memory_space<hbm>> -> memref<200x64xf32, #tpu.memory_space<hbm>>
      %dma_wait3A_164 = arith.constant 0 : i32
      %dma_wait3A_165 = arith.constant 0 : i32
      %dma_wait3A_166 = tpu.memref_slice %arg5[%mul3A_2, %dma_wait3A_164, %dma_wait3A_165] : memref<1024x200x64xf32, #tpu.memory_space<hbm>> -> memref<1x200x64xf32, #tpu.memory_space<hbm>>
      %dma_wait3A_167 = tpu.memref_squeeze %dma_wait3A_166 : memref<1x200x64xf32, #tpu.memory_space<hbm>> -> memref<200x64xf32, #tpu.memory_space<hbm>>
      %dma_wait3A_168 = arith.constant 0 : i32
      %dma_wait3A_169 = arith.constant 0 : i32
      %dma_wait3A_170 = tpu.memref_slice %arg8[%dma_wait3A_168, %dma_wait3A_169] : memref<208x64xf32, #tpu.memory_space<vmem>> -> memref<200x64xf32, #tpu.memory_space<vmem>>
      tpu.wait_dma2 semaphore(%arg13 : memref<!tpu.dma_semaphore, #tpu.memory_space<semaphore_mem>>) src(%dma_wait3A_170 : memref<200x64xf32, #tpu.memory_space<vmem>>) dst(%dma_wait3A_167 : memref<200x64xf32, #tpu.memory_space<hbm>>)
      %add3A_171 = arith.constant 1 : i32
      %add3A_172 = arith.addi %add3A_156, %add3A_171 : i32
      %mul3A_173 = arith.constant 200 : i32
      %mul3A_174 = arith.muli %add3A_172, %mul3A_173 : i32
      %dma_start3A_175 = arith.constant 0 : i32
      %dma_start3A_176 = arith.constant 0 : i32
      %dma_start3A_177 = tpu.memref_slice %arg8[%dma_start3A_175, %dma_start3A_176] : memref<208x64xf32, #tpu.memory_space<vmem>> -> memref<104x64xf32, #tpu.memory_space<vmem>>
      %dma_start3A_178 = tpu.memref_slice %arg6[%mul3A_174] : memref<6608xi32, #tpu.memory_space<vmem>> -> memref<104xi32, #tpu.memory_space<vmem>>
      %dma_start3A_179 = arith.constant 0 : i32
      %dma_start3A_180 = arith.constant 0 : i32
      %dma_start3A_181 = tpu.memref_slice %arg3[%dma_start3A_179, %dma_start3A_180] : memref<1000000x64xf32, #tpu.memory_space<hbm>> -> memref<1000000x64xf32, #tpu.memory_space<hbm>>
      tpu.enqueue_indirect_dma source(%dma_start3A_181 : memref<1000000x64xf32, #tpu.memory_space<hbm>>) target(%dma_start3A_177 : memref<104x64xf32, #tpu.memory_space<vmem>>) offsets(%dma_start3A_178 : memref<104xi32, #tpu.memory_space<vmem>>) semaphore(%arg11 : memref<!tpu.dma_semaphore, #tpu.memory_space<semaphore_mem>>)
      %add3A_182 = arith.constant 104 : i32
      %add3A_183 = arith.addi %mul3A_174, %add3A_182 : i32
      %dma_start3A_184 = arith.constant 104 : i32
      %dma_start3A_185 = arith.constant 0 : i32
      %dma_start3A_186 = tpu.memref_slice %arg8[%dma_start3A_184, %dma_start3A_185] : memref<208x64xf32, #tpu.memory_space<vmem>> -> memref<96x64xf32, #tpu.memory_space<vmem>>
      %dma_start3A_187 = tpu.memref_slice %arg6[%add3A_183] : memref<6608xi32, #tpu.memory_space<vmem>> -> memref<96xi32, #tpu.memory_space<vmem>>
      %dma_start3A_188 = arith.constant 0 : i32
      %dma_start3A_189 = arith.constant 0 : i32
      %dma_start3A_190 = tpu.memref_slice %arg3[%dma_start3A_188, %dma_start3A_189] : memref<1000000x64xf32, #tpu.memory_space<hbm>> -> memref<1000000x64xf32, #tpu.memory_space<hbm>>
      tpu.enqueue_indirect_dma source(%dma_start3A_190 : memref<1000000x64xf32, #tpu.memory_space<hbm>>) target(%dma_start3A_186 : memref<96x64xf32, #tpu.memory_space<vmem>>) offsets(%dma_start3A_187 : memref<96xi32, #tpu.memory_space<vmem>>) semaphore(%arg11 : memref<!tpu.dma_semaphore, #tpu.memory_space<semaphore_mem>>)
      %dma_wait3A_191 = arith.constant 0 : i32
      %dma_wait3A_192 = arith.constant 0 : i32
      %dma_wait3A_193 = tpu.memref_slice %arg7[%dma_wait3A_191, %dma_wait3A_192] : memref<208x64xf32, #tpu.memory_space<vmem>> -> memref<104x64xf32, #tpu.memory_space<vmem>>
      %dma_wait3A_194 = arith.constant 0 : i32
      %dma_wait3A_195 = tpu.memref_slice %arg6[%dma_wait3A_194] : memref<6608xi32, #tpu.memory_space<vmem>> -> memref<104xi32, #tpu.memory_space<vmem>>
      %dma_wait3A_196 = arith.constant 0 : i32
      %dma_wait3A_197 = arith.constant 0 : i32
      %dma_wait3A_198 = tpu.memref_slice %arg3[%dma_wait3A_196, %dma_wait3A_197] : memref<1000000x64xf32, #tpu.memory_space<hbm>> -> memref<1000000x64xf32, #tpu.memory_space<hbm>>
      tpu.wait_indirect_dma semaphore(%arg10 : memref<!tpu.dma_semaphore, #tpu.memory_space<semaphore_mem>>) src(%dma_wait3A_198 : memref<1000000x64xf32, #tpu.memory_space<hbm>>) dst(%dma_wait3A_193 : memref<104x64xf32, #tpu.memory_space<vmem>>)
      %dma_wait3A_199 = arith.constant 104 : i32
      %dma_wait3A_200 = arith.constant 0 : i32
      %dma_wait3A_201 = tpu.memref_slice %arg7[%dma_wait3A_199, %dma_wait3A_200] : memref<208x64xf32, #tpu.memory_space<vmem>> -> memref<96x64xf32, #tpu.memory_space<vmem>>
      %dma_wait3A_202 = arith.constant 0 : i32
      %dma_wait3A_203 = tpu.memref_slice %arg6[%dma_wait3A_202] : memref<6608xi32, #tpu.memory_space<vmem>> -> memref<96xi32, #tpu.memory_space<vmem>>
      %dma_wait3A_204 = arith.constant 0 : i32
      %dma_wait3A_205 = arith.constant 0 : i32
      %dma_wait3A_206 = tpu.memref_slice %arg3[%dma_wait3A_204, %dma_wait3A_205] : memref<1000000x64xf32, #tpu.memory_space<hbm>> -> memref<1000000x64xf32, #tpu.memory_space<hbm>>
      tpu.wait_indirect_dma semaphore(%arg10 : memref<!tpu.dma_semaphore, #tpu.memory_space<semaphore_mem>>) src(%dma_wait3A_206 : memref<1000000x64xf32, #tpu.memory_space<hbm>>) dst(%dma_wait3A_201 : memref<96x64xf32, #tpu.memory_space<vmem>>)
      %scan3A_207 = arith.constant 0 : i32
      %scan3A_208 = arith.constant 0 : i32
      %scan3A_209 = arith.constant 13 : i32
      %scan3A_210 = arith.addi %scan3A_208, %scan3A_209 : i32
      %scan3A_211 = arith.constant 1 : i32
      scf.for %scan3A_308 = %scan3A_208 to %scan3A_210 step %scan3A_211  : i32 {
        %mul3A_309 = arith.constant 200 : i32
        %mul3A_310 = arith.muli %add3A_156, %mul3A_309 : i32
        %mul3A_311 = arith.constant 16 : i32
        %mul3A_312 = arith.muli %scan3A_308, %mul3A_311 : i32
        %add3A_313 = arith.addi %mul3A_310, %mul3A_312 : i32
        %get3A = arith.index_cast %add3A_313 : i32 to index
        %get3A_314 = tpu.vector_load %arg6[%get3A] {strides = array<i32>} : memref<6608xi32, #tpu.memory_space<vmem>>, vector<16xi32>,
        %eq3A = arith.constant 1 : i32
        %eq3A_315 = vector.broadcast %eq3A : i32 to vector<16xi32>
        %eq3A_316 = arith.cmpi eq, %get3A_314, %eq3A_315 : vector<16xi32>
        %reduce_or3A = arith.constant 1.000000e+00 : f32
        %reduce_or3A_317 = arith.constant 0.000000e+00 : f32
        %reduce_or3A_318 = vector.broadcast %reduce_or3A : f32 to vector<16xf32>
        %reduce_or3A_319 = vector.broadcast %reduce_or3A_317 : f32 to vector<16xf32>
        %reduce_or3A_320 = arith.select %eq3A_316, %reduce_or3A_318, %reduce_or3A_319 : vector<16xi1>, vector<16xf32>
        %reduce_or3A_321 = arith.constant true
        %reduce_or3A_322 = vector.broadcast %reduce_or3A_321 : i1 to vector<16xi1>
        %reduce_or3A_323 = tpu.scan <max>, %reduce_or3A_320 masked %reduce_or3A_322 : vector<16xf32>, vector<16xi1> -> vector<16xf32>
        %reduce_or3A_324 = vector.extract %reduce_or3A_323[15] : f32 from vector<16xf32>
        %reduce_or3A_325 = arith.constant 0.000000e+00 : f32
        %reduce_or3A_326 = arith.cmpf ogt, %reduce_or3A_324, %reduce_or3A_325 : f32
        %convert_element_type3A = arith.extui %reduce_or3A_326 : i1 to i32
        %cond3A = arith.constant 0 : i32
        %cond3A_327 = arith.cmpi ne, %convert_element_type3A, %cond3A : i32
        scf.if %cond3A_327 {
          %mul3A_328 = arith.constant 16 : i32
          %mul3A_329 = arith.muli %scan3A_308, %mul3A_328 : i32
          %add3A_330 = vector.broadcast %mul3A_329 : i32 to vector<16xi32>
          %add3A_331 = arith.addi %add3A_330, %iota3A : vector<16xi32>
          %broadcast_in_dim3A_332 = arith.constant 0 : i32
          %broadcast_in_dim3A_333 = vector.broadcast %broadcast_in_dim3A_332 : i32 to vector<16xi32>
          %add3A_334 = arith.constant 0 : i32
          %add3A_335 = vector.broadcast %add3A_334 : i32 to vector<16xi32>
          %add3A_336 = arith.addi %broadcast_in_dim3A_333, %add3A_335 : vector<16xi32>
          tpu.vector_store_idx %arg7[%add3A_331, %add3A_336], %broadcast_in_dim3A_56 masked %eq3A_316 : memref<208x64xf32, #tpu.memory_space<vmem>>[vector<16xi32>, vector<16xi32>], vector<16xf32>, vector<16xi1>
          %broadcast_in_dim3A_337 = arith.constant 0 : i32
          %broadcast_in_dim3A_338 = vector.broadcast %broadcast_in_dim3A_337 : i32 to vector<16xi32>
          %add3A_339 = arith.constant 1 : i32
          %add3A_340 = vector.broadcast %add3A_339 : i32 to vector<16xi32>
          %add3A_341 = arith.addi %broadcast_in_dim3A_338, %add3A_340 : vector<16xi32>
          tpu.vector_store_idx %arg7[%add3A_331, %add3A_341], %broadcast_in_dim3A_56 masked %eq3A_316 : memref<208x64xf32, #tpu.memory_space<vmem>>[vector<16xi32>, vector<16xi32>], vector<16xf32>, vector<16xi1>
          %broadcast_in_dim3A_342 = arith.constant 0 : i32
          %broadcast_in_dim3A_343 = vector.broadcast %broadcast_in_dim3A_342 : i32 to vector<16xi32>
          %add3A_344 = arith.constant 2 : i32
          %add3A_345 = vector.broadcast %add3A_344 : i32 to vector<16xi32>
          %add3A_346 = arith.addi %broadcast_in_dim3A_343, %add3A_345 : vector<16xi32>
          tpu.vector_store_idx %arg7[%add3A_331, %add3A_346], %broadcast_in_dim3A_56 masked %eq3A_316 : memref<208x64xf32, #tpu.memory_space<vmem>>[vector<16xi32>, vector<16xi32>], vector<16xf32>, vector<16xi1>
          %broadcast_in_dim3A_347 = arith.constant 0 : i32
          %broadcast_in_dim3A_348 = vector.broadcast %broadcast_in_dim3A_347 : i32 to vector<16xi32>
          %add3A_349 = arith.constant 3 : i32
          %add3A_350 = vector.broadcast %add3A_349 : i32 to vector<16xi32>
          %add3A_351 = arith.addi %broadcast_in_dim3A_348, %add3A_350 : vector<16xi32>
          tpu.vector_store_idx %arg7[%add3A_331, %add3A_351], %broadcast_in_dim3A_56 masked %eq3A_316 : memref<208x64xf32, #tpu.memory_space<vmem>>[vector<16xi32>, vector<16xi32>], vector<16xf32>, vector<16xi1>
          %broadcast_in_dim3A_352 = arith.constant 0 : i32
          %broadcast_in_dim3A_353 = vector.broadcast %broadcast_in_dim3A_352 : i32 to vector<16xi32>
          %add3A_354 = arith.constant 4 : i32
          %add3A_355 = vector.broadcast %add3A_354 : i32 to vector<16xi32>
          %add3A_356 = arith.addi %broadcast_in_dim3A_353, %add3A_355 : vector<16xi32>
          tpu.vector_store_idx %arg7[%add3A_331, %add3A_356], %broadcast_in_dim3A_56 masked %eq3A_316 : memref<208x64xf32, #tpu.memory_space<vmem>>[vector<16xi32>, vector<16xi32>], vector<16xf32>, vector<16xi1>
          %broadcast_in_dim3A_357 = arith.constant 0 : i32
          %broadcast_in_dim3A_358 = vector.broadcast %broadcast_in_dim3A_357 : i32 to vector<16xi32>
          %add3A_359 = arith.constant 5 : i32
          %add3A_360 = vector.broadcast %add3A_359 : i32 to vector<16xi32>
          %add3A_361 = arith.addi %broadcast_in_dim3A_358, %add3A_360 : vector<16xi32>
          tpu.vector_store_idx %arg7[%add3A_331, %add3A_361], %broadcast_in_dim3A_56 masked %eq3A_316 : memref<208x64xf32, #tpu.memory_space<vmem>>[vector<16xi32>, vector<16xi32>], vector<16xf32>, vector<16xi1>
          %broadcast_in_dim3A_362 = arith.constant 0 : i32
          %broadcast_in_dim3A_363 = vector.broadcast %broadcast_in_dim3A_362 : i32 to vector<16xi32>
          %add3A_364 = arith.constant 6 : i32
          %add3A_365 = vector.broadcast %add3A_364 : i32 to vector<16xi32>
          %add3A_366 = arith.addi %broadcast_in_dim3A_363, %add3A_365 : vector<16xi32>
          tpu.vector_store_idx %arg7[%add3A_331, %add3A_366], %broadcast_in_dim3A_56 masked %eq3A_316 : memref<208x64xf32, #tpu.memory_space<vmem>>[vector<16xi32>, vector<16xi32>], vector<16xf32>, vector<16xi1>
          %broadcast_in_dim3A_367 = arith.constant 0 : i32
          %broadcast_in_dim3A_368 = vector.broadcast %broadcast_in_dim3A_367 : i32 to vector<16xi32>
          %add3A_369 = arith.constant 7 : i32
          %add3A_370 = vector.broadcast %add3A_369 : i32 to vector<16xi32>
          %add3A_371 = arith.addi %broadcast_in_dim3A_368, %add3A_370 : vector<16xi32>
          tpu.vector_store_idx %arg7[%add3A_331, %add3A_371], %broadcast_in_dim3A_56 masked %eq3A_316 : memref<208x64xf32, #tpu.memory_space<vmem>>[vector<16xi32>, vector<16xi32>], vector<16xf32>, vector<16xi1>
          %broadcast_in_dim3A_372 = arith.constant 0 : i32
          %broadcast_in_dim3A_373 = vector.broadcast %broadcast_in_dim3A_372 : i32 to vector<16xi32>
          %add3A_374 = arith.constant 8 : i32
          %add3A_375 = vector.broadcast %add3A_374 : i32 to vector<16xi32>
          %add3A_376 = arith.addi %broadcast_in_dim3A_373, %add3A_375 : vector<16xi32>
          tpu.vector_store_idx %arg7[%add3A_331, %add3A_376], %broadcast_in_dim3A_56 masked %eq3A_316 : memref<208x64xf32, #tpu.memory_space<vmem>>[vector<16xi32>, vector<16xi32>], vector<16xf32>, vector<16xi1>
          %broadcast_in_dim3A_377 = arith.constant 0 : i32
          %broadcast_in_dim3A_378 = vector.broadcast %broadcast_in_dim3A_377 : i32 to vector<16xi32>
          %add3A_379 = arith.constant 9 : i32
          %add3A_380 = vector.broadcast %add3A_379 : i32 to vector<16xi32>
          %add3A_381 = arith.addi %broadcast_in_dim3A_378, %add3A_380 : vector<16xi32>
          tpu.vector_store_idx %arg7[%add3A_331, %add3A_381], %broadcast_in_dim3A_56 masked %eq3A_316 : memref<208x64xf32, #tpu.memory_space<vmem>>[vector<16xi32>, vector<16xi32>], vector<16xf32>, vector<16xi1>
          %broadcast_in_dim3A_382 = arith.constant 0 : i32
          %broadcast_in_dim3A_383 = vector.broadcast %broadcast_in_dim3A_382 : i32 to vector<16xi32>
          %add3A_384 = arith.constant 10 : i32
          %add3A_385 = vector.broadcast %add3A_384 : i32 to vector<16xi32>
          %add3A_386 = arith.addi %broadcast_in_dim3A_383, %add3A_385 : vector<16xi32>
          tpu.vector_store_idx %arg7[%add3A_331, %add3A_386], %broadcast_in_dim3A_56 masked %eq3A_316 : memref<208x64xf32, #tpu.memory_space<vmem>>[vector<16xi32>, vector<16xi32>], vector<16xf32>, vector<16xi1>
          %broadcast_in_dim3A_387 = arith.constant 0 : i32
          %broadcast_in_dim3A_388 = vector.broadcast %broadcast_in_dim3A_387 : i32 to vector<16xi32>
          %add3A_389 = arith.constant 11 : i32
          %add3A_390 = vector.broadcast %add3A_389 : i32 to vector<16xi32>
          %add3A_391 = arith.addi %broadcast_in_dim3A_388, %add3A_390 : vector<16xi32>
          tpu.vector_store_idx %arg7[%add3A_331, %add3A_391], %broadcast_in_dim3A_56 masked %eq3A_316 : memref<208x64xf32, #tpu.memory_space<vmem>>[vector<16xi32>, vector<16xi32>], vector<16xf32>, vector<16xi1>
          %broadcast_in_dim3A_392 = arith.constant 0 : i32
          %broadcast_in_dim3A_393 = vector.broadcast %broadcast_in_dim3A_392 : i32 to vector<16xi32>
          %add3A_394 = arith.constant 12 : i32
          %add3A_395 = vector.broadcast %add3A_394 : i32 to vector<16xi32>
          %add3A_396 = arith.addi %broadcast_in_dim3A_393, %add3A_395 : vector<16xi32>
          tpu.vector_store_idx %arg7[%add3A_331, %add3A_396], %broadcast_in_dim3A_56 masked %eq3A_316 : memref<208x64xf32, #tpu.memory_space<vmem>>[vector<16xi32>, vector<16xi32>], vector<16xf32>, vector<16xi1>
          %broadcast_in_dim3A_397 = arith.constant 0 : i32
          %broadcast_in_dim3A_398 = vector.broadcast %broadcast_in_dim3A_397 : i32 to vector<16xi32>
          %add3A_399 = arith.constant 13 : i32
          %add3A_400 = vector.broadcast %add3A_399 : i32 to vector<16xi32>
          %add3A_401 = arith.addi %broadcast_in_dim3A_398, %add3A_400 : vector<16xi32>
          tpu.vector_store_idx %arg7[%add3A_331, %add3A_401], %broadcast_in_dim3A_56 masked %eq3A_316 : memref<208x64xf32, #tpu.memory_space<vmem>>[vector<16xi32>, vector<16xi32>], vector<16xf32>, vector<16xi1>
          %broadcast_in_dim3A_402 = arith.constant 0 : i32
          %broadcast_in_dim3A_403 = vector.broadcast %broadcast_in_dim3A_402 : i32 to vector<16xi32>
          %add3A_404 = arith.constant 14 : i32
          %add3A_405 = vector.broadcast %add3A_404 : i32 to vector<16xi32>
          %add3A_406 = arith.addi %broadcast_in_dim3A_403, %add3A_405 : vector<16xi32>
          tpu.vector_store_idx %arg7[%add3A_331, %add3A_406], %broadcast_in_dim3A_56 masked %eq3A_316 : memref<208x64xf32, #tpu.memory_space<vmem>>[vector<16xi32>, vector<16xi32>], vector<16xf32>, vector<16xi1>
          %broadcast_in_dim3A_407 = arith.constant 0 : i32
          %broadcast_in_dim3A_408 = vector.broadcast %broadcast_in_dim3A_407 : i32 to vector<16xi32>
          %add3A_409 = arith.constant 15 : i32
          %add3A_410 = vector.broadcast %add3A_409 : i32 to vector<16xi32>
          %add3A_411 = arith.addi %broadcast_in_dim3A_408, %add3A_410 : vector<16xi32>
          tpu.vector_store_idx %arg7[%add3A_331, %add3A_411], %broadcast_in_dim3A_56 masked %eq3A_316 : memref<208x64xf32, #tpu.memory_space<vmem>>[vector<16xi32>, vector<16xi32>], vector<16xf32>, vector<16xi1>
          %broadcast_in_dim3A_412 = arith.constant 0 : i32
          %broadcast_in_dim3A_413 = vector.broadcast %broadcast_in_dim3A_412 : i32 to vector<16xi32>
          %add3A_414 = arith.constant 16 : i32
          %add3A_415 = vector.broadcast %add3A_414 : i32 to vector<16xi32>
          %add3A_416 = arith.addi %broadcast_in_dim3A_413, %add3A_415 : vector<16xi32>
          tpu.vector_store_idx %arg7[%add3A_331, %add3A_416], %broadcast_in_dim3A_56 masked %eq3A_316 : memref<208x64xf32, #tpu.memory_space<vmem>>[vector<16xi32>, vector<16xi32>], vector<16xf32>, vector<16xi1>
          %broadcast_in_dim3A_417 = arith.constant 0 : i32
          %broadcast_in_dim3A_418 = vector.broadcast %broadcast_in_dim3A_417 : i32 to vector<16xi32>
          %add3A_419 = arith.constant 17 : i32
          %add3A_420 = vector.broadcast %add3A_419 : i32 to vector<16xi32>
          %add3A_421 = arith.addi %broadcast_in_dim3A_418, %add3A_420 : vector<16xi32>
          tpu.vector_store_idx %arg7[%add3A_331, %add3A_421], %broadcast_in_dim3A_56 masked %eq3A_316 : memref<208x64xf32, #tpu.memory_space<vmem>>[vector<16xi32>, vector<16xi32>], vector<16xf32>, vector<16xi1>
          %broadcast_in_dim3A_422 = arith.constant 0 : i32
          %broadcast_in_dim3A_423 = vector.broadcast %broadcast_in_dim3A_422 : i32 to vector<16xi32>
          %add3A_424 = arith.constant 18 : i32
          %add3A_425 = vector.broadcast %add3A_424 : i32 to vector<16xi32>
          %add3A_426 = arith.addi %broadcast_in_dim3A_423, %add3A_425 : vector<16xi32>
          tpu.vector_store_idx %arg7[%add3A_331, %add3A_426], %broadcast_in_dim3A_56 masked %eq3A_316 : memref<208x64xf32, #tpu.memory_space<vmem>>[vector<16xi32>, vector<16xi32>], vector<16xf32>, vector<16xi1>
          %broadcast_in_dim3A_427 = arith.constant 0 : i32
          %broadcast_in_dim3A_428 = vector.broadcast %broadcast_in_dim3A_427 : i32 to vector<16xi32>
          %add3A_429 = arith.constant 19 : i32
          %add3A_430 = vector.broadcast %add3A_429 : i32 to vector<16xi32>
          %add3A_431 = arith.addi %broadcast_in_dim3A_428, %add3A_430 : vector<16xi32>
          tpu.vector_store_idx %arg7[%add3A_331, %add3A_431], %broadcast_in_dim3A_56 masked %eq3A_316 : memref<208x64xf32, #tpu.memory_space<vmem>>[vector<16xi32>, vector<16xi32>], vector<16xf32>, vector<16xi1>
          %broadcast_in_dim3A_432 = arith.constant 0 : i32
          %broadcast_in_dim3A_433 = vector.broadcast %broadcast_in_dim3A_432 : i32 to vector<16xi32>
          %add3A_434 = arith.constant 20 : i32
          %add3A_435 = vector.broadcast %add3A_434 : i32 to vector<16xi32>
          %add3A_436 = arith.addi %broadcast_in_dim3A_433, %add3A_435 : vector<16xi32>
          tpu.vector_store_idx %arg7[%add3A_331, %add3A_436], %broadcast_in_dim3A_56 masked %eq3A_316 : memref<208x64xf32, #tpu.memory_space<vmem>>[vector<16xi32>, vector<16xi32>], vector<16xf32>, vector<16xi1>
          %broadcast_in_dim3A_437 = arith.constant 0 : i32
          %broadcast_in_dim3A_438 = vector.broadcast %broadcast_in_dim3A_437 : i32 to vector<16xi32>
          %add3A_439 = arith.constant 21 : i32
          %add3A_440 = vector.broadcast %add3A_439 : i32 to vector<16xi32>
          %add3A_441 = arith.addi %broadcast_in_dim3A_438, %add3A_440 : vector<16xi32>
          tpu.vector_store_idx %arg7[%add3A_331, %add3A_441], %broadcast_in_dim3A_56 masked %eq3A_316 : memref<208x64xf32, #tpu.memory_space<vmem>>[vector<16xi32>, vector<16xi32>], vector<16xf32>, vector<16xi1>
          %broadcast_in_dim3A_442 = arith.constant 0 : i32
          %broadcast_in_dim3A_443 = vector.broadcast %broadcast_in_dim3A_442 : i32 to vector<16xi32>
          %add3A_444 = arith.constant 22 : i32
          %add3A_445 = vector.broadcast %add3A_444 : i32 to vector<16xi32>
          %add3A_446 = arith.addi %broadcast_in_dim3A_443, %add3A_445 : vector<16xi32>
          tpu.vector_store_idx %arg7[%add3A_331, %add3A_446], %broadcast_in_dim3A_56 masked %eq3A_316 : memref<208x64xf32, #tpu.memory_space<vmem>>[vector<16xi32>, vector<16xi32>], vector<16xf32>, vector<16xi1>
          %broadcast_in_dim3A_447 = arith.constant 0 : i32
          %broadcast_in_dim3A_448 = vector.broadcast %broadcast_in_dim3A_447 : i32 to vector<16xi32>
          %add3A_449 = arith.constant 23 : i32
          %add3A_450 = vector.broadcast %add3A_449 : i32 to vector<16xi32>
          %add3A_451 = arith.addi %broadcast_in_dim3A_448, %add3A_450 : vector<16xi32>
          tpu.vector_store_idx %arg7[%add3A_331, %add3A_451], %broadcast_in_dim3A_56 masked %eq3A_316 : memref<208x64xf32, #tpu.memory_space<vmem>>[vector<16xi32>, vector<16xi32>], vector<16xf32>, vector<16xi1>
          %broadcast_in_dim3A_452 = arith.constant 0 : i32
          %broadcast_in_dim3A_453 = vector.broadcast %broadcast_in_dim3A_452 : i32 to vector<16xi32>
          %add3A_454 = arith.constant 24 : i32
          %add3A_455 = vector.broadcast %add3A_454 : i32 to vector<16xi32>
          %add3A_456 = arith.addi %broadcast_in_dim3A_453, %add3A_455 : vector<16xi32>
          tpu.vector_store_idx %arg7[%add3A_331, %add3A_456], %broadcast_in_dim3A_56 masked %eq3A_316 : memref<208x64xf32, #tpu.memory_space<vmem>>[vector<16xi32>, vector<16xi32>], vector<16xf32>, vector<16xi1>
          %broadcast_in_dim3A_457 = arith.constant 0 : i32
          %broadcast_in_dim3A_458 = vector.broadcast %broadcast_in_dim3A_457 : i32 to vector<16xi32>
          %add3A_459 = arith.constant 25 : i32
          %add3A_460 = vector.broadcast %add3A_459 : i32 to vector<16xi32>
          %add3A_461 = arith.addi %broadcast_in_dim3A_458, %add3A_460 : vector<16xi32>
          tpu.vector_store_idx %arg7[%add3A_331, %add3A_461], %broadcast_in_dim3A_56 masked %eq3A_316 : memref<208x64xf32, #tpu.memory_space<vmem>>[vector<16xi32>, vector<16xi32>], vector<16xf32>, vector<16xi1>
          %broadcast_in_dim3A_462 = arith.constant 0 : i32
          %broadcast_in_dim3A_463 = vector.broadcast %broadcast_in_dim3A_462 : i32 to vector<16xi32>
          %add3A_464 = arith.constant 26 : i32
          %add3A_465 = vector.broadcast %add3A_464 : i32 to vector<16xi32>
          %add3A_466 = arith.addi %broadcast_in_dim3A_463, %add3A_465 : vector<16xi32>
          tpu.vector_store_idx %arg7[%add3A_331, %add3A_466], %broadcast_in_dim3A_56 masked %eq3A_316 : memref<208x64xf32, #tpu.memory_space<vmem>>[vector<16xi32>, vector<16xi32>], vector<16xf32>, vector<16xi1>
          %broadcast_in_dim3A_467 = arith.constant 0 : i32
          %broadcast_in_dim3A_468 = vector.broadcast %broadcast_in_dim3A_467 : i32 to vector<16xi32>
          %add3A_469 = arith.constant 27 : i32
          %add3A_470 = vector.broadcast %add3A_469 : i32 to vector<16xi32>
          %add3A_471 = arith.addi %broadcast_in_dim3A_468, %add3A_470 : vector<16xi32>
          tpu.vector_store_idx %arg7[%add3A_331, %add3A_471], %broadcast_in_dim3A_56 masked %eq3A_316 : memref<208x64xf32, #tpu.memory_space<vmem>>[vector<16xi32>, vector<16xi32>], vector<16xf32>, vector<16xi1>
          %broadcast_in_dim3A_472 = arith.constant 0 : i32
          %broadcast_in_dim3A_473 = vector.broadcast %broadcast_in_dim3A_472 : i32 to vector<16xi32>
          %add3A_474 = arith.constant 28 : i32
          %add3A_475 = vector.broadcast %add3A_474 : i32 to vector<16xi32>
          %add3A_476 = arith.addi %broadcast_in_dim3A_473, %add3A_475 : vector<16xi32>
          tpu.vector_store_idx %arg7[%add3A_331, %add3A_476], %broadcast_in_dim3A_56 masked %eq3A_316 : memref<208x64xf32, #tpu.memory_space<vmem>>[vector<16xi32>, vector<16xi32>], vector<16xf32>, vector<16xi1>
          %broadcast_in_dim3A_477 = arith.constant 0 : i32
          %broadcast_in_dim3A_478 = vector.broadcast %broadcast_in_dim3A_477 : i32 to vector<16xi32>
          %add3A_479 = arith.constant 29 : i32
          %add3A_480 = vector.broadcast %add3A_479 : i32 to vector<16xi32>
          %add3A_481 = arith.addi %broadcast_in_dim3A_478, %add3A_480 : vector<16xi32>
          tpu.vector_store_idx %arg7[%add3A_331, %add3A_481], %broadcast_in_dim3A_56 masked %eq3A_316 : memref<208x64xf32, #tpu.memory_space<vmem>>[vector<16xi32>, vector<16xi32>], vector<16xf32>, vector<16xi1>
          %broadcast_in_dim3A_482 = arith.constant 0 : i32
          %broadcast_in_dim3A_483 = vector.broadcast %broadcast_in_dim3A_482 : i32 to vector<16xi32>
          %add3A_484 = arith.constant 30 : i32
          %add3A_485 = vector.broadcast %add3A_484 : i32 to vector<16xi32>
          %add3A_486 = arith.addi %broadcast_in_dim3A_483, %add3A_485 : vector<16xi32>
          tpu.vector_store_idx %arg7[%add3A_331, %add3A_486], %broadcast_in_dim3A_56 masked %eq3A_316 : memref<208x64xf32, #tpu.memory_space<vmem>>[vector<16xi32>, vector<16xi32>], vector<16xf32>, vector<16xi1>
          %broadcast_in_dim3A_487 = arith.constant 0 : i32
          %broadcast_in_dim3A_488 = vector.broadcast %broadcast_in_dim3A_487 : i32 to vector<16xi32>
          %add3A_489 = arith.constant 31 : i32
          %add3A_490 = vector.broadcast %add3A_489 : i32 to vector<16xi32>
          %add3A_491 = arith.addi %broadcast_in_dim3A_488, %add3A_490 : vector<16xi32>
          tpu.vector_store_idx %arg7[%add3A_331, %add3A_491], %broadcast_in_dim3A_56 masked %eq3A_316 : memref<208x64xf32, #tpu.memory_space<vmem>>[vector<16xi32>, vector<16xi32>], vector<16xf32>, vector<16xi1>
          %broadcast_in_dim3A_492 = arith.constant 0 : i32
          %broadcast_in_dim3A_493 = vector.broadcast %broadcast_in_dim3A_492 : i32 to vector<16xi32>
          %add3A_494 = arith.constant 32 : i32
          %add3A_495 = vector.broadcast %add3A_494 : i32 to vector<16xi32>
          %add3A_496 = arith.addi %broadcast_in_dim3A_493, %add3A_495 : vector<16xi32>
          tpu.vector_store_idx %arg7[%add3A_331, %add3A_496], %broadcast_in_dim3A_56 masked %eq3A_316 : memref<208x64xf32, #tpu.memory_space<vmem>>[vector<16xi32>, vector<16xi32>], vector<16xf32>, vector<16xi1>
          %broadcast_in_dim3A_497 = arith.constant 0 : i32
          %broadcast_in_dim3A_498 = vector.broadcast %broadcast_in_dim3A_497 : i32 to vector<16xi32>
          %add3A_499 = arith.constant 33 : i32
          %add3A_500 = vector.broadcast %add3A_499 : i32 to vector<16xi32>
          %add3A_501 = arith.addi %broadcast_in_dim3A_498, %add3A_500 : vector<16xi32>
          tpu.vector_store_idx %arg7[%add3A_331, %add3A_501], %broadcast_in_dim3A_56 masked %eq3A_316 : memref<208x64xf32, #tpu.memory_space<vmem>>[vector<16xi32>, vector<16xi32>], vector<16xf32>, vector<16xi1>
          %broadcast_in_dim3A_502 = arith.constant 0 : i32
          %broadcast_in_dim3A_503 = vector.broadcast %broadcast_in_dim3A_502 : i32 to vector<16xi32>
          %add3A_504 = arith.constant 34 : i32
          %add3A_505 = vector.broadcast %add3A_504 : i32 to vector<16xi32>
          %add3A_506 = arith.addi %broadcast_in_dim3A_503, %add3A_505 : vector<16xi32>
          tpu.vector_store_idx %arg7[%add3A_331, %add3A_506], %broadcast_in_dim3A_56 masked %eq3A_316 : memref<208x64xf32, #tpu.memory_space<vmem>>[vector<16xi32>, vector<16xi32>], vector<16xf32>, vector<16xi1>
          %broadcast_in_dim3A_507 = arith.constant 0 : i32
          %broadcast_in_dim3A_508 = vector.broadcast %broadcast_in_dim3A_507 : i32 to vector<16xi32>
          %add3A_509 = arith.constant 35 : i32
          %add3A_510 = vector.broadcast %add3A_509 : i32 to vector<16xi32>
          %add3A_511 = arith.addi %broadcast_in_dim3A_508, %add3A_510 : vector<16xi32>
          tpu.vector_store_idx %arg7[%add3A_331, %add3A_511], %broadcast_in_dim3A_56 masked %eq3A_316 : memref<208x64xf32, #tpu.memory_space<vmem>>[vector<16xi32>, vector<16xi32>], vector<16xf32>, vector<16xi1>
          %broadcast_in_dim3A_512 = arith.constant 0 : i32
          %broadcast_in_dim3A_513 = vector.broadcast %broadcast_in_dim3A_512 : i32 to vector<16xi32>
          %add3A_514 = arith.constant 36 : i32
          %add3A_515 = vector.broadcast %add3A_514 : i32 to vector<16xi32>
          %add3A_516 = arith.addi %broadcast_in_dim3A_513, %add3A_515 : vector<16xi32>
          tpu.vector_store_idx %arg7[%add3A_331, %add3A_516], %broadcast_in_dim3A_56 masked %eq3A_316 : memref<208x64xf32, #tpu.memory_space<vmem>>[vector<16xi32>, vector<16xi32>], vector<16xf32>, vector<16xi1>
          %broadcast_in_dim3A_517 = arith.constant 0 : i32
          %broadcast_in_dim3A_518 = vector.broadcast %broadcast_in_dim3A_517 : i32 to vector<16xi32>
          %add3A_519 = arith.constant 37 : i32
          %add3A_520 = vector.broadcast %add3A_519 : i32 to vector<16xi32>
          %add3A_521 = arith.addi %broadcast_in_dim3A_518, %add3A_520 : vector<16xi32>
          tpu.vector_store_idx %arg7[%add3A_331, %add3A_521], %broadcast_in_dim3A_56 masked %eq3A_316 : memref<208x64xf32, #tpu.memory_space<vmem>>[vector<16xi32>, vector<16xi32>], vector<16xf32>, vector<16xi1>
          %broadcast_in_dim3A_522 = arith.constant 0 : i32
          %broadcast_in_dim3A_523 = vector.broadcast %broadcast_in_dim3A_522 : i32 to vector<16xi32>
          %add3A_524 = arith.constant 38 : i32
          %add3A_525 = vector.broadcast %add3A_524 : i32 to vector<16xi32>
          %add3A_526 = arith.addi %broadcast_in_dim3A_523, %add3A_525 : vector<16xi32>
          tpu.vector_store_idx %arg7[%add3A_331, %add3A_526], %broadcast_in_dim3A_56 masked %eq3A_316 : memref<208x64xf32, #tpu.memory_space<vmem>>[vector<16xi32>, vector<16xi32>], vector<16xf32>, vector<16xi1>
          %broadcast_in_dim3A_527 = arith.constant 0 : i32
          %broadcast_in_dim3A_528 = vector.broadcast %broadcast_in_dim3A_527 : i32 to vector<16xi32>
          %add3A_529 = arith.constant 39 : i32
          %add3A_530 = vector.broadcast %add3A_529 : i32 to vector<16xi32>
          %add3A_531 = arith.addi %broadcast_in_dim3A_528, %add3A_530 : vector<16xi32>
          tpu.vector_store_idx %arg7[%add3A_331, %add3A_531], %broadcast_in_dim3A_56 masked %eq3A_316 : memref<208x64xf32, #tpu.memory_space<vmem>>[vector<16xi32>, vector<16xi32>], vector<16xf32>, vector<16xi1>
          %broadcast_in_dim3A_532 = arith.constant 0 : i32
          %broadcast_in_dim3A_533 = vector.broadcast %broadcast_in_dim3A_532 : i32 to vector<16xi32>
          %add3A_534 = arith.constant 40 : i32
          %add3A_535 = vector.broadcast %add3A_534 : i32 to vector<16xi32>
          %add3A_536 = arith.addi %broadcast_in_dim3A_533, %add3A_535 : vector<16xi32>
          tpu.vector_store_idx %arg7[%add3A_331, %add3A_536], %broadcast_in_dim3A_56 masked %eq3A_316 : memref<208x64xf32, #tpu.memory_space<vmem>>[vector<16xi32>, vector<16xi32>], vector<16xf32>, vector<16xi1>
          %broadcast_in_dim3A_537 = arith.constant 0 : i32
          %broadcast_in_dim3A_538 = vector.broadcast %broadcast_in_dim3A_537 : i32 to vector<16xi32>
          %add3A_539 = arith.constant 41 : i32
          %add3A_540 = vector.broadcast %add3A_539 : i32 to vector<16xi32>
          %add3A_541 = arith.addi %broadcast_in_dim3A_538, %add3A_540 : vector<16xi32>
          tpu.vector_store_idx %arg7[%add3A_331, %add3A_541], %broadcast_in_dim3A_56 masked %eq3A_316 : memref<208x64xf32, #tpu.memory_space<vmem>>[vector<16xi32>, vector<16xi32>], vector<16xf32>, vector<16xi1>
          %broadcast_in_dim3A_542 = arith.constant 0 : i32
          %broadcast_in_dim3A_543 = vector.broadcast %broadcast_in_dim3A_542 : i32 to vector<16xi32>
          %add3A_544 = arith.constant 42 : i32
          %add3A_545 = vector.broadcast %add3A_544 : i32 to vector<16xi32>
          %add3A_546 = arith.addi %broadcast_in_dim3A_543, %add3A_545 : vector<16xi32>
          tpu.vector_store_idx %arg7[%add3A_331, %add3A_546], %broadcast_in_dim3A_56 masked %eq3A_316 : memref<208x64xf32, #tpu.memory_space<vmem>>[vector<16xi32>, vector<16xi32>], vector<16xf32>, vector<16xi1>
          %broadcast_in_dim3A_547 = arith.constant 0 : i32
          %broadcast_in_dim3A_548 = vector.broadcast %broadcast_in_dim3A_547 : i32 to vector<16xi32>
          %add3A_549 = arith.constant 43 : i32
          %add3A_550 = vector.broadcast %add3A_549 : i32 to vector<16xi32>
          %add3A_551 = arith.addi %broadcast_in_dim3A_548, %add3A_550 : vector<16xi32>
          tpu.vector_store_idx %arg7[%add3A_331, %add3A_551], %broadcast_in_dim3A_56 masked %eq3A_316 : memref<208x64xf32, #tpu.memory_space<vmem>>[vector<16xi32>, vector<16xi32>], vector<16xf32>, vector<16xi1>
          %broadcast_in_dim3A_552 = arith.constant 0 : i32
          %broadcast_in_dim3A_553 = vector.broadcast %broadcast_in_dim3A_552 : i32 to vector<16xi32>
          %add3A_554 = arith.constant 44 : i32
          %add3A_555 = vector.broadcast %add3A_554 : i32 to vector<16xi32>
          %add3A_556 = arith.addi %broadcast_in_dim3A_553, %add3A_555 : vector<16xi32>
          tpu.vector_store_idx %arg7[%add3A_331, %add3A_556], %broadcast_in_dim3A_56 masked %eq3A_316 : memref<208x64xf32, #tpu.memory_space<vmem>>[vector<16xi32>, vector<16xi32>], vector<16xf32>, vector<16xi1>
          %broadcast_in_dim3A_557 = arith.constant 0 : i32
          %broadcast_in_dim3A_558 = vector.broadcast %broadcast_in_dim3A_557 : i32 to vector<16xi32>
          %add3A_559 = arith.constant 45 : i32
          %add3A_560 = vector.broadcast %add3A_559 : i32 to vector<16xi32>
          %add3A_561 = arith.addi %broadcast_in_dim3A_558, %add3A_560 : vector<16xi32>
          tpu.vector_store_idx %arg7[%add3A_331, %add3A_561], %broadcast_in_dim3A_56 masked %eq3A_316 : memref<208x64xf32, #tpu.memory_space<vmem>>[vector<16xi32>, vector<16xi32>], vector<16xf32>, vector<16xi1>
          %broadcast_in_dim3A_562 = arith.constant 0 : i32
          %broadcast_in_dim3A_563 = vector.broadcast %broadcast_in_dim3A_562 : i32 to vector<16xi32>
          %add3A_564 = arith.constant 46 : i32
          %add3A_565 = vector.broadcast %add3A_564 : i32 to vector<16xi32>
          %add3A_566 = arith.addi %broadcast_in_dim3A_563, %add3A_565 : vector<16xi32>
          tpu.vector_store_idx %arg7[%add3A_331, %add3A_566], %broadcast_in_dim3A_56 masked %eq3A_316 : memref<208x64xf32, #tpu.memory_space<vmem>>[vector<16xi32>, vector<16xi32>], vector<16xf32>, vector<16xi1>
          %broadcast_in_dim3A_567 = arith.constant 0 : i32
          %broadcast_in_dim3A_568 = vector.broadcast %broadcast_in_dim3A_567 : i32 to vector<16xi32>
          %add3A_569 = arith.constant 47 : i32
          %add3A_570 = vector.broadcast %add3A_569 : i32 to vector<16xi32>
          %add3A_571 = arith.addi %broadcast_in_dim3A_568, %add3A_570 : vector<16xi32>
          tpu.vector_store_idx %arg7[%add3A_331, %add3A_571], %broadcast_in_dim3A_56 masked %eq3A_316 : memref<208x64xf32, #tpu.memory_space<vmem>>[vector<16xi32>, vector<16xi32>], vector<16xf32>, vector<16xi1>
          %broadcast_in_dim3A_572 = arith.constant 0 : i32
          %broadcast_in_dim3A_573 = vector.broadcast %broadcast_in_dim3A_572 : i32 to vector<16xi32>
          %add3A_574 = arith.constant 48 : i32
          %add3A_575 = vector.broadcast %add3A_574 : i32 to vector<16xi32>
          %add3A_576 = arith.addi %broadcast_in_dim3A_573, %add3A_575 : vector<16xi32>
          tpu.vector_store_idx %arg7[%add3A_331, %add3A_576], %broadcast_in_dim3A_56 masked %eq3A_316 : memref<208x64xf32, #tpu.memory_space<vmem>>[vector<16xi32>, vector<16xi32>], vector<16xf32>, vector<16xi1>
          %broadcast_in_dim3A_577 = arith.constant 0 : i32
          %broadcast_in_dim3A_578 = vector.broadcast %broadcast_in_dim3A_577 : i32 to vector<16xi32>
          %add3A_579 = arith.constant 49 : i32
          %add3A_580 = vector.broadcast %add3A_579 : i32 to vector<16xi32>
          %add3A_581 = arith.addi %broadcast_in_dim3A_578, %add3A_580 : vector<16xi32>
          tpu.vector_store_idx %arg7[%add3A_331, %add3A_581], %broadcast_in_dim3A_56 masked %eq3A_316 : memref<208x64xf32, #tpu.memory_space<vmem>>[vector<16xi32>, vector<16xi32>], vector<16xf32>, vector<16xi1>
          %broadcast_in_dim3A_582 = arith.constant 0 : i32
          %broadcast_in_dim3A_583 = vector.broadcast %broadcast_in_dim3A_582 : i32 to vector<16xi32>
          %add3A_584 = arith.constant 50 : i32
          %add3A_585 = vector.broadcast %add3A_584 : i32 to vector<16xi32>
          %add3A_586 = arith.addi %broadcast_in_dim3A_583, %add3A_585 : vector<16xi32>
          tpu.vector_store_idx %arg7[%add3A_331, %add3A_586], %broadcast_in_dim3A_56 masked %eq3A_316 : memref<208x64xf32, #tpu.memory_space<vmem>>[vector<16xi32>, vector<16xi32>], vector<16xf32>, vector<16xi1>
          %broadcast_in_dim3A_587 = arith.constant 0 : i32
          %broadcast_in_dim3A_588 = vector.broadcast %broadcast_in_dim3A_587 : i32 to vector<16xi32>
          %add3A_589 = arith.constant 51 : i32
          %add3A_590 = vector.broadcast %add3A_589 : i32 to vector<16xi32>
          %add3A_591 = arith.addi %broadcast_in_dim3A_588, %add3A_590 : vector<16xi32>
          tpu.vector_store_idx %arg7[%add3A_331, %add3A_591], %broadcast_in_dim3A_56 masked %eq3A_316 : memref<208x64xf32, #tpu.memory_space<vmem>>[vector<16xi32>, vector<16xi32>], vector<16xf32>, vector<16xi1>
          %broadcast_in_dim3A_592 = arith.constant 0 : i32
          %broadcast_in_dim3A_593 = vector.broadcast %broadcast_in_dim3A_592 : i32 to vector<16xi32>
          %add3A_594 = arith.constant 52 : i32
          %add3A_595 = vector.broadcast %add3A_594 : i32 to vector<16xi32>
          %add3A_596 = arith.addi %broadcast_in_dim3A_593, %add3A_595 : vector<16xi32>
          tpu.vector_store_idx %arg7[%add3A_331, %add3A_596], %broadcast_in_dim3A_56 masked %eq3A_316 : memref<208x64xf32, #tpu.memory_space<vmem>>[vector<16xi32>, vector<16xi32>], vector<16xf32>, vector<16xi1>
          %broadcast_in_dim3A_597 = arith.constant 0 : i32
          %broadcast_in_dim3A_598 = vector.broadcast %broadcast_in_dim3A_597 : i32 to vector<16xi32>
          %add3A_599 = arith.constant 53 : i32
          %add3A_600 = vector.broadcast %add3A_599 : i32 to vector<16xi32>
          %add3A_601 = arith.addi %broadcast_in_dim3A_598, %add3A_600 : vector<16xi32>
          tpu.vector_store_idx %arg7[%add3A_331, %add3A_601], %broadcast_in_dim3A_56 masked %eq3A_316 : memref<208x64xf32, #tpu.memory_space<vmem>>[vector<16xi32>, vector<16xi32>], vector<16xf32>, vector<16xi1>
          %broadcast_in_dim3A_602 = arith.constant 0 : i32
          %broadcast_in_dim3A_603 = vector.broadcast %broadcast_in_dim3A_602 : i32 to vector<16xi32>
          %add3A_604 = arith.constant 54 : i32
          %add3A_605 = vector.broadcast %add3A_604 : i32 to vector<16xi32>
          %add3A_606 = arith.addi %broadcast_in_dim3A_603, %add3A_605 : vector<16xi32>
          tpu.vector_store_idx %arg7[%add3A_331, %add3A_606], %broadcast_in_dim3A_56 masked %eq3A_316 : memref<208x64xf32, #tpu.memory_space<vmem>>[vector<16xi32>, vector<16xi32>], vector<16xf32>, vector<16xi1>
          %broadcast_in_dim3A_607 = arith.constant 0 : i32
          %broadcast_in_dim3A_608 = vector.broadcast %broadcast_in_dim3A_607 : i32 to vector<16xi32>
          %add3A_609 = arith.constant 55 : i32
          %add3A_610 = vector.broadcast %add3A_609 : i32 to vector<16xi32>
          %add3A_611 = arith.addi %broadcast_in_dim3A_608, %add3A_610 : vector<16xi32>
          tpu.vector_store_idx %arg7[%add3A_331, %add3A_611], %broadcast_in_dim3A_56 masked %eq3A_316 : memref<208x64xf32, #tpu.memory_space<vmem>>[vector<16xi32>, vector<16xi32>], vector<16xf32>, vector<16xi1>
          %broadcast_in_dim3A_612 = arith.constant 0 : i32
          %broadcast_in_dim3A_613 = vector.broadcast %broadcast_in_dim3A_612 : i32 to vector<16xi32>
          %add3A_614 = arith.constant 56 : i32
          %add3A_615 = vector.broadcast %add3A_614 : i32 to vector<16xi32>
          %add3A_616 = arith.addi %broadcast_in_dim3A_613, %add3A_615 : vector<16xi32>
          tpu.vector_store_idx %arg7[%add3A_331, %add3A_616], %broadcast_in_dim3A_56 masked %eq3A_316 : memref<208x64xf32, #tpu.memory_space<vmem>>[vector<16xi32>, vector<16xi32>], vector<16xf32>, vector<16xi1>
          %broadcast_in_dim3A_617 = arith.constant 0 : i32
          %broadcast_in_dim3A_618 = vector.broadcast %broadcast_in_dim3A_617 : i32 to vector<16xi32>
          %add3A_619 = arith.constant 57 : i32
          %add3A_620 = vector.broadcast %add3A_619 : i32 to vector<16xi32>
          %add3A_621 = arith.addi %broadcast_in_dim3A_618, %add3A_620 : vector<16xi32>
          tpu.vector_store_idx %arg7[%add3A_331, %add3A_621], %broadcast_in_dim3A_56 masked %eq3A_316 : memref<208x64xf32, #tpu.memory_space<vmem>>[vector<16xi32>, vector<16xi32>], vector<16xf32>, vector<16xi1>
          %broadcast_in_dim3A_622 = arith.constant 0 : i32
          %broadcast_in_dim3A_623 = vector.broadcast %broadcast_in_dim3A_622 : i32 to vector<16xi32>
          %add3A_624 = arith.constant 58 : i32
          %add3A_625 = vector.broadcast %add3A_624 : i32 to vector<16xi32>
          %add3A_626 = arith.addi %broadcast_in_dim3A_623, %add3A_625 : vector<16xi32>
          tpu.vector_store_idx %arg7[%add3A_331, %add3A_626], %broadcast_in_dim3A_56 masked %eq3A_316 : memref<208x64xf32, #tpu.memory_space<vmem>>[vector<16xi32>, vector<16xi32>], vector<16xf32>, vector<16xi1>
          %broadcast_in_dim3A_627 = arith.constant 0 : i32
          %broadcast_in_dim3A_628 = vector.broadcast %broadcast_in_dim3A_627 : i32 to vector<16xi32>
          %add3A_629 = arith.constant 59 : i32
          %add3A_630 = vector.broadcast %add3A_629 : i32 to vector<16xi32>
          %add3A_631 = arith.addi %broadcast_in_dim3A_628, %add3A_630 : vector<16xi32>
          tpu.vector_store_idx %arg7[%add3A_331, %add3A_631], %broadcast_in_dim3A_56 masked %eq3A_316 : memref<208x64xf32, #tpu.memory_space<vmem>>[vector<16xi32>, vector<16xi32>], vector<16xf32>, vector<16xi1>
          %broadcast_in_dim3A_632 = arith.constant 0 : i32
          %broadcast_in_dim3A_633 = vector.broadcast %broadcast_in_dim3A_632 : i32 to vector<16xi32>
          %add3A_634 = arith.constant 60 : i32
          %add3A_635 = vector.broadcast %add3A_634 : i32 to vector<16xi32>
          %add3A_636 = arith.addi %broadcast_in_dim3A_633, %add3A_635 : vector<16xi32>
          tpu.vector_store_idx %arg7[%add3A_331, %add3A_636], %broadcast_in_dim3A_56 masked %eq3A_316 : memref<208x64xf32, #tpu.memory_space<vmem>>[vector<16xi32>, vector<16xi32>], vector<16xf32>, vector<16xi1>
          %broadcast_in_dim3A_637 = arith.constant 0 : i32
          %broadcast_in_dim3A_638 = vector.broadcast %broadcast_in_dim3A_637 : i32 to vector<16xi32>
          %add3A_639 = arith.constant 61 : i32
          %add3A_640 = vector.broadcast %add3A_639 : i32 to vector<16xi32>
          %add3A_641 = arith.addi %broadcast_in_dim3A_638, %add3A_640 : vector<16xi32>
          tpu.vector_store_idx %arg7[%add3A_331, %add3A_641], %broadcast_in_dim3A_56 masked %eq3A_316 : memref<208x64xf32, #tpu.memory_space<vmem>>[vector<16xi32>, vector<16xi32>], vector<16xf32>, vector<16xi1>
          %broadcast_in_dim3A_642 = arith.constant 0 : i32
          %broadcast_in_dim3A_643 = vector.broadcast %broadcast_in_dim3A_642 : i32 to vector<16xi32>
          %add3A_644 = arith.constant 62 : i32
          %add3A_645 = vector.broadcast %add3A_644 : i32 to vector<16xi32>
          %add3A_646 = arith.addi %broadcast_in_dim3A_643, %add3A_645 : vector<16xi32>
          tpu.vector_store_idx %arg7[%add3A_331, %add3A_646], %broadcast_in_dim3A_56 masked %eq3A_316 : memref<208x64xf32, #tpu.memory_space<vmem>>[vector<16xi32>, vector<16xi32>], vector<16xf32>, vector<16xi1>
          %broadcast_in_dim3A_647 = arith.constant 0 : i32
          %broadcast_in_dim3A_648 = vector.broadcast %broadcast_in_dim3A_647 : i32 to vector<16xi32>
          %add3A_649 = arith.constant 63 : i32
          %add3A_650 = vector.broadcast %add3A_649 : i32 to vector<16xi32>
          %add3A_651 = arith.addi %broadcast_in_dim3A_648, %add3A_650 : vector<16xi32>
          tpu.vector_store_idx %arg7[%add3A_331, %add3A_651], %broadcast_in_dim3A_56 masked %eq3A_316 : memref<208x64xf32, #tpu.memory_space<vmem>>[vector<16xi32>, vector<16xi32>], vector<16xf32>, vector<16xi1>
        } else {
        }
      }
      %scan3A_212 = arith.constant 13 : i32
      %parallel_loop3A = arith.constant 0 : i32
      %parallel_loop3A_213 = arith.constant 200 : i32
      %parallel_loop3A_214 = arith.constant 4 : i32
      scf.for %parallel_loop3A_308 = %parallel_loop3A to %parallel_loop3A_213 step %parallel_loop3A_214  : i32 {
        %parallel_loop3A_309 = arith.constant 0 : i32
        %parallel_loop3A_310 = arith.addi %parallel_loop3A_308, %parallel_loop3A_309 : i32
        %parallel_loop3A_311 = arith.index_cast %parallel_loop3A_310 : i32 to index
        %parallel_loop3A_312 = arith.constant 0 : index
        %parallel_loop3A_313 = tpu.vector_load %arg7[%parallel_loop3A_311, %parallel_loop3A_312] {strides = array<i32>} : memref<208x64xf32, #tpu.memory_space<vmem>>, vector<16xf32>,
        %parallel_loop3A_314 = arith.constant 0 : i32
        %parallel_loop3A_315 = arith.addi %parallel_loop3A_308, %parallel_loop3A_314 : i32
        %parallel_loop3A_316 = arith.index_cast %parallel_loop3A_315 : i32 to index
        %parallel_loop3A_317 = arith.constant 0 : index
        %parallel_loop3A_318 = tpu.vector_load %arg9[%parallel_loop3A_316, %parallel_loop3A_317] {strides = array<i32>} : memref<200x64xf32, #tpu.memory_space<vmem>>, vector<16xf32>,
        %parallel_loop3A_319 = arith.addf %parallel_loop3A_313, %parallel_loop3A_318 : vector<16xf32>
        %parallel_loop3A_320 = arith.constant 0 : i32
        %parallel_loop3A_321 = arith.addi %parallel_loop3A_308, %parallel_loop3A_320 : i32
        %parallel_loop3A_322 = arith.index_cast %parallel_loop3A_321 : i32 to index
        %parallel_loop3A_323 = arith.constant 0 : index
        %parallel_loop3A_324 = tpu.vector_load %arg7[%parallel_loop3A_322, %parallel_loop3A_323] {strides = array<i32>} : memref<208x64xf32, #tpu.memory_space<vmem>>, vector<16xf32>,
        tpu.vector_store %arg7[%parallel_loop3A_322, %parallel_loop3A_323], %parallel_loop3A_319 {strides = array<i32>} : memref<208x64xf32, #tpu.memory_space<vmem>>, vector<16xf32>,
        %parallel_loop3A_325 = arith.constant 0 : i32
        %parallel_loop3A_326 = arith.addi %parallel_loop3A_308, %parallel_loop3A_325 : i32
        %parallel_loop3A_327 = arith.index_cast %parallel_loop3A_326 : i32 to index
        %parallel_loop3A_328 = arith.constant 16 : index
        %parallel_loop3A_329 = tpu.vector_load %arg7[%parallel_loop3A_327, %parallel_loop3A_328] {strides = array<i32>} : memref<208x64xf32, #tpu.memory_space<vmem>>, vector<16xf32>,
        %parallel_loop3A_330 = arith.constant 0 : i32
        %parallel_loop3A_331 = arith.addi %parallel_loop3A_308, %parallel_loop3A_330 : i32
        %parallel_loop3A_332 = arith.index_cast %parallel_loop3A_331 : i32 to index
        %parallel_loop3A_333 = arith.constant 16 : index
        %parallel_loop3A_334 = tpu.vector_load %arg9[%parallel_loop3A_332, %parallel_loop3A_333] {strides = array<i32>} : memref<200x64xf32, #tpu.memory_space<vmem>>, vector<16xf32>,
        %parallel_loop3A_335 = arith.addf %parallel_loop3A_329, %parallel_loop3A_334 : vector<16xf32>
        %parallel_loop3A_336 = arith.constant 0 : i32
        %parallel_loop3A_337 = arith.addi %parallel_loop3A_308, %parallel_loop3A_336 : i32
        %parallel_loop3A_338 = arith.index_cast %parallel_loop3A_337 : i32 to index
        %parallel_loop3A_339 = arith.constant 16 : index
        %parallel_loop3A_340 = tpu.vector_load %arg7[%parallel_loop3A_338, %parallel_loop3A_339] {strides = array<i32>} : memref<208x64xf32, #tpu.memory_space<vmem>>, vector<16xf32>,
        tpu.vector_store %arg7[%parallel_loop3A_338, %parallel_loop3A_339], %parallel_loop3A_335 {strides = array<i32>} : memref<208x64xf32, #tpu.memory_space<vmem>>, vector<16xf32>,
        %parallel_loop3A_341 = arith.constant 0 : i32
        %parallel_loop3A_342 = arith.addi %parallel_loop3A_308, %parallel_loop3A_341 : i32
        %parallel_loop3A_343 = arith.index_cast %parallel_loop3A_342 : i32 to index
        %parallel_loop3A_344 = arith.constant 32 : index
        %parallel_loop3A_345 = tpu.vector_load %arg7[%parallel_loop3A_343, %parallel_loop3A_344] {strides = array<i32>} : memref<208x64xf32, #tpu.memory_space<vmem>>, vector<16xf32>,
        %parallel_loop3A_346 = arith.constant 0 : i32
        %parallel_loop3A_347 = arith.addi %parallel_loop3A_308, %parallel_loop3A_346 : i32
        %parallel_loop3A_348 = arith.index_cast %parallel_loop3A_347 : i32 to index
        %parallel_loop3A_349 = arith.constant 32 : index
        %parallel_loop3A_350 = tpu.vector_load %arg9[%parallel_loop3A_348, %parallel_loop3A_349] {strides = array<i32>} : memref<200x64xf32, #tpu.memory_space<vmem>>, vector<16xf32>,
        %parallel_loop3A_351 = arith.addf %parallel_loop3A_345, %parallel_loop3A_350 : vector<16xf32>
        %parallel_loop3A_352 = arith.constant 0 : i32
        %parallel_loop3A_353 = arith.addi %parallel_loop3A_308, %parallel_loop3A_352 : i32
        %parallel_loop3A_354 = arith.index_cast %parallel_loop3A_353 : i32 to index
        %parallel_loop3A_355 = arith.constant 32 : index
        %parallel_loop3A_356 = tpu.vector_load %arg7[%parallel_loop3A_354, %parallel_loop3A_355] {strides = array<i32>} : memref<208x64xf32, #tpu.memory_space<vmem>>, vector<16xf32>,
        tpu.vector_store %arg7[%parallel_loop3A_354, %parallel_loop3A_355], %parallel_loop3A_351 {strides = array<i32>} : memref<208x64xf32, #tpu.memory_space<vmem>>, vector<16xf32>,
        %parallel_loop3A_357 = arith.constant 0 : i32
        %parallel_loop3A_358 = arith.addi %parallel_loop3A_308, %parallel_loop3A_357 : i32
        %parallel_loop3A_359 = arith.index_cast %parallel_loop3A_358 : i32 to index
        %parallel_loop3A_360 = arith.constant 48 : index
        %parallel_loop3A_361 = tpu.vector_load %arg7[%parallel_loop3A_359, %parallel_loop3A_360] {strides = array<i32>} : memref<208x64xf32, #tpu.memory_space<vmem>>, vector<16xf32>,
        %parallel_loop3A_362 = arith.constant 0 : i32
        %parallel_loop3A_363 = arith.addi %parallel_loop3A_308, %parallel_loop3A_362 : i32
        %parallel_loop3A_364 = arith.index_cast %parallel_loop3A_363 : i32 to index
        %parallel_loop3A_365 = arith.constant 48 : index
        %parallel_loop3A_366 = tpu.vector_load %arg9[%parallel_loop3A_364, %parallel_loop3A_365] {strides = array<i32>} : memref<200x64xf32, #tpu.memory_space<vmem>>, vector<16xf32>,
        %parallel_loop3A_367 = arith.addf %parallel_loop3A_361, %parallel_loop3A_366 : vector<16xf32>
        %parallel_loop3A_368 = arith.constant 0 : i32
        %parallel_loop3A_369 = arith.addi %parallel_loop3A_308, %parallel_loop3A_368 : i32
        %parallel_loop3A_370 = arith.index_cast %parallel_loop3A_369 : i32 to index
        %parallel_loop3A_371 = arith.constant 48 : index
        %parallel_loop3A_372 = tpu.vector_load %arg7[%parallel_loop3A_370, %parallel_loop3A_371] {strides = array<i32>} : memref<208x64xf32, #tpu.memory_space<vmem>>, vector<16xf32>,
        tpu.vector_store %arg7[%parallel_loop3A_370, %parallel_loop3A_371], %parallel_loop3A_367 {strides = array<i32>} : memref<208x64xf32, #tpu.memory_space<vmem>>, vector<16xf32>,
        %parallel_loop3A_373 = arith.constant 1 : i32
        %parallel_loop3A_374 = arith.addi %parallel_loop3A_308, %parallel_loop3A_373 : i32
        %parallel_loop3A_375 = arith.index_cast %parallel_loop3A_374 : i32 to index
        %parallel_loop3A_376 = arith.constant 0 : index
        %parallel_loop3A_377 = tpu.vector_load %arg7[%parallel_loop3A_375, %parallel_loop3A_376] {strides = array<i32>} : memref<208x64xf32, #tpu.memory_space<vmem>>, vector<16xf32>,
        %parallel_loop3A_378 = arith.constant 1 : i32
        %parallel_loop3A_379 = arith.addi %parallel_loop3A_308, %parallel_loop3A_378 : i32
        %parallel_loop3A_380 = arith.index_cast %parallel_loop3A_379 : i32 to index
        %parallel_loop3A_381 = arith.constant 0 : index
        %parallel_loop3A_382 = tpu.vector_load %arg9[%parallel_loop3A_380, %parallel_loop3A_381] {strides = array<i32>} : memref<200x64xf32, #tpu.memory_space<vmem>>, vector<16xf32>,
        %parallel_loop3A_383 = arith.addf %parallel_loop3A_377, %parallel_loop3A_382 : vector<16xf32>
        %parallel_loop3A_384 = arith.constant 1 : i32
        %parallel_loop3A_385 = arith.addi %parallel_loop3A_308, %parallel_loop3A_384 : i32
        %parallel_loop3A_386 = arith.index_cast %parallel_loop3A_385 : i32 to index
        %parallel_loop3A_387 = arith.constant 0 : index
        %parallel_loop3A_388 = tpu.vector_load %arg7[%parallel_loop3A_386, %parallel_loop3A_387] {strides = array<i32>} : memref<208x64xf32, #tpu.memory_space<vmem>>, vector<16xf32>,
        tpu.vector_store %arg7[%parallel_loop3A_386, %parallel_loop3A_387], %parallel_loop3A_383 {strides = array<i32>} : memref<208x64xf32, #tpu.memory_space<vmem>>, vector<16xf32>,
        %parallel_loop3A_389 = arith.constant 1 : i32
        %parallel_loop3A_390 = arith.addi %parallel_loop3A_308, %parallel_loop3A_389 : i32
        %parallel_loop3A_391 = arith.index_cast %parallel_loop3A_390 : i32 to index
        %parallel_loop3A_392 = arith.constant 16 : index
        %parallel_loop3A_393 = tpu.vector_load %arg7[%parallel_loop3A_391, %parallel_loop3A_392] {strides = array<i32>} : memref<208x64xf32, #tpu.memory_space<vmem>>, vector<16xf32>,
        %parallel_loop3A_394 = arith.constant 1 : i32
        %parallel_loop3A_395 = arith.addi %parallel_loop3A_308, %parallel_loop3A_394 : i32
        %parallel_loop3A_396 = arith.index_cast %parallel_loop3A_395 : i32 to index
        %parallel_loop3A_397 = arith.constant 16 : index
        %parallel_loop3A_398 = tpu.vector_load %arg9[%parallel_loop3A_396, %parallel_loop3A_397] {strides = array<i32>} : memref<200x64xf32, #tpu.memory_space<vmem>>, vector<16xf32>,
        %parallel_loop3A_399 = arith.addf %parallel_loop3A_393, %parallel_loop3A_398 : vector<16xf32>
        %parallel_loop3A_400 = arith.constant 1 : i32
        %parallel_loop3A_401 = arith.addi %parallel_loop3A_308, %parallel_loop3A_400 : i32
        %parallel_loop3A_402 = arith.index_cast %parallel_loop3A_401 : i32 to index
        %parallel_loop3A_403 = arith.constant 16 : index
        %parallel_loop3A_404 = tpu.vector_load %arg7[%parallel_loop3A_402, %parallel_loop3A_403] {strides = array<i32>} : memref<208x64xf32, #tpu.memory_space<vmem>>, vector<16xf32>,
        tpu.vector_store %arg7[%parallel_loop3A_402, %parallel_loop3A_403], %parallel_loop3A_399 {strides = array<i32>} : memref<208x64xf32, #tpu.memory_space<vmem>>, vector<16xf32>,
        %parallel_loop3A_405 = arith.constant 1 : i32
        %parallel_loop3A_406 = arith.addi %parallel_loop3A_308, %parallel_loop3A_405 : i32
        %parallel_loop3A_407 = arith.index_cast %parallel_loop3A_406 : i32 to index
        %parallel_loop3A_408 = arith.constant 32 : index
        %parallel_loop3A_409 = tpu.vector_load %arg7[%parallel_loop3A_407, %parallel_loop3A_408] {strides = array<i32>} : memref<208x64xf32, #tpu.memory_space<vmem>>, vector<16xf32>,
        %parallel_loop3A_410 = arith.constant 1 : i32
        %parallel_loop3A_411 = arith.addi %parallel_loop3A_308, %parallel_loop3A_410 : i32
        %parallel_loop3A_412 = arith.index_cast %parallel_loop3A_411 : i32 to index
        %parallel_loop3A_413 = arith.constant 32 : index
        %parallel_loop3A_414 = tpu.vector_load %arg9[%parallel_loop3A_412, %parallel_loop3A_413] {strides = array<i32>} : memref<200x64xf32, #tpu.memory_space<vmem>>, vector<16xf32>,
        %parallel_loop3A_415 = arith.addf %parallel_loop3A_409, %parallel_loop3A_414 : vector<16xf32>
        %parallel_loop3A_416 = arith.constant 1 : i32
        %parallel_loop3A_417 = arith.addi %parallel_loop3A_308, %parallel_loop3A_416 : i32
        %parallel_loop3A_418 = arith.index_cast %parallel_loop3A_417 : i32 to index
        %parallel_loop3A_419 = arith.constant 32 : index
        %parallel_loop3A_420 = tpu.vector_load %arg7[%parallel_loop3A_418, %parallel_loop3A_419] {strides = array<i32>} : memref<208x64xf32, #tpu.memory_space<vmem>>, vector<16xf32>,
        tpu.vector_store %arg7[%parallel_loop3A_418, %parallel_loop3A_419], %parallel_loop3A_415 {strides = array<i32>} : memref<208x64xf32, #tpu.memory_space<vmem>>, vector<16xf32>,
        %parallel_loop3A_421 = arith.constant 1 : i32
        %parallel_loop3A_422 = arith.addi %parallel_loop3A_308, %parallel_loop3A_421 : i32
        %parallel_loop3A_423 = arith.index_cast %parallel_loop3A_422 : i32 to index
        %parallel_loop3A_424 = arith.constant 48 : index
        %parallel_loop3A_425 = tpu.vector_load %arg7[%parallel_loop3A_423, %parallel_loop3A_424] {strides = array<i32>} : memref<208x64xf32, #tpu.memory_space<vmem>>, vector<16xf32>,
        %parallel_loop3A_426 = arith.constant 1 : i32
        %parallel_loop3A_427 = arith.addi %parallel_loop3A_308, %parallel_loop3A_426 : i32
        %parallel_loop3A_428 = arith.index_cast %parallel_loop3A_427 : i32 to index
        %parallel_loop3A_429 = arith.constant 48 : index
        %parallel_loop3A_430 = tpu.vector_load %arg9[%parallel_loop3A_428, %parallel_loop3A_429] {strides = array<i32>} : memref<200x64xf32, #tpu.memory_space<vmem>>, vector<16xf32>,
        %parallel_loop3A_431 = arith.addf %parallel_loop3A_425, %parallel_loop3A_430 : vector<16xf32>
        %parallel_loop3A_432 = arith.constant 1 : i32
        %parallel_loop3A_433 = arith.addi %parallel_loop3A_308, %parallel_loop3A_432 : i32
        %parallel_loop3A_434 = arith.index_cast %parallel_loop3A_433 : i32 to index
        %parallel_loop3A_435 = arith.constant 48 : index
        %parallel_loop3A_436 = tpu.vector_load %arg7[%parallel_loop3A_434, %parallel_loop3A_435] {strides = array<i32>} : memref<208x64xf32, #tpu.memory_space<vmem>>, vector<16xf32>,
        tpu.vector_store %arg7[%parallel_loop3A_434, %parallel_loop3A_435], %parallel_loop3A_431 {strides = array<i32>} : memref<208x64xf32, #tpu.memory_space<vmem>>, vector<16xf32>,
        %parallel_loop3A_437 = arith.constant 2 : i32
        %parallel_loop3A_438 = arith.addi %parallel_loop3A_308, %parallel_loop3A_437 : i32
        %parallel_loop3A_439 = arith.index_cast %parallel_loop3A_438 : i32 to index
        %parallel_loop3A_440 = arith.constant 0 : index
        %parallel_loop3A_441 = tpu.vector_load %arg7[%parallel_loop3A_439, %parallel_loop3A_440] {strides = array<i32>} : memref<208x64xf32, #tpu.memory_space<vmem>>, vector<16xf32>,
        %parallel_loop3A_442 = arith.constant 2 : i32
        %parallel_loop3A_443 = arith.addi %parallel_loop3A_308, %parallel_loop3A_442 : i32
        %parallel_loop3A_444 = arith.index_cast %parallel_loop3A_443 : i32 to index
        %parallel_loop3A_445 = arith.constant 0 : index
        %parallel_loop3A_446 = tpu.vector_load %arg9[%parallel_loop3A_444, %parallel_loop3A_445] {strides = array<i32>} : memref<200x64xf32, #tpu.memory_space<vmem>>, vector<16xf32>,
        %parallel_loop3A_447 = arith.addf %parallel_loop3A_441, %parallel_loop3A_446 : vector<16xf32>
        %parallel_loop3A_448 = arith.constant 2 : i32
        %parallel_loop3A_449 = arith.addi %parallel_loop3A_308, %parallel_loop3A_448 : i32
        %parallel_loop3A_450 = arith.index_cast %parallel_loop3A_449 : i32 to index
        %parallel_loop3A_451 = arith.constant 0 : index
        %parallel_loop3A_452 = tpu.vector_load %arg7[%parallel_loop3A_450, %parallel_loop3A_451] {strides = array<i32>} : memref<208x64xf32, #tpu.memory_space<vmem>>, vector<16xf32>,
        tpu.vector_store %arg7[%parallel_loop3A_450, %parallel_loop3A_451], %parallel_loop3A_447 {strides = array<i32>} : memref<208x64xf32, #tpu.memory_space<vmem>>, vector<16xf32>,
        %parallel_loop3A_453 = arith.constant 2 : i32
        %parallel_loop3A_454 = arith.addi %parallel_loop3A_308, %parallel_loop3A_453 : i32
        %parallel_loop3A_455 = arith.index_cast %parallel_loop3A_454 : i32 to index
        %parallel_loop3A_456 = arith.constant 16 : index
        %parallel_loop3A_457 = tpu.vector_load %arg7[%parallel_loop3A_455, %parallel_loop3A_456] {strides = array<i32>} : memref<208x64xf32, #tpu.memory_space<vmem>>, vector<16xf32>,
        %parallel_loop3A_458 = arith.constant 2 : i32
        %parallel_loop3A_459 = arith.addi %parallel_loop3A_308, %parallel_loop3A_458 : i32
        %parallel_loop3A_460 = arith.index_cast %parallel_loop3A_459 : i32 to index
        %parallel_loop3A_461 = arith.constant 16 : index
        %parallel_loop3A_462 = tpu.vector_load %arg9[%parallel_loop3A_460, %parallel_loop3A_461] {strides = array<i32>} : memref<200x64xf32, #tpu.memory_space<vmem>>, vector<16xf32>,
        %parallel_loop3A_463 = arith.addf %parallel_loop3A_457, %parallel_loop3A_462 : vector<16xf32>
        %parallel_loop3A_464 = arith.constant 2 : i32
        %parallel_loop3A_465 = arith.addi %parallel_loop3A_308, %parallel_loop3A_464 : i32
        %parallel_loop3A_466 = arith.index_cast %parallel_loop3A_465 : i32 to index
        %parallel_loop3A_467 = arith.constant 16 : index
        %parallel_loop3A_468 = tpu.vector_load %arg7[%parallel_loop3A_466, %parallel_loop3A_467] {strides = array<i32>} : memref<208x64xf32, #tpu.memory_space<vmem>>, vector<16xf32>,
        tpu.vector_store %arg7[%parallel_loop3A_466, %parallel_loop3A_467], %parallel_loop3A_463 {strides = array<i32>} : memref<208x64xf32, #tpu.memory_space<vmem>>, vector<16xf32>,
        %parallel_loop3A_469 = arith.constant 2 : i32
        %parallel_loop3A_470 = arith.addi %parallel_loop3A_308, %parallel_loop3A_469 : i32
        %parallel_loop3A_471 = arith.index_cast %parallel_loop3A_470 : i32 to index
        %parallel_loop3A_472 = arith.constant 32 : index
        %parallel_loop3A_473 = tpu.vector_load %arg7[%parallel_loop3A_471, %parallel_loop3A_472] {strides = array<i32>} : memref<208x64xf32, #tpu.memory_space<vmem>>, vector<16xf32>,
        %parallel_loop3A_474 = arith.constant 2 : i32
        %parallel_loop3A_475 = arith.addi %parallel_loop3A_308, %parallel_loop3A_474 : i32
        %parallel_loop3A_476 = arith.index_cast %parallel_loop3A_475 : i32 to index
        %parallel_loop3A_477 = arith.constant 32 : index
        %parallel_loop3A_478 = tpu.vector_load %arg9[%parallel_loop3A_476, %parallel_loop3A_477] {strides = array<i32>} : memref<200x64xf32, #tpu.memory_space<vmem>>, vector<16xf32>,
        %parallel_loop3A_479 = arith.addf %parallel_loop3A_473, %parallel_loop3A_478 : vector<16xf32>
        %parallel_loop3A_480 = arith.constant 2 : i32
        %parallel_loop3A_481 = arith.addi %parallel_loop3A_308, %parallel_loop3A_480 : i32
        %parallel_loop3A_482 = arith.index_cast %parallel_loop3A_481 : i32 to index
        %parallel_loop3A_483 = arith.constant 32 : index
        %parallel_loop3A_484 = tpu.vector_load %arg7[%parallel_loop3A_482, %parallel_loop3A_483] {strides = array<i32>} : memref<208x64xf32, #tpu.memory_space<vmem>>, vector<16xf32>,
        tpu.vector_store %arg7[%parallel_loop3A_482, %parallel_loop3A_483], %parallel_loop3A_479 {strides = array<i32>} : memref<208x64xf32, #tpu.memory_space<vmem>>, vector<16xf32>,
        %parallel_loop3A_485 = arith.constant 2 : i32
        %parallel_loop3A_486 = arith.addi %parallel_loop3A_308, %parallel_loop3A_485 : i32
        %parallel_loop3A_487 = arith.index_cast %parallel_loop3A_486 : i32 to index
        %parallel_loop3A_488 = arith.constant 48 : index
        %parallel_loop3A_489 = tpu.vector_load %arg7[%parallel_loop3A_487, %parallel_loop3A_488] {strides = array<i32>} : memref<208x64xf32, #tpu.memory_space<vmem>>, vector<16xf32>,
        %parallel_loop3A_490 = arith.constant 2 : i32
        %parallel_loop3A_491 = arith.addi %parallel_loop3A_308, %parallel_loop3A_490 : i32
        %parallel_loop3A_492 = arith.index_cast %parallel_loop3A_491 : i32 to index
        %parallel_loop3A_493 = arith.constant 48 : index
        %parallel_loop3A_494 = tpu.vector_load %arg9[%parallel_loop3A_492, %parallel_loop3A_493] {strides = array<i32>} : memref<200x64xf32, #tpu.memory_space<vmem>>, vector<16xf32>,
        %parallel_loop3A_495 = arith.addf %parallel_loop3A_489, %parallel_loop3A_494 : vector<16xf32>
        %parallel_loop3A_496 = arith.constant 2 : i32
        %parallel_loop3A_497 = arith.addi %parallel_loop3A_308, %parallel_loop3A_496 : i32
        %parallel_loop3A_498 = arith.index_cast %parallel_loop3A_497 : i32 to index
        %parallel_loop3A_499 = arith.constant 48 : index
        %parallel_loop3A_500 = tpu.vector_load %arg7[%parallel_loop3A_498, %parallel_loop3A_499] {strides = array<i32>} : memref<208x64xf32, #tpu.memory_space<vmem>>, vector<16xf32>,
        tpu.vector_store %arg7[%parallel_loop3A_498, %parallel_loop3A_499], %parallel_loop3A_495 {strides = array<i32>} : memref<208x64xf32, #tpu.memory_space<vmem>>, vector<16xf32>,
        %parallel_loop3A_501 = arith.constant 3 : i32
        %parallel_loop3A_502 = arith.addi %parallel_loop3A_308, %parallel_loop3A_501 : i32
        %parallel_loop3A_503 = arith.index_cast %parallel_loop3A_502 : i32 to index
        %parallel_loop3A_504 = arith.constant 0 : index
        %parallel_loop3A_505 = tpu.vector_load %arg7[%parallel_loop3A_503, %parallel_loop3A_504] {strides = array<i32>} : memref<208x64xf32, #tpu.memory_space<vmem>>, vector<16xf32>,
        %parallel_loop3A_506 = arith.constant 3 : i32
        %parallel_loop3A_507 = arith.addi %parallel_loop3A_308, %parallel_loop3A_506 : i32
        %parallel_loop3A_508 = arith.index_cast %parallel_loop3A_507 : i32 to index
        %parallel_loop3A_509 = arith.constant 0 : index
        %parallel_loop3A_510 = tpu.vector_load %arg9[%parallel_loop3A_508, %parallel_loop3A_509] {strides = array<i32>} : memref<200x64xf32, #tpu.memory_space<vmem>>, vector<16xf32>,
        %parallel_loop3A_511 = arith.addf %parallel_loop3A_505, %parallel_loop3A_510 : vector<16xf32>
        %parallel_loop3A_512 = arith.constant 3 : i32
        %parallel_loop3A_513 = arith.addi %parallel_loop3A_308, %parallel_loop3A_512 : i32
        %parallel_loop3A_514 = arith.index_cast %parallel_loop3A_513 : i32 to index
        %parallel_loop3A_515 = arith.constant 0 : index
        %parallel_loop3A_516 = tpu.vector_load %arg7[%parallel_loop3A_514, %parallel_loop3A_515] {strides = array<i32>} : memref<208x64xf32, #tpu.memory_space<vmem>>, vector<16xf32>,
        tpu.vector_store %arg7[%parallel_loop3A_514, %parallel_loop3A_515], %parallel_loop3A_511 {strides = array<i32>} : memref<208x64xf32, #tpu.memory_space<vmem>>, vector<16xf32>,
        %parallel_loop3A_517 = arith.constant 3 : i32
        %parallel_loop3A_518 = arith.addi %parallel_loop3A_308, %parallel_loop3A_517 : i32
        %parallel_loop3A_519 = arith.index_cast %parallel_loop3A_518 : i32 to index
        %parallel_loop3A_520 = arith.constant 16 : index
        %parallel_loop3A_521 = tpu.vector_load %arg7[%parallel_loop3A_519, %parallel_loop3A_520] {strides = array<i32>} : memref<208x64xf32, #tpu.memory_space<vmem>>, vector<16xf32>,
        %parallel_loop3A_522 = arith.constant 3 : i32
        %parallel_loop3A_523 = arith.addi %parallel_loop3A_308, %parallel_loop3A_522 : i32
        %parallel_loop3A_524 = arith.index_cast %parallel_loop3A_523 : i32 to index
        %parallel_loop3A_525 = arith.constant 16 : index
        %parallel_loop3A_526 = tpu.vector_load %arg9[%parallel_loop3A_524, %parallel_loop3A_525] {strides = array<i32>} : memref<200x64xf32, #tpu.memory_space<vmem>>, vector<16xf32>,
        %parallel_loop3A_527 = arith.addf %parallel_loop3A_521, %parallel_loop3A_526 : vector<16xf32>
        %parallel_loop3A_528 = arith.constant 3 : i32
        %parallel_loop3A_529 = arith.addi %parallel_loop3A_308, %parallel_loop3A_528 : i32
        %parallel_loop3A_530 = arith.index_cast %parallel_loop3A_529 : i32 to index
        %parallel_loop3A_531 = arith.constant 16 : index
        %parallel_loop3A_532 = tpu.vector_load %arg7[%parallel_loop3A_530, %parallel_loop3A_531] {strides = array<i32>} : memref<208x64xf32, #tpu.memory_space<vmem>>, vector<16xf32>,
        tpu.vector_store %arg7[%parallel_loop3A_530, %parallel_loop3A_531], %parallel_loop3A_527 {strides = array<i32>} : memref<208x64xf32, #tpu.memory_space<vmem>>, vector<16xf32>,
        %parallel_loop3A_533 = arith.constant 3 : i32
        %parallel_loop3A_534 = arith.addi %parallel_loop3A_308, %parallel_loop3A_533 : i32
        %parallel_loop3A_535 = arith.index_cast %parallel_loop3A_534 : i32 to index
        %parallel_loop3A_536 = arith.constant 32 : index
        %parallel_loop3A_537 = tpu.vector_load %arg7[%parallel_loop3A_535, %parallel_loop3A_536] {strides = array<i32>} : memref<208x64xf32, #tpu.memory_space<vmem>>, vector<16xf32>,
        %parallel_loop3A_538 = arith.constant 3 : i32
        %parallel_loop3A_539 = arith.addi %parallel_loop3A_308, %parallel_loop3A_538 : i32
        %parallel_loop3A_540 = arith.index_cast %parallel_loop3A_539 : i32 to index
        %parallel_loop3A_541 = arith.constant 32 : index
        %parallel_loop3A_542 = tpu.vector_load %arg9[%parallel_loop3A_540, %parallel_loop3A_541] {strides = array<i32>} : memref<200x64xf32, #tpu.memory_space<vmem>>, vector<16xf32>,
        %parallel_loop3A_543 = arith.addf %parallel_loop3A_537, %parallel_loop3A_542 : vector<16xf32>
        %parallel_loop3A_544 = arith.constant 3 : i32
        %parallel_loop3A_545 = arith.addi %parallel_loop3A_308, %parallel_loop3A_544 : i32
        %parallel_loop3A_546 = arith.index_cast %parallel_loop3A_545 : i32 to index
        %parallel_loop3A_547 = arith.constant 32 : index
        %parallel_loop3A_548 = tpu.vector_load %arg7[%parallel_loop3A_546, %parallel_loop3A_547] {strides = array<i32>} : memref<208x64xf32, #tpu.memory_space<vmem>>, vector<16xf32>,
        tpu.vector_store %arg7[%parallel_loop3A_546, %parallel_loop3A_547], %parallel_loop3A_543 {strides = array<i32>} : memref<208x64xf32, #tpu.memory_space<vmem>>, vector<16xf32>,
        %parallel_loop3A_549 = arith.constant 3 : i32
        %parallel_loop3A_550 = arith.addi %parallel_loop3A_308, %parallel_loop3A_549 : i32
        %parallel_loop3A_551 = arith.index_cast %parallel_loop3A_550 : i32 to index
        %parallel_loop3A_552 = arith.constant 48 : index
        %parallel_loop3A_553 = tpu.vector_load %arg7[%parallel_loop3A_551, %parallel_loop3A_552] {strides = array<i32>} : memref<208x64xf32, #tpu.memory_space<vmem>>, vector<16xf32>,
        %parallel_loop3A_554 = arith.constant 3 : i32
        %parallel_loop3A_555 = arith.addi %parallel_loop3A_308, %parallel_loop3A_554 : i32
        %parallel_loop3A_556 = arith.index_cast %parallel_loop3A_555 : i32 to index
        %parallel_loop3A_557 = arith.constant 48 : index
        %parallel_loop3A_558 = tpu.vector_load %arg9[%parallel_loop3A_556, %parallel_loop3A_557] {strides = array<i32>} : memref<200x64xf32, #tpu.memory_space<vmem>>, vector<16xf32>,
        %parallel_loop3A_559 = arith.addf %parallel_loop3A_553, %parallel_loop3A_558 : vector<16xf32>
        %parallel_loop3A_560 = arith.constant 3 : i32
        %parallel_loop3A_561 = arith.addi %parallel_loop3A_308, %parallel_loop3A_560 : i32
        %parallel_loop3A_562 = arith.index_cast %parallel_loop3A_561 : i32 to index
        %parallel_loop3A_563 = arith.constant 48 : index
        %parallel_loop3A_564 = tpu.vector_load %arg7[%parallel_loop3A_562, %parallel_loop3A_563] {strides = array<i32>} : memref<208x64xf32, #tpu.memory_space<vmem>>, vector<16xf32>,
        tpu.vector_store %arg7[%parallel_loop3A_562, %parallel_loop3A_563], %parallel_loop3A_559 {strides = array<i32>} : memref<208x64xf32, #tpu.memory_space<vmem>>, vector<16xf32>,
      } {sc.loop_unroll_factor = 2 : i64, sc.parallel_access}
      %add3A_215 = arith.addi %mul3A_2, %add3A_156 : i32
      %dma_start3A_216 = arith.constant 0 : i32
      %dma_start3A_217 = arith.constant 0 : i32
      %dma_start3A_218 = tpu.memref_slice %arg7[%dma_start3A_216, %dma_start3A_217] : memref<208x64xf32, #tpu.memory_space<vmem>> -> memref<200x64xf32, #tpu.memory_space<vmem>>
      %dma_start3A_219 = arith.constant 0 : i32
      %dma_start3A_220 = arith.constant 0 : i32
      %dma_start3A_221 = tpu.memref_slice %arg5[%add3A_215, %dma_start3A_219, %dma_start3A_220] : memref<1024x200x64xf32, #tpu.memory_space<hbm>> -> memref<1x200x64xf32, #tpu.memory_space<hbm>>
      %dma_start3A_222 = tpu.memref_squeeze %dma_start3A_221 : memref<1x200x64xf32, #tpu.memory_space<hbm>> -> memref<200x64xf32, #tpu.memory_space<hbm>>
      %dma_start3A_223 = arith.constant 0 : i32
      %dma_start3A_224 = arith.constant 0 : i32
      %dma_start3A_225 = tpu.memref_slice %arg5[%add3A_215, %dma_start3A_223, %dma_start3A_224] : memref<1024x200x64xf32, #tpu.memory_space<hbm>> -> memref<1x200x64xf32, #tpu.memory_space<hbm>>
      %dma_start3A_226 = tpu.memref_squeeze %dma_start3A_225 : memref<1x200x64xf32, #tpu.memory_space<hbm>> -> memref<200x64xf32, #tpu.memory_space<hbm>>
      %dma_start3A_227 = arith.constant 0 : i32
      %dma_start3A_228 = arith.constant 0 : i32
      %dma_start3A_229 = tpu.memref_slice %arg7[%dma_start3A_227, %dma_start3A_228] : memref<208x64xf32, #tpu.memory_space<vmem>> -> memref<200x64xf32, #tpu.memory_space<vmem>>
      tpu.enqueue_dma source(%dma_start3A_229 : memref<200x64xf32, #tpu.memory_space<vmem>>) target(%dma_start3A_226 : memref<200x64xf32, #tpu.memory_space<hbm>>) target_semaphore(%arg12 : memref<!tpu.dma_semaphore, #tpu.memory_space<semaphore_mem>>)
      %mul3A_230 = arith.constant 2 : i32
      %mul3A_231 = arith.muli %scan3A_152, %mul3A_230 : i32
      %add3A_232 = arith.constant 1 : i32
      %add3A_233 = arith.addi %mul3A_231, %add3A_232 : i32
      %dma_wait3A_234 = arith.constant 0 : i32
      %dma_wait3A_235 = arith.constant 0 : i32
      %dma_wait3A_236 = tpu.memref_slice %arg7[%dma_wait3A_234, %dma_wait3A_235] : memref<208x64xf32, #tpu.memory_space<vmem>> -> memref<200x64xf32, #tpu.memory_space<vmem>>
      %dma_wait3A_237 = arith.constant 0 : i32
      %dma_wait3A_238 = arith.constant 0 : i32
      %dma_wait3A_239 = tpu.memref_slice %arg5[%mul3A_2, %dma_wait3A_237, %dma_wait3A_238] : memref<1024x200x64xf32, #tpu.memory_space<hbm>> -> memref<1x200x64xf32, #tpu.memory_space<hbm>>
      %dma_wait3A_240 = tpu.memref_squeeze %dma_wait3A_239 : memref<1x200x64xf32, #tpu.memory_space<hbm>> -> memref<200x64xf32, #tpu.memory_space<hbm>>
      %dma_wait3A_241 = arith.constant 0 : i32
      %dma_wait3A_242 = arith.constant 0 : i32
      %dma_wait3A_243 = tpu.memref_slice %arg5[%mul3A_2, %dma_wait3A_241, %dma_wait3A_242] : memref<1024x200x64xf32, #tpu.memory_space<hbm>> -> memref<1x200x64xf32, #tpu.memory_space<hbm>>
      %dma_wait3A_244 = tpu.memref_squeeze %dma_wait3A_243 : memref<1x200x64xf32, #tpu.memory_space<hbm>> -> memref<200x64xf32, #tpu.memory_space<hbm>>
      %dma_wait3A_245 = arith.constant 0 : i32
      %dma_wait3A_246 = arith.constant 0 : i32
      %dma_wait3A_247 = tpu.memref_slice %arg7[%dma_wait3A_245, %dma_wait3A_246] : memref<208x64xf32, #tpu.memory_space<vmem>> -> memref<200x64xf32, #tpu.memory_space<vmem>>
      tpu.wait_dma2 semaphore(%arg12 : memref<!tpu.dma_semaphore, #tpu.memory_space<semaphore_mem>>) src(%dma_wait3A_247 : memref<200x64xf32, #tpu.memory_space<vmem>>) dst(%dma_wait3A_244 : memref<200x64xf32, #tpu.memory_space<hbm>>)
      %add3A_248 = arith.constant 1 : i32
      %add3A_249 = arith.addi %add3A_233, %add3A_248 : i32
      %mul3A_250 = arith.constant 200 : i32
      %mul3A_251 = arith.muli %add3A_249, %mul3A_250 : i32
      %dma_start3A_252 = arith.constant 0 : i32
      %dma_start3A_253 = arith.constant 0 : i32
      %dma_start3A_254 = tpu.memref_slice %arg7[%dma_start3A_252, %dma_start3A_253] : memref<208x64xf32, #tpu.memory_space<vmem>> -> memref<104x64xf32, #tpu.memory_space<vmem>>
      %dma_start3A_255 = tpu.memref_slice %arg6[%mul3A_251] : memref<6608xi32, #tpu.memory_space<vmem>> -> memref<104xi32, #tpu.memory_space<vmem>>
      %dma_start3A_256 = arith.constant 0 : i32
      %dma_start3A_257 = arith.constant 0 : i32
      %dma_start3A_258 = tpu.memref_slice %arg3[%dma_start3A_256, %dma_start3A_257] : memref<1000000x64xf32, #tpu.memory_space<hbm>> -> memref<1000000x64xf32, #tpu.memory_space<hbm>>
      tpu.enqueue_indirect_dma source(%dma_start3A_258 : memref<1000000x64xf32, #tpu.memory_space<hbm>>) target(%dma_start3A_254 : memref<104x64xf32, #tpu.memory_space<vmem>>) offsets(%dma_start3A_255 : memref<104xi32, #tpu.memory_space<vmem>>) semaphore(%arg10 : memref<!tpu.dma_semaphore, #tpu.memory_space<semaphore_mem>>)
      %add3A_259 = arith.constant 104 : i32
      %add3A_260 = arith.addi %mul3A_251, %add3A_259 : i32
      %dma_start3A_261 = arith.constant 104 : i32
      %dma_start3A_262 = arith.constant 0 : i32
      %dma_start3A_263 = tpu.memref_slice %arg7[%dma_start3A_261, %dma_start3A_262] : memref<208x64xf32, #tpu.memory_space<vmem>> -> memref<96x64xf32, #tpu.memory_space<vmem>>
      %dma_start3A_264 = tpu.memref_slice %arg6[%add3A_260] : memref<6608xi32, #tpu.memory_space<vmem>> -> memref<96xi32, #tpu.memory_space<vmem>>
      %dma_start3A_265 = arith.constant 0 : i32
      %dma_start3A_266 = arith.constant 0 : i32
      %dma_start3A_267 = tpu.memref_slice %arg3[%dma_start3A_265, %dma_start3A_266] : memref<1000000x64xf32, #tpu.memory_space<hbm>> -> memref<1000000x64xf32, #tpu.memory_space<hbm>>
      tpu.enqueue_indirect_dma source(%dma_start3A_267 : memref<1000000x64xf32, #tpu.memory_space<hbm>>) target(%dma_start3A_263 : memref<96x64xf32, #tpu.memory_space<vmem>>) offsets(%dma_start3A_264 : memref<96xi32, #tpu.memory_space<vmem>>) semaphore(%arg10 : memref<!tpu.dma_semaphore, #tpu.memory_space<semaphore_mem>>)
      %dma_wait3A_268 = arith.constant 0 : i32
      %dma_wait3A_269 = arith.constant 0 : i32
      %dma_wait3A_270 = tpu.memref_slice %arg8[%dma_wait3A_268, %dma_wait3A_269] : memref<208x64xf32, #tpu.memory_space<vmem>> -> memref<104x64xf32, #tpu.memory_space<vmem>>
      %dma_wait3A_271 = arith.constant 0 : i32
      %dma_wait3A_272 = tpu.memref_slice %arg6[%dma_wait3A_271] : memref<6608xi32, #tpu.memory_space<vmem>> -> memref<104xi32, #tpu.memory_space<vmem>>
      %dma_wait3A_273 = arith.constant 0 : i32
      %dma_wait3A_274 = arith.constant 0 : i32
      %dma_wait3A_275 = tpu.memref_slice %arg3[%dma_wait3A_273, %dma_wait3A_274] : memref<1000000x64xf32, #tpu.memory_space<hbm>> -> memref<1000000x64xf32, #tpu.memory_space<hbm>>
      tpu.wait_indirect_dma semaphore(%arg11 : memref<!tpu.dma_semaphore, #tpu.memory_space<semaphore_mem>>) src(%dma_wait3A_275 : memref<1000000x64xf32, #tpu.memory_space<hbm>>) dst(%dma_wait3A_270 : memref<104x64xf32, #tpu.memory_space<vmem>>)
      %dma_wait3A_276 = arith.constant 104 : i32
      %dma_wait3A_277 = arith.constant 0 : i32
      %dma_wait3A_278 = tpu.memref_slice %arg8[%dma_wait3A_276, %dma_wait3A_277] : memref<208x64xf32, #tpu.memory_space<vmem>> -> memref<96x64xf32, #tpu.memory_space<vmem>>
      %dma_wait3A_279 = arith.constant 0 : i32
      %dma_wait3A_280 = tpu.memref_slice %arg6[%dma_wait3A_279] : memref<6608xi32, #tpu.memory_space<vmem>> -> memref<96xi32, #tpu.memory_space<vmem>>
      %dma_wait3A_281 = arith.constant 0 : i32
      %dma_wait3A_282 = arith.constant 0 : i32
      %dma_wait3A_283 = tpu.memref_slice %arg3[%dma_wait3A_281, %dma_wait3A_282] : memref<1000000x64xf32, #tpu.memory_space<hbm>> -> memref<1000000x64xf32, #tpu.memory_space<hbm>>
      tpu.wait_indirect_dma semaphore(%arg11 : memref<!tpu.dma_semaphore, #tpu.memory_space<semaphore_mem>>) src(%dma_wait3A_283 : memref<1000000x64xf32, #tpu.memory_space<hbm>>) dst(%dma_wait3A_278 : memref<96x64xf32, #tpu.memory_space<vmem>>)
      %scan3A_284 = arith.constant 0 : i32
      %scan3A_285 = arith.constant 0 : i32
      %scan3A_286 = arith.constant 13 : i32
      %scan3A_287 = arith.addi %scan3A_285, %scan3A_286 : i32
      %scan3A_288 = arith.constant 1 : i32
      scf.for %scan3A_308 = %scan3A_285 to %scan3A_287 step %scan3A_288  : i32 {
        %mul3A_309 = arith.constant 200 : i32
        %mul3A_310 = arith.muli %add3A_233, %mul3A_309 : i32
        %mul3A_311 = arith.constant 16 : i32
        %mul3A_312 = arith.muli %scan3A_308, %mul3A_311 : i32
        %add3A_313 = arith.addi %mul3A_310, %mul3A_312 : i32
        %get3A = arith.index_cast %add3A_313 : i32 to index
        %get3A_314 = tpu.vector_load %arg6[%get3A] {strides = array<i32>} : memref<6608xi32, #tpu.memory_space<vmem>>, vector<16xi32>,
        %eq3A = arith.constant 1 : i32
        %eq3A_315 = vector.broadcast %eq3A : i32 to vector<16xi32>
        %eq3A_316 = arith.cmpi eq, %get3A_314, %eq3A_315 : vector<16xi32>
        %reduce_or3A = arith.constant 1.000000e+00 : f32
        %reduce_or3A_317 = arith.constant 0.000000e+00 : f32
        %reduce_or3A_318 = vector.broadcast %reduce_or3A : f32 to vector<16xf32>
        %reduce_or3A_319 = vector.broadcast %reduce_or3A_317 : f32 to vector<16xf32>
        %reduce_or3A_320 = arith.select %eq3A_316, %reduce_or3A_318, %reduce_or3A_319 : vector<16xi1>, vector<16xf32>
        %reduce_or3A_321 = arith.constant true
        %reduce_or3A_322 = vector.broadcast %reduce_or3A_321 : i1 to vector<16xi1>
        %reduce_or3A_323 = tpu.scan <max>, %reduce_or3A_320 masked %reduce_or3A_322 : vector<16xf32>, vector<16xi1> -> vector<16xf32>
        %reduce_or3A_324 = vector.extract %reduce_or3A_323[15] : f32 from vector<16xf32>
        %reduce_or3A_325 = arith.constant 0.000000e+00 : f32
        %reduce_or3A_326 = arith.cmpf ogt, %reduce_or3A_324, %reduce_or3A_325 : f32
        %convert_element_type3A = arith.extui %reduce_or3A_326 : i1 to i32
        %cond3A = arith.constant 0 : i32
        %cond3A_327 = arith.cmpi ne, %convert_element_type3A, %cond3A : i32
        scf.if %cond3A_327 {
          %mul3A_328 = arith.constant 16 : i32
          %mul3A_329 = arith.muli %scan3A_308, %mul3A_328 : i32
          %add3A_330 = vector.broadcast %mul3A_329 : i32 to vector<16xi32>
          %add3A_331 = arith.addi %add3A_330, %iota3A : vector<16xi32>
          %broadcast_in_dim3A_332 = arith.constant 0 : i32
          %broadcast_in_dim3A_333 = vector.broadcast %broadcast_in_dim3A_332 : i32 to vector<16xi32>
          %add3A_334 = arith.constant 0 : i32
          %add3A_335 = vector.broadcast %add3A_334 : i32 to vector<16xi32>
          %add3A_336 = arith.addi %broadcast_in_dim3A_333, %add3A_335 : vector<16xi32>
          tpu.vector_store_idx %arg8[%add3A_331, %add3A_336], %broadcast_in_dim3A_56 masked %eq3A_316 : memref<208x64xf32, #tpu.memory_space<vmem>>[vector<16xi32>, vector<16xi32>], vector<16xf32>, vector<16xi1>
          %broadcast_in_dim3A_337 = arith.constant 0 : i32
          %broadcast_in_dim3A_338 = vector.broadcast %broadcast_in_dim3A_337 : i32 to vector<16xi32>
          %add3A_339 = arith.constant 1 : i32
          %add3A_340 = vector.broadcast %add3A_339 : i32 to vector<16xi32>
          %add3A_341 = arith.addi %broadcast_in_dim3A_338, %add3A_340 : vector<16xi32>
          tpu.vector_store_idx %arg8[%add3A_331, %add3A_341], %broadcast_in_dim3A_56 masked %eq3A_316 : memref<208x64xf32, #tpu.memory_space<vmem>>[vector<16xi32>, vector<16xi32>], vector<16xf32>, vector<16xi1>
          %broadcast_in_dim3A_342 = arith.constant 0 : i32
          %broadcast_in_dim3A_343 = vector.broadcast %broadcast_in_dim3A_342 : i32 to vector<16xi32>
          %add3A_344 = arith.constant 2 : i32
          %add3A_345 = vector.broadcast %add3A_344 : i32 to vector<16xi32>
          %add3A_346 = arith.addi %broadcast_in_dim3A_343, %add3A_345 : vector<16xi32>
          tpu.vector_store_idx %arg8[%add3A_331, %add3A_346], %broadcast_in_dim3A_56 masked %eq3A_316 : memref<208x64xf32, #tpu.memory_space<vmem>>[vector<16xi32>, vector<16xi32>], vector<16xf32>, vector<16xi1>
          %broadcast_in_dim3A_347 = arith.constant 0 : i32
          %broadcast_in_dim3A_348 = vector.broadcast %broadcast_in_dim3A_347 : i32 to vector<16xi32>
          %add3A_349 = arith.constant 3 : i32
          %add3A_350 = vector.broadcast %add3A_349 : i32 to vector<16xi32>
          %add3A_351 = arith.addi %broadcast_in_dim3A_348, %add3A_350 : vector<16xi32>
          tpu.vector_store_idx %arg8[%add3A_331, %add3A_351], %broadcast_in_dim3A_56 masked %eq3A_316 : memref<208x64xf32, #tpu.memory_space<vmem>>[vector<16xi32>, vector<16xi32>], vector<16xf32>, vector<16xi1>
          %broadcast_in_dim3A_352 = arith.constant 0 : i32
          %broadcast_in_dim3A_353 = vector.broadcast %broadcast_in_dim3A_352 : i32 to vector<16xi32>
          %add3A_354 = arith.constant 4 : i32
          %add3A_355 = vector.broadcast %add3A_354 : i32 to vector<16xi32>
          %add3A_356 = arith.addi %broadcast_in_dim3A_353, %add3A_355 : vector<16xi32>
          tpu.vector_store_idx %arg8[%add3A_331, %add3A_356], %broadcast_in_dim3A_56 masked %eq3A_316 : memref<208x64xf32, #tpu.memory_space<vmem>>[vector<16xi32>, vector<16xi32>], vector<16xf32>, vector<16xi1>
          %broadcast_in_dim3A_357 = arith.constant 0 : i32
          %broadcast_in_dim3A_358 = vector.broadcast %broadcast_in_dim3A_357 : i32 to vector<16xi32>
          %add3A_359 = arith.constant 5 : i32
          %add3A_360 = vector.broadcast %add3A_359 : i32 to vector<16xi32>
          %add3A_361 = arith.addi %broadcast_in_dim3A_358, %add3A_360 : vector<16xi32>
          tpu.vector_store_idx %arg8[%add3A_331, %add3A_361], %broadcast_in_dim3A_56 masked %eq3A_316 : memref<208x64xf32, #tpu.memory_space<vmem>>[vector<16xi32>, vector<16xi32>], vector<16xf32>, vector<16xi1>
          %broadcast_in_dim3A_362 = arith.constant 0 : i32
          %broadcast_in_dim3A_363 = vector.broadcast %broadcast_in_dim3A_362 : i32 to vector<16xi32>
          %add3A_364 = arith.constant 6 : i32
          %add3A_365 = vector.broadcast %add3A_364 : i32 to vector<16xi32>
          %add3A_366 = arith.addi %broadcast_in_dim3A_363, %add3A_365 : vector<16xi32>
          tpu.vector_store_idx %arg8[%add3A_331, %add3A_366], %broadcast_in_dim3A_56 masked %eq3A_316 : memref<208x64xf32, #tpu.memory_space<vmem>>[vector<16xi32>, vector<16xi32>], vector<16xf32>, vector<16xi1>
          %broadcast_in_dim3A_367 = arith.constant 0 : i32
          %broadcast_in_dim3A_368 = vector.broadcast %broadcast_in_dim3A_367 : i32 to vector<16xi32>
          %add3A_369 = arith.constant 7 : i32
          %add3A_370 = vector.broadcast %add3A_369 : i32 to vector<16xi32>
          %add3A_371 = arith.addi %broadcast_in_dim3A_368, %add3A_370 : vector<16xi32>
          tpu.vector_store_idx %arg8[%add3A_331, %add3A_371], %broadcast_in_dim3A_56 masked %eq3A_316 : memref<208x64xf32, #tpu.memory_space<vmem>>[vector<16xi32>, vector<16xi32>], vector<16xf32>, vector<16xi1>
          %broadcast_in_dim3A_372 = arith.constant 0 : i32
          %broadcast_in_dim3A_373 = vector.broadcast %broadcast_in_dim3A_372 : i32 to vector<16xi32>
          %add3A_374 = arith.constant 8 : i32
          %add3A_375 = vector.broadcast %add3A_374 : i32 to vector<16xi32>
          %add3A_376 = arith.addi %broadcast_in_dim3A_373, %add3A_375 : vector<16xi32>
          tpu.vector_store_idx %arg8[%add3A_331, %add3A_376], %broadcast_in_dim3A_56 masked %eq3A_316 : memref<208x64xf32, #tpu.memory_space<vmem>>[vector<16xi32>, vector<16xi32>], vector<16xf32>, vector<16xi1>
          %broadcast_in_dim3A_377 = arith.constant 0 : i32
          %broadcast_in_dim3A_378 = vector.broadcast %broadcast_in_dim3A_377 : i32 to vector<16xi32>
          %add3A_379 = arith.constant 9 : i32
          %add3A_380 = vector.broadcast %add3A_379 : i32 to vector<16xi32>
          %add3A_381 = arith.addi %broadcast_in_dim3A_378, %add3A_380 : vector<16xi32>
          tpu.vector_store_idx %arg8[%add3A_331, %add3A_381], %broadcast_in_dim3A_56 masked %eq3A_316 : memref<208x64xf32, #tpu.memory_space<vmem>>[vector<16xi32>, vector<16xi32>], vector<16xf32>, vector<16xi1>
          %broadcast_in_dim3A_382 = arith.constant 0 : i32
          %broadcast_in_dim3A_383 = vector.broadcast %broadcast_in_dim3A_382 : i32 to vector<16xi32>
          %add3A_384 = arith.constant 10 : i32
          %add3A_385 = vector.broadcast %add3A_384 : i32 to vector<16xi32>
          %add3A_386 = arith.addi %broadcast_in_dim3A_383, %add3A_385 : vector<16xi32>
          tpu.vector_store_idx %arg8[%add3A_331, %add3A_386], %broadcast_in_dim3A_56 masked %eq3A_316 : memref<208x64xf32, #tpu.memory_space<vmem>>[vector<16xi32>, vector<16xi32>], vector<16xf32>, vector<16xi1>
          %broadcast_in_dim3A_387 = arith.constant 0 : i32
          %broadcast_in_dim3A_388 = vector.broadcast %broadcast_in_dim3A_387 : i32 to vector<16xi32>
          %add3A_389 = arith.constant 11 : i32
          %add3A_390 = vector.broadcast %add3A_389 : i32 to vector<16xi32>
          %add3A_391 = arith.addi %broadcast_in_dim3A_388, %add3A_390 : vector<16xi32>
          tpu.vector_store_idx %arg8[%add3A_331, %add3A_391], %broadcast_in_dim3A_56 masked %eq3A_316 : memref<208x64xf32, #tpu.memory_space<vmem>>[vector<16xi32>, vector<16xi32>], vector<16xf32>, vector<16xi1>
          %broadcast_in_dim3A_392 = arith.constant 0 : i32
          %broadcast_in_dim3A_393 = vector.broadcast %broadcast_in_dim3A_392 : i32 to vector<16xi32>
          %add3A_394 = arith.constant 12 : i32
          %add3A_395 = vector.broadcast %add3A_394 : i32 to vector<16xi32>
          %add3A_396 = arith.addi %broadcast_in_dim3A_393, %add3A_395 : vector<16xi32>
          tpu.vector_store_idx %arg8[%add3A_331, %add3A_396], %broadcast_in_dim3A_56 masked %eq3A_316 : memref<208x64xf32, #tpu.memory_space<vmem>>[vector<16xi32>, vector<16xi32>], vector<16xf32>, vector<16xi1>
          %broadcast_in_dim3A_397 = arith.constant 0 : i32
          %broadcast_in_dim3A_398 = vector.broadcast %broadcast_in_dim3A_397 : i32 to vector<16xi32>
          %add3A_399 = arith.constant 13 : i32
          %add3A_400 = vector.broadcast %add3A_399 : i32 to vector<16xi32>
          %add3A_401 = arith.addi %broadcast_in_dim3A_398, %add3A_400 : vector<16xi32>
          tpu.vector_store_idx %arg8[%add3A_331, %add3A_401], %broadcast_in_dim3A_56 masked %eq3A_316 : memref<208x64xf32, #tpu.memory_space<vmem>>[vector<16xi32>, vector<16xi32>], vector<16xf32>, vector<16xi1>
          %broadcast_in_dim3A_402 = arith.constant 0 : i32
          %broadcast_in_dim3A_403 = vector.broadcast %broadcast_in_dim3A_402 : i32 to vector<16xi32>
          %add3A_404 = arith.constant 14 : i32
          %add3A_405 = vector.broadcast %add3A_404 : i32 to vector<16xi32>
          %add3A_406 = arith.addi %broadcast_in_dim3A_403, %add3A_405 : vector<16xi32>
          tpu.vector_store_idx %arg8[%add3A_331, %add3A_406], %broadcast_in_dim3A_56 masked %eq3A_316 : memref<208x64xf32, #tpu.memory_space<vmem>>[vector<16xi32>, vector<16xi32>], vector<16xf32>, vector<16xi1>
          %broadcast_in_dim3A_407 = arith.constant 0 : i32
          %broadcast_in_dim3A_408 = vector.broadcast %broadcast_in_dim3A_407 : i32 to vector<16xi32>
          %add3A_409 = arith.constant 15 : i32
          %add3A_410 = vector.broadcast %add3A_409 : i32 to vector<16xi32>
          %add3A_411 = arith.addi %broadcast_in_dim3A_408, %add3A_410 : vector<16xi32>
          tpu.vector_store_idx %arg8[%add3A_331, %add3A_411], %broadcast_in_dim3A_56 masked %eq3A_316 : memref<208x64xf32, #tpu.memory_space<vmem>>[vector<16xi32>, vector<16xi32>], vector<16xf32>, vector<16xi1>
          %broadcast_in_dim3A_412 = arith.constant 0 : i32
          %broadcast_in_dim3A_413 = vector.broadcast %broadcast_in_dim3A_412 : i32 to vector<16xi32>
          %add3A_414 = arith.constant 16 : i32
          %add3A_415 = vector.broadcast %add3A_414 : i32 to vector<16xi32>
          %add3A_416 = arith.addi %broadcast_in_dim3A_413, %add3A_415 : vector<16xi32>
          tpu.vector_store_idx %arg8[%add3A_331, %add3A_416], %broadcast_in_dim3A_56 masked %eq3A_316 : memref<208x64xf32, #tpu.memory_space<vmem>>[vector<16xi32>, vector<16xi32>], vector<16xf32>, vector<16xi1>
          %broadcast_in_dim3A_417 = arith.constant 0 : i32
          %broadcast_in_dim3A_418 = vector.broadcast %broadcast_in_dim3A_417 : i32 to vector<16xi32>
          %add3A_419 = arith.constant 17 : i32
          %add3A_420 = vector.broadcast %add3A_419 : i32 to vector<16xi32>
          %add3A_421 = arith.addi %broadcast_in_dim3A_418, %add3A_420 : vector<16xi32>
          tpu.vector_store_idx %arg8[%add3A_331, %add3A_421], %broadcast_in_dim3A_56 masked %eq3A_316 : memref<208x64xf32, #tpu.memory_space<vmem>>[vector<16xi32>, vector<16xi32>], vector<16xf32>, vector<16xi1>
          %broadcast_in_dim3A_422 = arith.constant 0 : i32
          %broadcast_in_dim3A_423 = vector.broadcast %broadcast_in_dim3A_422 : i32 to vector<16xi32>
          %add3A_424 = arith.constant 18 : i32
          %add3A_425 = vector.broadcast %add3A_424 : i32 to vector<16xi32>
          %add3A_426 = arith.addi %broadcast_in_dim3A_423, %add3A_425 : vector<16xi32>
          tpu.vector_store_idx %arg8[%add3A_331, %add3A_426], %broadcast_in_dim3A_56 masked %eq3A_316 : memref<208x64xf32, #tpu.memory_space<vmem>>[vector<16xi32>, vector<16xi32>], vector<16xf32>, vector<16xi1>
          %broadcast_in_dim3A_427 = arith.constant 0 : i32
          %broadcast_in_dim3A_428 = vector.broadcast %broadcast_in_dim3A_427 : i32 to vector<16xi32>
          %add3A_429 = arith.constant 19 : i32
          %add3A_430 = vector.broadcast %add3A_429 : i32 to vector<16xi32>
          %add3A_431 = arith.addi %broadcast_in_dim3A_428, %add3A_430 : vector<16xi32>
          tpu.vector_store_idx %arg8[%add3A_331, %add3A_431], %broadcast_in_dim3A_56 masked %eq3A_316 : memref<208x64xf32, #tpu.memory_space<vmem>>[vector<16xi32>, vector<16xi32>], vector<16xf32>, vector<16xi1>
          %broadcast_in_dim3A_432 = arith.constant 0 : i32
          %broadcast_in_dim3A_433 = vector.broadcast %broadcast_in_dim3A_432 : i32 to vector<16xi32>
          %add3A_434 = arith.constant 20 : i32
          %add3A_435 = vector.broadcast %add3A_434 : i32 to vector<16xi32>
          %add3A_436 = arith.addi %broadcast_in_dim3A_433, %add3A_435 : vector<16xi32>
          tpu.vector_store_idx %arg8[%add3A_331, %add3A_436], %broadcast_in_dim3A_56 masked %eq3A_316 : memref<208x64xf32, #tpu.memory_space<vmem>>[vector<16xi32>, vector<16xi32>], vector<16xf32>, vector<16xi1>
          %broadcast_in_dim3A_437 = arith.constant 0 : i32
          %broadcast_in_dim3A_438 = vector.broadcast %broadcast_in_dim3A_437 : i32 to vector<16xi32>
          %add3A_439 = arith.constant 21 : i32
          %add3A_440 = vector.broadcast %add3A_439 : i32 to vector<16xi32>
          %add3A_441 = arith.addi %broadcast_in_dim3A_438, %add3A_440 : vector<16xi32>
          tpu.vector_store_idx %arg8[%add3A_331, %add3A_441], %broadcast_in_dim3A_56 masked %eq3A_316 : memref<208x64xf32, #tpu.memory_space<vmem>>[vector<16xi32>, vector<16xi32>], vector<16xf32>, vector<16xi1>
          %broadcast_in_dim3A_442 = arith.constant 0 : i32
          %broadcast_in_dim3A_443 = vector.broadcast %broadcast_in_dim3A_442 : i32 to vector<16xi32>
          %add3A_444 = arith.constant 22 : i32
          %add3A_445 = vector.broadcast %add3A_444 : i32 to vector<16xi32>
          %add3A_446 = arith.addi %broadcast_in_dim3A_443, %add3A_445 : vector<16xi32>
          tpu.vector_store_idx %arg8[%add3A_331, %add3A_446], %broadcast_in_dim3A_56 masked %eq3A_316 : memref<208x64xf32, #tpu.memory_space<vmem>>[vector<16xi32>, vector<16xi32>], vector<16xf32>, vector<16xi1>
          %broadcast_in_dim3A_447 = arith.constant 0 : i32
          %broadcast_in_dim3A_448 = vector.broadcast %broadcast_in_dim3A_447 : i32 to vector<16xi32>
          %add3A_449 = arith.constant 23 : i32
          %add3A_450 = vector.broadcast %add3A_449 : i32 to vector<16xi32>
          %add3A_451 = arith.addi %broadcast_in_dim3A_448, %add3A_450 : vector<16xi32>
          tpu.vector_store_idx %arg8[%add3A_331, %add3A_451], %broadcast_in_dim3A_56 masked %eq3A_316 : memref<208x64xf32, #tpu.memory_space<vmem>>[vector<16xi32>, vector<16xi32>], vector<16xf32>, vector<16xi1>
          %broadcast_in_dim3A_452 = arith.constant 0 : i32
          %broadcast_in_dim3A_453 = vector.broadcast %broadcast_in_dim3A_452 : i32 to vector<16xi32>
          %add3A_454 = arith.constant 24 : i32
          %add3A_455 = vector.broadcast %add3A_454 : i32 to vector<16xi32>
          %add3A_456 = arith.addi %broadcast_in_dim3A_453, %add3A_455 : vector<16xi32>
          tpu.vector_store_idx %arg8[%add3A_331, %add3A_456], %broadcast_in_dim3A_56 masked %eq3A_316 : memref<208x64xf32, #tpu.memory_space<vmem>>[vector<16xi32>, vector<16xi32>], vector<16xf32>, vector<16xi1>
          %broadcast_in_dim3A_457 = arith.constant 0 : i32
          %broadcast_in_dim3A_458 = vector.broadcast %broadcast_in_dim3A_457 : i32 to vector<16xi32>
          %add3A_459 = arith.constant 25 : i32
          %add3A_460 = vector.broadcast %add3A_459 : i32 to vector<16xi32>
          %add3A_461 = arith.addi %broadcast_in_dim3A_458, %add3A_460 : vector<16xi32>
          tpu.vector_store_idx %arg8[%add3A_331, %add3A_461], %broadcast_in_dim3A_56 masked %eq3A_316 : memref<208x64xf32, #tpu.memory_space<vmem>>[vector<16xi32>, vector<16xi32>], vector<16xf32>, vector<16xi1>
          %broadcast_in_dim3A_462 = arith.constant 0 : i32
          %broadcast_in_dim3A_463 = vector.broadcast %broadcast_in_dim3A_462 : i32 to vector<16xi32>
          %add3A_464 = arith.constant 26 : i32
          %add3A_465 = vector.broadcast %add3A_464 : i32 to vector<16xi32>
          %add3A_466 = arith.addi %broadcast_in_dim3A_463, %add3A_465 : vector<16xi32>
          tpu.vector_store_idx %arg8[%add3A_331, %add3A_466], %broadcast_in_dim3A_56 masked %eq3A_316 : memref<208x64xf32, #tpu.memory_space<vmem>>[vector<16xi32>, vector<16xi32>], vector<16xf32>, vector<16xi1>
          %broadcast_in_dim3A_467 = arith.constant 0 : i32
          %broadcast_in_dim3A_468 = vector.broadcast %broadcast_in_dim3A_467 : i32 to vector<16xi32>
          %add3A_469 = arith.constant 27 : i32
          %add3A_470 = vector.broadcast %add3A_469 : i32 to vector<16xi32>
          %add3A_471 = arith.addi %broadcast_in_dim3A_468, %add3A_470 : vector<16xi32>
          tpu.vector_store_idx %arg8[%add3A_331, %add3A_471], %broadcast_in_dim3A_56 masked %eq3A_316 : memref<208x64xf32, #tpu.memory_space<vmem>>[vector<16xi32>, vector<16xi32>], vector<16xf32>, vector<16xi1>
          %broadcast_in_dim3A_472 = arith.constant 0 : i32
          %broadcast_in_dim3A_473 = vector.broadcast %broadcast_in_dim3A_472 : i32 to vector<16xi32>
          %add3A_474 = arith.constant 28 : i32
          %add3A_475 = vector.broadcast %add3A_474 : i32 to vector<16xi32>
          %add3A_476 = arith.addi %broadcast_in_dim3A_473, %add3A_475 : vector<16xi32>
          tpu.vector_store_idx %arg8[%add3A_331, %add3A_476], %broadcast_in_dim3A_56 masked %eq3A_316 : memref<208x64xf32, #tpu.memory_space<vmem>>[vector<16xi32>, vector<16xi32>], vector<16xf32>, vector<16xi1>
          %broadcast_in_dim3A_477 = arith.constant 0 : i32
          %broadcast_in_dim3A_478 = vector.broadcast %broadcast_in_dim3A_477 : i32 to vector<16xi32>
          %add3A_479 = arith.constant 29 : i32
          %add3A_480 = vector.broadcast %add3A_479 : i32 to vector<16xi32>
          %add3A_481 = arith.addi %broadcast_in_dim3A_478, %add3A_480 : vector<16xi32>
          tpu.vector_store_idx %arg8[%add3A_331, %add3A_481], %broadcast_in_dim3A_56 masked %eq3A_316 : memref<208x64xf32, #tpu.memory_space<vmem>>[vector<16xi32>, vector<16xi32>], vector<16xf32>, vector<16xi1>
          %broadcast_in_dim3A_482 = arith.constant 0 : i32
          %broadcast_in_dim3A_483 = vector.broadcast %broadcast_in_dim3A_482 : i32 to vector<16xi32>
          %add3A_484 = arith.constant 30 : i32
          %add3A_485 = vector.broadcast %add3A_484 : i32 to vector<16xi32>
          %add3A_486 = arith.addi %broadcast_in_dim3A_483, %add3A_485 : vector<16xi32>
          tpu.vector_store_idx %arg8[%add3A_331, %add3A_486], %broadcast_in_dim3A_56 masked %eq3A_316 : memref<208x64xf32, #tpu.memory_space<vmem>>[vector<16xi32>, vector<16xi32>], vector<16xf32>, vector<16xi1>
          %broadcast_in_dim3A_487 = arith.constant 0 : i32
          %broadcast_in_dim3A_488 = vector.broadcast %broadcast_in_dim3A_487 : i32 to vector<16xi32>
          %add3A_489 = arith.constant 31 : i32
          %add3A_490 = vector.broadcast %add3A_489 : i32 to vector<16xi32>
          %add3A_491 = arith.addi %broadcast_in_dim3A_488, %add3A_490 : vector<16xi32>
          tpu.vector_store_idx %arg8[%add3A_331, %add3A_491], %broadcast_in_dim3A_56 masked %eq3A_316 : memref<208x64xf32, #tpu.memory_space<vmem>>[vector<16xi32>, vector<16xi32>], vector<16xf32>, vector<16xi1>
          %broadcast_in_dim3A_492 = arith.constant 0 : i32
          %broadcast_in_dim3A_493 = vector.broadcast %broadcast_in_dim3A_492 : i32 to vector<16xi32>
          %add3A_494 = arith.constant 32 : i32
          %add3A_495 = vector.broadcast %add3A_494 : i32 to vector<16xi32>
          %add3A_496 = arith.addi %broadcast_in_dim3A_493, %add3A_495 : vector<16xi32>
          tpu.vector_store_idx %arg8[%add3A_331, %add3A_496], %broadcast_in_dim3A_56 masked %eq3A_316 : memref<208x64xf32, #tpu.memory_space<vmem>>[vector<16xi32>, vector<16xi32>], vector<16xf32>, vector<16xi1>
          %broadcast_in_dim3A_497 = arith.constant 0 : i32
          %broadcast_in_dim3A_498 = vector.broadcast %broadcast_in_dim3A_497 : i32 to vector<16xi32>
          %add3A_499 = arith.constant 33 : i32
          %add3A_500 = vector.broadcast %add3A_499 : i32 to vector<16xi32>
          %add3A_501 = arith.addi %broadcast_in_dim3A_498, %add3A_500 : vector<16xi32>
          tpu.vector_store_idx %arg8[%add3A_331, %add3A_501], %broadcast_in_dim3A_56 masked %eq3A_316 : memref<208x64xf32, #tpu.memory_space<vmem>>[vector<16xi32>, vector<16xi32>], vector<16xf32>, vector<16xi1>
          %broadcast_in_dim3A_502 = arith.constant 0 : i32
          %broadcast_in_dim3A_503 = vector.broadcast %broadcast_in_dim3A_502 : i32 to vector<16xi32>
          %add3A_504 = arith.constant 34 : i32
          %add3A_505 = vector.broadcast %add3A_504 : i32 to vector<16xi32>
          %add3A_506 = arith.addi %broadcast_in_dim3A_503, %add3A_505 : vector<16xi32>
          tpu.vector_store_idx %arg8[%add3A_331, %add3A_506], %broadcast_in_dim3A_56 masked %eq3A_316 : memref<208x64xf32, #tpu.memory_space<vmem>>[vector<16xi32>, vector<16xi32>], vector<16xf32>, vector<16xi1>
          %broadcast_in_dim3A_507 = arith.constant 0 : i32
          %broadcast_in_dim3A_508 = vector.broadcast %broadcast_in_dim3A_507 : i32 to vector<16xi32>
          %add3A_509 = arith.constant 35 : i32
          %add3A_510 = vector.broadcast %add3A_509 : i32 to vector<16xi32>
          %add3A_511 = arith.addi %broadcast_in_dim3A_508, %add3A_510 : vector<16xi32>
          tpu.vector_store_idx %arg8[%add3A_331, %add3A_511], %broadcast_in_dim3A_56 masked %eq3A_316 : memref<208x64xf32, #tpu.memory_space<vmem>>[vector<16xi32>, vector<16xi32>], vector<16xf32>, vector<16xi1>
          %broadcast_in_dim3A_512 = arith.constant 0 : i32
          %broadcast_in_dim3A_513 = vector.broadcast %broadcast_in_dim3A_512 : i32 to vector<16xi32>
          %add3A_514 = arith.constant 36 : i32
          %add3A_515 = vector.broadcast %add3A_514 : i32 to vector<16xi32>
          %add3A_516 = arith.addi %broadcast_in_dim3A_513, %add3A_515 : vector<16xi32>
          tpu.vector_store_idx %arg8[%add3A_331, %add3A_516], %broadcast_in_dim3A_56 masked %eq3A_316 : memref<208x64xf32, #tpu.memory_space<vmem>>[vector<16xi32>, vector<16xi32>], vector<16xf32>, vector<16xi1>
          %broadcast_in_dim3A_517 = arith.constant 0 : i32
          %broadcast_in_dim3A_518 = vector.broadcast %broadcast_in_dim3A_517 : i32 to vector<16xi32>
          %add3A_519 = arith.constant 37 : i32
          %add3A_520 = vector.broadcast %add3A_519 : i32 to vector<16xi32>
          %add3A_521 = arith.addi %broadcast_in_dim3A_518, %add3A_520 : vector<16xi32>
          tpu.vector_store_idx %arg8[%add3A_331, %add3A_521], %broadcast_in_dim3A_56 masked %eq3A_316 : memref<208x64xf32, #tpu.memory_space<vmem>>[vector<16xi32>, vector<16xi32>], vector<16xf32>, vector<16xi1>
          %broadcast_in_dim3A_522 = arith.constant 0 : i32
          %broadcast_in_dim3A_523 = vector.broadcast %broadcast_in_dim3A_522 : i32 to vector<16xi32>
          %add3A_524 = arith.constant 38 : i32
          %add3A_525 = vector.broadcast %add3A_524 : i32 to vector<16xi32>
          %add3A_526 = arith.addi %broadcast_in_dim3A_523, %add3A_525 : vector<16xi32>
          tpu.vector_store_idx %arg8[%add3A_331, %add3A_526], %broadcast_in_dim3A_56 masked %eq3A_316 : memref<208x64xf32, #tpu.memory_space<vmem>>[vector<16xi32>, vector<16xi32>], vector<16xf32>, vector<16xi1>
          %broadcast_in_dim3A_527 = arith.constant 0 : i32
          %broadcast_in_dim3A_528 = vector.broadcast %broadcast_in_dim3A_527 : i32 to vector<16xi32>
          %add3A_529 = arith.constant 39 : i32
          %add3A_530 = vector.broadcast %add3A_529 : i32 to vector<16xi32>
          %add3A_531 = arith.addi %broadcast_in_dim3A_528, %add3A_530 : vector<16xi32>
          tpu.vector_store_idx %arg8[%add3A_331, %add3A_531], %broadcast_in_dim3A_56 masked %eq3A_316 : memref<208x64xf32, #tpu.memory_space<vmem>>[vector<16xi32>, vector<16xi32>], vector<16xf32>, vector<16xi1>
          %broadcast_in_dim3A_532 = arith.constant 0 : i32
          %broadcast_in_dim3A_533 = vector.broadcast %broadcast_in_dim3A_532 : i32 to vector<16xi32>
          %add3A_534 = arith.constant 40 : i32
          %add3A_535 = vector.broadcast %add3A_534 : i32 to vector<16xi32>
          %add3A_536 = arith.addi %broadcast_in_dim3A_533, %add3A_535 : vector<16xi32>
          tpu.vector_store_idx %arg8[%add3A_331, %add3A_536], %broadcast_in_dim3A_56 masked %eq3A_316 : memref<208x64xf32, #tpu.memory_space<vmem>>[vector<16xi32>, vector<16xi32>], vector<16xf32>, vector<16xi1>
          %broadcast_in_dim3A_537 = arith.constant 0 : i32
          %broadcast_in_dim3A_538 = vector.broadcast %broadcast_in_dim3A_537 : i32 to vector<16xi32>
          %add3A_539 = arith.constant 41 : i32
          %add3A_540 = vector.broadcast %add3A_539 : i32 to vector<16xi32>
          %add3A_541 = arith.addi %broadcast_in_dim3A_538, %add3A_540 : vector<16xi32>
          tpu.vector_store_idx %arg8[%add3A_331, %add3A_541], %broadcast_in_dim3A_56 masked %eq3A_316 : memref<208x64xf32, #tpu.memory_space<vmem>>[vector<16xi32>, vector<16xi32>], vector<16xf32>, vector<16xi1>
          %broadcast_in_dim3A_542 = arith.constant 0 : i32
          %broadcast_in_dim3A_543 = vector.broadcast %broadcast_in_dim3A_542 : i32 to vector<16xi32>
          %add3A_544 = arith.constant 42 : i32
          %add3A_545 = vector.broadcast %add3A_544 : i32 to vector<16xi32>
          %add3A_546 = arith.addi %broadcast_in_dim3A_543, %add3A_545 : vector<16xi32>
          tpu.vector_store_idx %arg8[%add3A_331, %add3A_546], %broadcast_in_dim3A_56 masked %eq3A_316 : memref<208x64xf32, #tpu.memory_space<vmem>>[vector<16xi32>, vector<16xi32>], vector<16xf32>, vector<16xi1>
          %broadcast_in_dim3A_547 = arith.constant 0 : i32
          %broadcast_in_dim3A_548 = vector.broadcast %broadcast_in_dim3A_547 : i32 to vector<16xi32>
          %add3A_549 = arith.constant 43 : i32
          %add3A_550 = vector.broadcast %add3A_549 : i32 to vector<16xi32>
          %add3A_551 = arith.addi %broadcast_in_dim3A_548, %add3A_550 : vector<16xi32>
          tpu.vector_store_idx %arg8[%add3A_331, %add3A_551], %broadcast_in_dim3A_56 masked %eq3A_316 : memref<208x64xf32, #tpu.memory_space<vmem>>[vector<16xi32>, vector<16xi32>], vector<16xf32>, vector<16xi1>
          %broadcast_in_dim3A_552 = arith.constant 0 : i32
          %broadcast_in_dim3A_553 = vector.broadcast %broadcast_in_dim3A_552 : i32 to vector<16xi32>
          %add3A_554 = arith.constant 44 : i32
          %add3A_555 = vector.broadcast %add3A_554 : i32 to vector<16xi32>
          %add3A_556 = arith.addi %broadcast_in_dim3A_553, %add3A_555 : vector<16xi32>
          tpu.vector_store_idx %arg8[%add3A_331, %add3A_556], %broadcast_in_dim3A_56 masked %eq3A_316 : memref<208x64xf32, #tpu.memory_space<vmem>>[vector<16xi32>, vector<16xi32>], vector<16xf32>, vector<16xi1>
          %broadcast_in_dim3A_557 = arith.constant 0 : i32
          %broadcast_in_dim3A_558 = vector.broadcast %broadcast_in_dim3A_557 : i32 to vector<16xi32>
          %add3A_559 = arith.constant 45 : i32
          %add3A_560 = vector.broadcast %add3A_559 : i32 to vector<16xi32>
          %add3A_561 = arith.addi %broadcast_in_dim3A_558, %add3A_560 : vector<16xi32>
          tpu.vector_store_idx %arg8[%add3A_331, %add3A_561], %broadcast_in_dim3A_56 masked %eq3A_316 : memref<208x64xf32, #tpu.memory_space<vmem>>[vector<16xi32>, vector<16xi32>], vector<16xf32>, vector<16xi1>
          %broadcast_in_dim3A_562 = arith.constant 0 : i32
          %broadcast_in_dim3A_563 = vector.broadcast %broadcast_in_dim3A_562 : i32 to vector<16xi32>
          %add3A_564 = arith.constant 46 : i32
          %add3A_565 = vector.broadcast %add3A_564 : i32 to vector<16xi32>
          %add3A_566 = arith.addi %broadcast_in_dim3A_563, %add3A_565 : vector<16xi32>
          tpu.vector_store_idx %arg8[%add3A_331, %add3A_566], %broadcast_in_dim3A_56 masked %eq3A_316 : memref<208x64xf32, #tpu.memory_space<vmem>>[vector<16xi32>, vector<16xi32>], vector<16xf32>, vector<16xi1>
          %broadcast_in_dim3A_567 = arith.constant 0 : i32
          %broadcast_in_dim3A_568 = vector.broadcast %broadcast_in_dim3A_567 : i32 to vector<16xi32>
          %add3A_569 = arith.constant 47 : i32
          %add3A_570 = vector.broadcast %add3A_569 : i32 to vector<16xi32>
          %add3A_571 = arith.addi %broadcast_in_dim3A_568, %add3A_570 : vector<16xi32>
          tpu.vector_store_idx %arg8[%add3A_331, %add3A_571], %broadcast_in_dim3A_56 masked %eq3A_316 : memref<208x64xf32, #tpu.memory_space<vmem>>[vector<16xi32>, vector<16xi32>], vector<16xf32>, vector<16xi1>
          %broadcast_in_dim3A_572 = arith.constant 0 : i32
          %broadcast_in_dim3A_573 = vector.broadcast %broadcast_in_dim3A_572 : i32 to vector<16xi32>
          %add3A_574 = arith.constant 48 : i32
          %add3A_575 = vector.broadcast %add3A_574 : i32 to vector<16xi32>
          %add3A_576 = arith.addi %broadcast_in_dim3A_573, %add3A_575 : vector<16xi32>
          tpu.vector_store_idx %arg8[%add3A_331, %add3A_576], %broadcast_in_dim3A_56 masked %eq3A_316 : memref<208x64xf32, #tpu.memory_space<vmem>>[vector<16xi32>, vector<16xi32>], vector<16xf32>, vector<16xi1>
          %broadcast_in_dim3A_577 = arith.constant 0 : i32
          %broadcast_in_dim3A_578 = vector.broadcast %broadcast_in_dim3A_577 : i32 to vector<16xi32>
          %add3A_579 = arith.constant 49 : i32
          %add3A_580 = vector.broadcast %add3A_579 : i32 to vector<16xi32>
          %add3A_581 = arith.addi %broadcast_in_dim3A_578, %add3A_580 : vector<16xi32>
          tpu.vector_store_idx %arg8[%add3A_331, %add3A_581], %broadcast_in_dim3A_56 masked %eq3A_316 : memref<208x64xf32, #tpu.memory_space<vmem>>[vector<16xi32>, vector<16xi32>], vector<16xf32>, vector<16xi1>
          %broadcast_in_dim3A_582 = arith.constant 0 : i32
          %broadcast_in_dim3A_583 = vector.broadcast %broadcast_in_dim3A_582 : i32 to vector<16xi32>
          %add3A_584 = arith.constant 50 : i32
          %add3A_585 = vector.broadcast %add3A_584 : i32 to vector<16xi32>
          %add3A_586 = arith.addi %broadcast_in_dim3A_583, %add3A_585 : vector<16xi32>
          tpu.vector_store_idx %arg8[%add3A_331, %add3A_586], %broadcast_in_dim3A_56 masked %eq3A_316 : memref<208x64xf32, #tpu.memory_space<vmem>>[vector<16xi32>, vector<16xi32>], vector<16xf32>, vector<16xi1>
          %broadcast_in_dim3A_587 = arith.constant 0 : i32
          %broadcast_in_dim3A_588 = vector.broadcast %broadcast_in_dim3A_587 : i32 to vector<16xi32>
          %add3A_589 = arith.constant 51 : i32
          %add3A_590 = vector.broadcast %add3A_589 : i32 to vector<16xi32>
          %add3A_591 = arith.addi %broadcast_in_dim3A_588, %add3A_590 : vector<16xi32>
          tpu.vector_store_idx %arg8[%add3A_331, %add3A_591], %broadcast_in_dim3A_56 masked %eq3A_316 : memref<208x64xf32, #tpu.memory_space<vmem>>[vector<16xi32>, vector<16xi32>], vector<16xf32>, vector<16xi1>
          %broadcast_in_dim3A_592 = arith.constant 0 : i32
          %broadcast_in_dim3A_593 = vector.broadcast %broadcast_in_dim3A_592 : i32 to vector<16xi32>
          %add3A_594 = arith.constant 52 : i32
          %add3A_595 = vector.broadcast %add3A_594 : i32 to vector<16xi32>
          %add3A_596 = arith.addi %broadcast_in_dim3A_593, %add3A_595 : vector<16xi32>
          tpu.vector_store_idx %arg8[%add3A_331, %add3A_596], %broadcast_in_dim3A_56 masked %eq3A_316 : memref<208x64xf32, #tpu.memory_space<vmem>>[vector<16xi32>, vector<16xi32>], vector<16xf32>, vector<16xi1>
          %broadcast_in_dim3A_597 = arith.constant 0 : i32
          %broadcast_in_dim3A_598 = vector.broadcast %broadcast_in_dim3A_597 : i32 to vector<16xi32>
          %add3A_599 = arith.constant 53 : i32
          %add3A_600 = vector.broadcast %add3A_599 : i32 to vector<16xi32>
          %add3A_601 = arith.addi %broadcast_in_dim3A_598, %add3A_600 : vector<16xi32>
          tpu.vector_store_idx %arg8[%add3A_331, %add3A_601], %broadcast_in_dim3A_56 masked %eq3A_316 : memref<208x64xf32, #tpu.memory_space<vmem>>[vector<16xi32>, vector<16xi32>], vector<16xf32>, vector<16xi1>
          %broadcast_in_dim3A_602 = arith.constant 0 : i32
          %broadcast_in_dim3A_603 = vector.broadcast %broadcast_in_dim3A_602 : i32 to vector<16xi32>
          %add3A_604 = arith.constant 54 : i32
          %add3A_605 = vector.broadcast %add3A_604 : i32 to vector<16xi32>
          %add3A_606 = arith.addi %broadcast_in_dim3A_603, %add3A_605 : vector<16xi32>
          tpu.vector_store_idx %arg8[%add3A_331, %add3A_606], %broadcast_in_dim3A_56 masked %eq3A_316 : memref<208x64xf32, #tpu.memory_space<vmem>>[vector<16xi32>, vector<16xi32>], vector<16xf32>, vector<16xi1>
          %broadcast_in_dim3A_607 = arith.constant 0 : i32
          %broadcast_in_dim3A_608 = vector.broadcast %broadcast_in_dim3A_607 : i32 to vector<16xi32>
          %add3A_609 = arith.constant 55 : i32
          %add3A_610 = vector.broadcast %add3A_609 : i32 to vector<16xi32>
          %add3A_611 = arith.addi %broadcast_in_dim3A_608, %add3A_610 : vector<16xi32>
          tpu.vector_store_idx %arg8[%add3A_331, %add3A_611], %broadcast_in_dim3A_56 masked %eq3A_316 : memref<208x64xf32, #tpu.memory_space<vmem>>[vector<16xi32>, vector<16xi32>], vector<16xf32>, vector<16xi1>
          %broadcast_in_dim3A_612 = arith.constant 0 : i32
          %broadcast_in_dim3A_613 = vector.broadcast %broadcast_in_dim3A_612 : i32 to vector<16xi32>
          %add3A_614 = arith.constant 56 : i32
          %add3A_615 = vector.broadcast %add3A_614 : i32 to vector<16xi32>
          %add3A_616 = arith.addi %broadcast_in_dim3A_613, %add3A_615 : vector<16xi32>
          tpu.vector_store_idx %arg8[%add3A_331, %add3A_616], %broadcast_in_dim3A_56 masked %eq3A_316 : memref<208x64xf32, #tpu.memory_space<vmem>>[vector<16xi32>, vector<16xi32>], vector<16xf32>, vector<16xi1>
          %broadcast_in_dim3A_617 = arith.constant 0 : i32
          %broadcast_in_dim3A_618 = vector.broadcast %broadcast_in_dim3A_617 : i32 to vector<16xi32>
          %add3A_619 = arith.constant 57 : i32
          %add3A_620 = vector.broadcast %add3A_619 : i32 to vector<16xi32>
          %add3A_621 = arith.addi %broadcast_in_dim3A_618, %add3A_620 : vector<16xi32>
          tpu.vector_store_idx %arg8[%add3A_331, %add3A_621], %broadcast_in_dim3A_56 masked %eq3A_316 : memref<208x64xf32, #tpu.memory_space<vmem>>[vector<16xi32>, vector<16xi32>], vector<16xf32>, vector<16xi1>
          %broadcast_in_dim3A_622 = arith.constant 0 : i32
          %broadcast_in_dim3A_623 = vector.broadcast %broadcast_in_dim3A_622 : i32 to vector<16xi32>
          %add3A_624 = arith.constant 58 : i32
          %add3A_625 = vector.broadcast %add3A_624 : i32 to vector<16xi32>
          %add3A_626 = arith.addi %broadcast_in_dim3A_623, %add3A_625 : vector<16xi32>
          tpu.vector_store_idx %arg8[%add3A_331, %add3A_626], %broadcast_in_dim3A_56 masked %eq3A_316 : memref<208x64xf32, #tpu.memory_space<vmem>>[vector<16xi32>, vector<16xi32>], vector<16xf32>, vector<16xi1>
          %broadcast_in_dim3A_627 = arith.constant 0 : i32
          %broadcast_in_dim3A_628 = vector.broadcast %broadcast_in_dim3A_627 : i32 to vector<16xi32>
          %add3A_629 = arith.constant 59 : i32
          %add3A_630 = vector.broadcast %add3A_629 : i32 to vector<16xi32>
          %add3A_631 = arith.addi %broadcast_in_dim3A_628, %add3A_630 : vector<16xi32>
          tpu.vector_store_idx %arg8[%add3A_331, %add3A_631], %broadcast_in_dim3A_56 masked %eq3A_316 : memref<208x64xf32, #tpu.memory_space<vmem>>[vector<16xi32>, vector<16xi32>], vector<16xf32>, vector<16xi1>
          %broadcast_in_dim3A_632 = arith.constant 0 : i32
          %broadcast_in_dim3A_633 = vector.broadcast %broadcast_in_dim3A_632 : i32 to vector<16xi32>
          %add3A_634 = arith.constant 60 : i32
          %add3A_635 = vector.broadcast %add3A_634 : i32 to vector<16xi32>
          %add3A_636 = arith.addi %broadcast_in_dim3A_633, %add3A_635 : vector<16xi32>
          tpu.vector_store_idx %arg8[%add3A_331, %add3A_636], %broadcast_in_dim3A_56 masked %eq3A_316 : memref<208x64xf32, #tpu.memory_space<vmem>>[vector<16xi32>, vector<16xi32>], vector<16xf32>, vector<16xi1>
          %broadcast_in_dim3A_637 = arith.constant 0 : i32
          %broadcast_in_dim3A_638 = vector.broadcast %broadcast_in_dim3A_637 : i32 to vector<16xi32>
          %add3A_639 = arith.constant 61 : i32
          %add3A_640 = vector.broadcast %add3A_639 : i32 to vector<16xi32>
          %add3A_641 = arith.addi %broadcast_in_dim3A_638, %add3A_640 : vector<16xi32>
          tpu.vector_store_idx %arg8[%add3A_331, %add3A_641], %broadcast_in_dim3A_56 masked %eq3A_316 : memref<208x64xf32, #tpu.memory_space<vmem>>[vector<16xi32>, vector<16xi32>], vector<16xf32>, vector<16xi1>
          %broadcast_in_dim3A_642 = arith.constant 0 : i32
          %broadcast_in_dim3A_643 = vector.broadcast %broadcast_in_dim3A_642 : i32 to vector<16xi32>
          %add3A_644 = arith.constant 62 : i32
          %add3A_645 = vector.broadcast %add3A_644 : i32 to vector<16xi32>
          %add3A_646 = arith.addi %broadcast_in_dim3A_643, %add3A_645 : vector<16xi32>
          tpu.vector_store_idx %arg8[%add3A_331, %add3A_646], %broadcast_in_dim3A_56 masked %eq3A_316 : memref<208x64xf32, #tpu.memory_space<vmem>>[vector<16xi32>, vector<16xi32>], vector<16xf32>, vector<16xi1>
          %broadcast_in_dim3A_647 = arith.constant 0 : i32
          %broadcast_in_dim3A_648 = vector.broadcast %broadcast_in_dim3A_647 : i32 to vector<16xi32>
          %add3A_649 = arith.constant 63 : i32
          %add3A_650 = vector.broadcast %add3A_649 : i32 to vector<16xi32>
          %add3A_651 = arith.addi %broadcast_in_dim3A_648, %add3A_650 : vector<16xi32>
          tpu.vector_store_idx %arg8[%add3A_331, %add3A_651], %broadcast_in_dim3A_56 masked %eq3A_316 : memref<208x64xf32, #tpu.memory_space<vmem>>[vector<16xi32>, vector<16xi32>], vector<16xf32>, vector<16xi1>
        } else {
        }
      }
      %scan3A_289 = arith.constant 13 : i32
      %parallel_loop3A_290 = arith.constant 0 : i32
      %parallel_loop3A_291 = arith.constant 200 : i32
      %parallel_loop3A_292 = arith.constant 4 : i32
      scf.for %parallel_loop3A_308 = %parallel_loop3A_290 to %parallel_loop3A_291 step %parallel_loop3A_292  : i32 {
        %parallel_loop3A_309 = arith.constant 0 : i32
        %parallel_loop3A_310 = arith.addi %parallel_loop3A_308, %parallel_loop3A_309 : i32
        %parallel_loop3A_311 = arith.index_cast %parallel_loop3A_310 : i32 to index
        %parallel_loop3A_312 = arith.constant 0 : index
        %parallel_loop3A_313 = tpu.vector_load %arg8[%parallel_loop3A_311, %parallel_loop3A_312] {strides = array<i32>} : memref<208x64xf32, #tpu.memory_space<vmem>>, vector<16xf32>,
        %parallel_loop3A_314 = arith.constant 0 : i32
        %parallel_loop3A_315 = arith.addi %parallel_loop3A_308, %parallel_loop3A_314 : i32
        %parallel_loop3A_316 = arith.index_cast %parallel_loop3A_315 : i32 to index
        %parallel_loop3A_317 = arith.constant 0 : index
        %parallel_loop3A_318 = tpu.vector_load %arg9[%parallel_loop3A_316, %parallel_loop3A_317] {strides = array<i32>} : memref<200x64xf32, #tpu.memory_space<vmem>>, vector<16xf32>,
        %parallel_loop3A_319 = arith.addf %parallel_loop3A_313, %parallel_loop3A_318 : vector<16xf32>
        %parallel_loop3A_320 = arith.constant 0 : i32
        %parallel_loop3A_321 = arith.addi %parallel_loop3A_308, %parallel_loop3A_320 : i32
        %parallel_loop3A_322 = arith.index_cast %parallel_loop3A_321 : i32 to index
        %parallel_loop3A_323 = arith.constant 0 : index
        %parallel_loop3A_324 = tpu.vector_load %arg8[%parallel_loop3A_322, %parallel_loop3A_323] {strides = array<i32>} : memref<208x64xf32, #tpu.memory_space<vmem>>, vector<16xf32>,
        tpu.vector_store %arg8[%parallel_loop3A_322, %parallel_loop3A_323], %parallel_loop3A_319 {strides = array<i32>} : memref<208x64xf32, #tpu.memory_space<vmem>>, vector<16xf32>,
        %parallel_loop3A_325 = arith.constant 0 : i32
        %parallel_loop3A_326 = arith.addi %parallel_loop3A_308, %parallel_loop3A_325 : i32
        %parallel_loop3A_327 = arith.index_cast %parallel_loop3A_326 : i32 to index
        %parallel_loop3A_328 = arith.constant 16 : index
        %parallel_loop3A_329 = tpu.vector_load %arg8[%parallel_loop3A_327, %parallel_loop3A_328] {strides = array<i32>} : memref<208x64xf32, #tpu.memory_space<vmem>>, vector<16xf32>,
        %parallel_loop3A_330 = arith.constant 0 : i32
        %parallel_loop3A_331 = arith.addi %parallel_loop3A_308, %parallel_loop3A_330 : i32
        %parallel_loop3A_332 = arith.index_cast %parallel_loop3A_331 : i32 to index
        %parallel_loop3A_333 = arith.constant 16 : index
        %parallel_loop3A_334 = tpu.vector_load %arg9[%parallel_loop3A_332, %parallel_loop3A_333] {strides = array<i32>} : memref<200x64xf32, #tpu.memory_space<vmem>>, vector<16xf32>,
        %parallel_loop3A_335 = arith.addf %parallel_loop3A_329, %parallel_loop3A_334 : vector<16xf32>
        %parallel_loop3A_336 = arith.constant 0 : i32
        %parallel_loop3A_337 = arith.addi %parallel_loop3A_308, %parallel_loop3A_336 : i32
        %parallel_loop3A_338 = arith.index_cast %parallel_loop3A_337 : i32 to index
        %parallel_loop3A_339 = arith.constant 16 : index
        %parallel_loop3A_340 = tpu.vector_load %arg8[%parallel_loop3A_338, %parallel_loop3A_339] {strides = array<i32>} : memref<208x64xf32, #tpu.memory_space<vmem>>, vector<16xf32>,
        tpu.vector_store %arg8[%parallel_loop3A_338, %parallel_loop3A_339], %parallel_loop3A_335 {strides = array<i32>} : memref<208x64xf32, #tpu.memory_space<vmem>>, vector<16xf32>,
        %parallel_loop3A_341 = arith.constant 0 : i32
        %parallel_loop3A_342 = arith.addi %parallel_loop3A_308, %parallel_loop3A_341 : i32
        %parallel_loop3A_343 = arith.index_cast %parallel_loop3A_342 : i32 to index
        %parallel_loop3A_344 = arith.constant 32 : index
        %parallel_loop3A_345 = tpu.vector_load %arg8[%parallel_loop3A_343, %parallel_loop3A_344] {strides = array<i32>} : memref<208x64xf32, #tpu.memory_space<vmem>>, vector<16xf32>,
        %parallel_loop3A_346 = arith.constant 0 : i32
        %parallel_loop3A_347 = arith.addi %parallel_loop3A_308, %parallel_loop3A_346 : i32
        %parallel_loop3A_348 = arith.index_cast %parallel_loop3A_347 : i32 to index
        %parallel_loop3A_349 = arith.constant 32 : index
        %parallel_loop3A_350 = tpu.vector_load %arg9[%parallel_loop3A_348, %parallel_loop3A_349] {strides = array<i32>} : memref<200x64xf32, #tpu.memory_space<vmem>>, vector<16xf32>,
        %parallel_loop3A_351 = arith.addf %parallel_loop3A_345, %parallel_loop3A_350 : vector<16xf32>
        %parallel_loop3A_352 = arith.constant 0 : i32
        %parallel_loop3A_353 = arith.addi %parallel_loop3A_308, %parallel_loop3A_352 : i32
        %parallel_loop3A_354 = arith.index_cast %parallel_loop3A_353 : i32 to index
        %parallel_loop3A_355 = arith.constant 32 : index
        %parallel_loop3A_356 = tpu.vector_load %arg8[%parallel_loop3A_354, %parallel_loop3A_355] {strides = array<i32>} : memref<208x64xf32, #tpu.memory_space<vmem>>, vector<16xf32>,
        tpu.vector_store %arg8[%parallel_loop3A_354, %parallel_loop3A_355], %parallel_loop3A_351 {strides = array<i32>} : memref<208x64xf32, #tpu.memory_space<vmem>>, vector<16xf32>,
        %parallel_loop3A_357 = arith.constant 0 : i32
        %parallel_loop3A_358 = arith.addi %parallel_loop3A_308, %parallel_loop3A_357 : i32
        %parallel_loop3A_359 = arith.index_cast %parallel_loop3A_358 : i32 to index
        %parallel_loop3A_360 = arith.constant 48 : index
        %parallel_loop3A_361 = tpu.vector_load %arg8[%parallel_loop3A_359, %parallel_loop3A_360] {strides = array<i32>} : memref<208x64xf32, #tpu.memory_space<vmem>>, vector<16xf32>,
        %parallel_loop3A_362 = arith.constant 0 : i32
        %parallel_loop3A_363 = arith.addi %parallel_loop3A_308, %parallel_loop3A_362 : i32
        %parallel_loop3A_364 = arith.index_cast %parallel_loop3A_363 : i32 to index
        %parallel_loop3A_365 = arith.constant 48 : index
        %parallel_loop3A_366 = tpu.vector_load %arg9[%parallel_loop3A_364, %parallel_loop3A_365] {strides = array<i32>} : memref<200x64xf32, #tpu.memory_space<vmem>>, vector<16xf32>,
        %parallel_loop3A_367 = arith.addf %parallel_loop3A_361, %parallel_loop3A_366 : vector<16xf32>
        %parallel_loop3A_368 = arith.constant 0 : i32
        %parallel_loop3A_369 = arith.addi %parallel_loop3A_308, %parallel_loop3A_368 : i32
        %parallel_loop3A_370 = arith.index_cast %parallel_loop3A_369 : i32 to index
        %parallel_loop3A_371 = arith.constant 48 : index
        %parallel_loop3A_372 = tpu.vector_load %arg8[%parallel_loop3A_370, %parallel_loop3A_371] {strides = array<i32>} : memref<208x64xf32, #tpu.memory_space<vmem>>, vector<16xf32>,
        tpu.vector_store %arg8[%parallel_loop3A_370, %parallel_loop3A_371], %parallel_loop3A_367 {strides = array<i32>} : memref<208x64xf32, #tpu.memory_space<vmem>>, vector<16xf32>,
        %parallel_loop3A_373 = arith.constant 1 : i32
        %parallel_loop3A_374 = arith.addi %parallel_loop3A_308, %parallel_loop3A_373 : i32
        %parallel_loop3A_375 = arith.index_cast %parallel_loop3A_374 : i32 to index
        %parallel_loop3A_376 = arith.constant 0 : index
        %parallel_loop3A_377 = tpu.vector_load %arg8[%parallel_loop3A_375, %parallel_loop3A_376] {strides = array<i32>} : memref<208x64xf32, #tpu.memory_space<vmem>>, vector<16xf32>,
        %parallel_loop3A_378 = arith.constant 1 : i32
        %parallel_loop3A_379 = arith.addi %parallel_loop3A_308, %parallel_loop3A_378 : i32
        %parallel_loop3A_380 = arith.index_cast %parallel_loop3A_379 : i32 to index
        %parallel_loop3A_381 = arith.constant 0 : index
        %parallel_loop3A_382 = tpu.vector_load %arg9[%parallel_loop3A_380, %parallel_loop3A_381] {strides = array<i32>} : memref<200x64xf32, #tpu.memory_space<vmem>>, vector<16xf32>,
        %parallel_loop3A_383 = arith.addf %parallel_loop3A_377, %parallel_loop3A_382 : vector<16xf32>
        %parallel_loop3A_384 = arith.constant 1 : i32
        %parallel_loop3A_385 = arith.addi %parallel_loop3A_308, %parallel_loop3A_384 : i32
        %parallel_loop3A_386 = arith.index_cast %parallel_loop3A_385 : i32 to index
        %parallel_loop3A_387 = arith.constant 0 : index
        %parallel_loop3A_388 = tpu.vector_load %arg8[%parallel_loop3A_386, %parallel_loop3A_387] {strides = array<i32>} : memref<208x64xf32, #tpu.memory_space<vmem>>, vector<16xf32>,
        tpu.vector_store %arg8[%parallel_loop3A_386, %parallel_loop3A_387], %parallel_loop3A_383 {strides = array<i32>} : memref<208x64xf32, #tpu.memory_space<vmem>>, vector<16xf32>,
        %parallel_loop3A_389 = arith.constant 1 : i32
        %parallel_loop3A_390 = arith.addi %parallel_loop3A_308, %parallel_loop3A_389 : i32
        %parallel_loop3A_391 = arith.index_cast %parallel_loop3A_390 : i32 to index
        %parallel_loop3A_392 = arith.constant 16 : index
        %parallel_loop3A_393 = tpu.vector_load %arg8[%parallel_loop3A_391, %parallel_loop3A_392] {strides = array<i32>} : memref<208x64xf32, #tpu.memory_space<vmem>>, vector<16xf32>,
        %parallel_loop3A_394 = arith.constant 1 : i32
        %parallel_loop3A_395 = arith.addi %parallel_loop3A_308, %parallel_loop3A_394 : i32
        %parallel_loop3A_396 = arith.index_cast %parallel_loop3A_395 : i32 to index
        %parallel_loop3A_397 = arith.constant 16 : index
        %parallel_loop3A_398 = tpu.vector_load %arg9[%parallel_loop3A_396, %parallel_loop3A_397] {strides = array<i32>} : memref<200x64xf32, #tpu.memory_space<vmem>>, vector<16xf32>,
        %parallel_loop3A_399 = arith.addf %parallel_loop3A_393, %parallel_loop3A_398 : vector<16xf32>
        %parallel_loop3A_400 = arith.constant 1 : i32
        %parallel_loop3A_401 = arith.addi %parallel_loop3A_308, %parallel_loop3A_400 : i32
        %parallel_loop3A_402 = arith.index_cast %parallel_loop3A_401 : i32 to index
        %parallel_loop3A_403 = arith.constant 16 : index
        %parallel_loop3A_404 = tpu.vector_load %arg8[%parallel_loop3A_402, %parallel_loop3A_403] {strides = array<i32>} : memref<208x64xf32, #tpu.memory_space<vmem>>, vector<16xf32>,
        tpu.vector_store %arg8[%parallel_loop3A_402, %parallel_loop3A_403], %parallel_loop3A_399 {strides = array<i32>} : memref<208x64xf32, #tpu.memory_space<vmem>>, vector<16xf32>,
        %parallel_loop3A_405 = arith.constant 1 : i32
        %parallel_loop3A_406 = arith.addi %parallel_loop3A_308, %parallel_loop3A_405 : i32
        %parallel_loop3A_407 = arith.index_cast %parallel_loop3A_406 : i32 to index
        %parallel_loop3A_408 = arith.constant 32 : index
        %parallel_loop3A_409 = tpu.vector_load %arg8[%parallel_loop3A_407, %parallel_loop3A_408] {strides = array<i32>} : memref<208x64xf32, #tpu.memory_space<vmem>>, vector<16xf32>,
        %parallel_loop3A_410 = arith.constant 1 : i32
        %parallel_loop3A_411 = arith.addi %parallel_loop3A_308, %parallel_loop3A_410 : i32
        %parallel_loop3A_412 = arith.index_cast %parallel_loop3A_411 : i32 to index
        %parallel_loop3A_413 = arith.constant 32 : index
        %parallel_loop3A_414 = tpu.vector_load %arg9[%parallel_loop3A_412, %parallel_loop3A_413] {strides = array<i32>} : memref<200x64xf32, #tpu.memory_space<vmem>>, vector<16xf32>,
        %parallel_loop3A_415 = arith.addf %parallel_loop3A_409, %parallel_loop3A_414 : vector<16xf32>
        %parallel_loop3A_416 = arith.constant 1 : i32
        %parallel_loop3A_417 = arith.addi %parallel_loop3A_308, %parallel_loop3A_416 : i32
        %parallel_loop3A_418 = arith.index_cast %parallel_loop3A_417 : i32 to index
        %parallel_loop3A_419 = arith.constant 32 : index
        %parallel_loop3A_420 = tpu.vector_load %arg8[%parallel_loop3A_418, %parallel_loop3A_419] {strides = array<i32>} : memref<208x64xf32, #tpu.memory_space<vmem>>, vector<16xf32>,
        tpu.vector_store %arg8[%parallel_loop3A_418, %parallel_loop3A_419], %parallel_loop3A_415 {strides = array<i32>} : memref<208x64xf32, #tpu.memory_space<vmem>>, vector<16xf32>,
        %parallel_loop3A_421 = arith.constant 1 : i32
        %parallel_loop3A_422 = arith.addi %parallel_loop3A_308, %parallel_loop3A_421 : i32
        %parallel_loop3A_423 = arith.index_cast %parallel_loop3A_422 : i32 to index
        %parallel_loop3A_424 = arith.constant 48 : index
        %parallel_loop3A_425 = tpu.vector_load %arg8[%parallel_loop3A_423, %parallel_loop3A_424] {strides = array<i32>} : memref<208x64xf32, #tpu.memory_space<vmem>>, vector<16xf32>,
        %parallel_loop3A_426 = arith.constant 1 : i32
        %parallel_loop3A_427 = arith.addi %parallel_loop3A_308, %parallel_loop3A_426 : i32
        %parallel_loop3A_428 = arith.index_cast %parallel_loop3A_427 : i32 to index
        %parallel_loop3A_429 = arith.constant 48 : index
        %parallel_loop3A_430 = tpu.vector_load %arg9[%parallel_loop3A_428, %parallel_loop3A_429] {strides = array<i32>} : memref<200x64xf32, #tpu.memory_space<vmem>>, vector<16xf32>,
        %parallel_loop3A_431 = arith.addf %parallel_loop3A_425, %parallel_loop3A_430 : vector<16xf32>
        %parallel_loop3A_432 = arith.constant 1 : i32
        %parallel_loop3A_433 = arith.addi %parallel_loop3A_308, %parallel_loop3A_432 : i32
        %parallel_loop3A_434 = arith.index_cast %parallel_loop3A_433 : i32 to index
        %parallel_loop3A_435 = arith.constant 48 : index
        %parallel_loop3A_436 = tpu.vector_load %arg8[%parallel_loop3A_434, %parallel_loop3A_435] {strides = array<i32>} : memref<208x64xf32, #tpu.memory_space<vmem>>, vector<16xf32>,
        tpu.vector_store %arg8[%parallel_loop3A_434, %parallel_loop3A_435], %parallel_loop3A_431 {strides = array<i32>} : memref<208x64xf32, #tpu.memory_space<vmem>>, vector<16xf32>,
        %parallel_loop3A_437 = arith.constant 2 : i32
        %parallel_loop3A_438 = arith.addi %parallel_loop3A_308, %parallel_loop3A_437 : i32
        %parallel_loop3A_439 = arith.index_cast %parallel_loop3A_438 : i32 to index
        %parallel_loop3A_440 = arith.constant 0 : index
        %parallel_loop3A_441 = tpu.vector_load %arg8[%parallel_loop3A_439, %parallel_loop3A_440] {strides = array<i32>} : memref<208x64xf32, #tpu.memory_space<vmem>>, vector<16xf32>,
        %parallel_loop3A_442 = arith.constant 2 : i32
        %parallel_loop3A_443 = arith.addi %parallel_loop3A_308, %parallel_loop3A_442 : i32
        %parallel_loop3A_444 = arith.index_cast %parallel_loop3A_443 : i32 to index
        %parallel_loop3A_445 = arith.constant 0 : index
        %parallel_loop3A_446 = tpu.vector_load %arg9[%parallel_loop3A_444, %parallel_loop3A_445] {strides = array<i32>} : memref<200x64xf32, #tpu.memory_space<vmem>>, vector<16xf32>,
        %parallel_loop3A_447 = arith.addf %parallel_loop3A_441, %parallel_loop3A_446 : vector<16xf32>
        %parallel_loop3A_448 = arith.constant 2 : i32
        %parallel_loop3A_449 = arith.addi %parallel_loop3A_308, %parallel_loop3A_448 : i32
        %parallel_loop3A_450 = arith.index_cast %parallel_loop3A_449 : i32 to index
        %parallel_loop3A_451 = arith.constant 0 : index
        %parallel_loop3A_452 = tpu.vector_load %arg8[%parallel_loop3A_450, %parallel_loop3A_451] {strides = array<i32>} : memref<208x64xf32, #tpu.memory_space<vmem>>, vector<16xf32>,
        tpu.vector_store %arg8[%parallel_loop3A_450, %parallel_loop3A_451], %parallel_loop3A_447 {strides = array<i32>} : memref<208x64xf32, #tpu.memory_space<vmem>>, vector<16xf32>,
        %parallel_loop3A_453 = arith.constant 2 : i32
        %parallel_loop3A_454 = arith.addi %parallel_loop3A_308, %parallel_loop3A_453 : i32
        %parallel_loop3A_455 = arith.index_cast %parallel_loop3A_454 : i32 to index
        %parallel_loop3A_456 = arith.constant 16 : index
        %parallel_loop3A_457 = tpu.vector_load %arg8[%parallel_loop3A_455, %parallel_loop3A_456] {strides = array<i32>} : memref<208x64xf32, #tpu.memory_space<vmem>>, vector<16xf32>,
        %parallel_loop3A_458 = arith.constant 2 : i32
        %parallel_loop3A_459 = arith.addi %parallel_loop3A_308, %parallel_loop3A_458 : i32
        %parallel_loop3A_460 = arith.index_cast %parallel_loop3A_459 : i32 to index
        %parallel_loop3A_461 = arith.constant 16 : index
        %parallel_loop3A_462 = tpu.vector_load %arg9[%parallel_loop3A_460, %parallel_loop3A_461] {strides = array<i32>} : memref<200x64xf32, #tpu.memory_space<vmem>>, vector<16xf32>,
        %parallel_loop3A_463 = arith.addf %parallel_loop3A_457, %parallel_loop3A_462 : vector<16xf32>
        %parallel_loop3A_464 = arith.constant 2 : i32
        %parallel_loop3A_465 = arith.addi %parallel_loop3A_308, %parallel_loop3A_464 : i32
        %parallel_loop3A_466 = arith.index_cast %parallel_loop3A_465 : i32 to index
        %parallel_loop3A_467 = arith.constant 16 : index
        %parallel_loop3A_468 = tpu.vector_load %arg8[%parallel_loop3A_466, %parallel_loop3A_467] {strides = array<i32>} : memref<208x64xf32, #tpu.memory_space<vmem>>, vector<16xf32>,
        tpu.vector_store %arg8[%parallel_loop3A_466, %parallel_loop3A_467], %parallel_loop3A_463 {strides = array<i32>} : memref<208x64xf32, #tpu.memory_space<vmem>>, vector<16xf32>,
        %parallel_loop3A_469 = arith.constant 2 : i32
        %parallel_loop3A_470 = arith.addi %parallel_loop3A_308, %parallel_loop3A_469 : i32
        %parallel_loop3A_471 = arith.index_cast %parallel_loop3A_470 : i32 to index
        %parallel_loop3A_472 = arith.constant 32 : index
        %parallel_loop3A_473 = tpu.vector_load %arg8[%parallel_loop3A_471, %parallel_loop3A_472] {strides = array<i32>} : memref<208x64xf32, #tpu.memory_space<vmem>>, vector<16xf32>,
        %parallel_loop3A_474 = arith.constant 2 : i32
        %parallel_loop3A_475 = arith.addi %parallel_loop3A_308, %parallel_loop3A_474 : i32
        %parallel_loop3A_476 = arith.index_cast %parallel_loop3A_475 : i32 to index
        %parallel_loop3A_477 = arith.constant 32 : index
        %parallel_loop3A_478 = tpu.vector_load %arg9[%parallel_loop3A_476, %parallel_loop3A_477] {strides = array<i32>} : memref<200x64xf32, #tpu.memory_space<vmem>>, vector<16xf32>,
        %parallel_loop3A_479 = arith.addf %parallel_loop3A_473, %parallel_loop3A_478 : vector<16xf32>
        %parallel_loop3A_480 = arith.constant 2 : i32
        %parallel_loop3A_481 = arith.addi %parallel_loop3A_308, %parallel_loop3A_480 : i32
        %parallel_loop3A_482 = arith.index_cast %parallel_loop3A_481 : i32 to index
        %parallel_loop3A_483 = arith.constant 32 : index
        %parallel_loop3A_484 = tpu.vector_load %arg8[%parallel_loop3A_482, %parallel_loop3A_483] {strides = array<i32>} : memref<208x64xf32, #tpu.memory_space<vmem>>, vector<16xf32>,
        tpu.vector_store %arg8[%parallel_loop3A_482, %parallel_loop3A_483], %parallel_loop3A_479 {strides = array<i32>} : memref<208x64xf32, #tpu.memory_space<vmem>>, vector<16xf32>,
        %parallel_loop3A_485 = arith.constant 2 : i32
        %parallel_loop3A_486 = arith.addi %parallel_loop3A_308, %parallel_loop3A_485 : i32
        %parallel_loop3A_487 = arith.index_cast %parallel_loop3A_486 : i32 to index
        %parallel_loop3A_488 = arith.constant 48 : index
        %parallel_loop3A_489 = tpu.vector_load %arg8[%parallel_loop3A_487, %parallel_loop3A_488] {strides = array<i32>} : memref<208x64xf32, #tpu.memory_space<vmem>>, vector<16xf32>,
        %parallel_loop3A_490 = arith.constant 2 : i32
        %parallel_loop3A_491 = arith.addi %parallel_loop3A_308, %parallel_loop3A_490 : i32
        %parallel_loop3A_492 = arith.index_cast %parallel_loop3A_491 : i32 to index
        %parallel_loop3A_493 = arith.constant 48 : index
        %parallel_loop3A_494 = tpu.vector_load %arg9[%parallel_loop3A_492, %parallel_loop3A_493] {strides = array<i32>} : memref<200x64xf32, #tpu.memory_space<vmem>>, vector<16xf32>,
        %parallel_loop3A_495 = arith.addf %parallel_loop3A_489, %parallel_loop3A_494 : vector<16xf32>
        %parallel_loop3A_496 = arith.constant 2 : i32
        %parallel_loop3A_497 = arith.addi %parallel_loop3A_308, %parallel_loop3A_496 : i32
        %parallel_loop3A_498 = arith.index_cast %parallel_loop3A_497 : i32 to index
        %parallel_loop3A_499 = arith.constant 48 : index
        %parallel_loop3A_500 = tpu.vector_load %arg8[%parallel_loop3A_498, %parallel_loop3A_499] {strides = array<i32>} : memref<208x64xf32, #tpu.memory_space<vmem>>, vector<16xf32>,
        tpu.vector_store %arg8[%parallel_loop3A_498, %parallel_loop3A_499], %parallel_loop3A_495 {strides = array<i32>} : memref<208x64xf32, #tpu.memory_space<vmem>>, vector<16xf32>,
        %parallel_loop3A_501 = arith.constant 3 : i32
        %parallel_loop3A_502 = arith.addi %parallel_loop3A_308, %parallel_loop3A_501 : i32
        %parallel_loop3A_503 = arith.index_cast %parallel_loop3A_502 : i32 to index
        %parallel_loop3A_504 = arith.constant 0 : index
        %parallel_loop3A_505 = tpu.vector_load %arg8[%parallel_loop3A_503, %parallel_loop3A_504] {strides = array<i32>} : memref<208x64xf32, #tpu.memory_space<vmem>>, vector<16xf32>,
        %parallel_loop3A_506 = arith.constant 3 : i32
        %parallel_loop3A_507 = arith.addi %parallel_loop3A_308, %parallel_loop3A_506 : i32
        %parallel_loop3A_508 = arith.index_cast %parallel_loop3A_507 : i32 to index
        %parallel_loop3A_509 = arith.constant 0 : index
        %parallel_loop3A_510 = tpu.vector_load %arg9[%parallel_loop3A_508, %parallel_loop3A_509] {strides = array<i32>} : memref<200x64xf32, #tpu.memory_space<vmem>>, vector<16xf32>,
        %parallel_loop3A_511 = arith.addf %parallel_loop3A_505, %parallel_loop3A_510 : vector<16xf32>
        %parallel_loop3A_512 = arith.constant 3 : i32
        %parallel_loop3A_513 = arith.addi %parallel_loop3A_308, %parallel_loop3A_512 : i32
        %parallel_loop3A_514 = arith.index_cast %parallel_loop3A_513 : i32 to index
        %parallel_loop3A_515 = arith.constant 0 : index
        %parallel_loop3A_516 = tpu.vector_load %arg8[%parallel_loop3A_514, %parallel_loop3A_515] {strides = array<i32>} : memref<208x64xf32, #tpu.memory_space<vmem>>, vector<16xf32>,
        tpu.vector_store %arg8[%parallel_loop3A_514, %parallel_loop3A_515], %parallel_loop3A_511 {strides = array<i32>} : memref<208x64xf32, #tpu.memory_space<vmem>>, vector<16xf32>,
        %parallel_loop3A_517 = arith.constant 3 : i32
        %parallel_loop3A_518 = arith.addi %parallel_loop3A_308, %parallel_loop3A_517 : i32
        %parallel_loop3A_519 = arith.index_cast %parallel_loop3A_518 : i32 to index
        %parallel_loop3A_520 = arith.constant 16 : index
        %parallel_loop3A_521 = tpu.vector_load %arg8[%parallel_loop3A_519, %parallel_loop3A_520] {strides = array<i32>} : memref<208x64xf32, #tpu.memory_space<vmem>>, vector<16xf32>,
        %parallel_loop3A_522 = arith.constant 3 : i32
        %parallel_loop3A_523 = arith.addi %parallel_loop3A_308, %parallel_loop3A_522 : i32
        %parallel_loop3A_524 = arith.index_cast %parallel_loop3A_523 : i32 to index
        %parallel_loop3A_525 = arith.constant 16 : index
        %parallel_loop3A_526 = tpu.vector_load %arg9[%parallel_loop3A_524, %parallel_loop3A_525] {strides = array<i32>} : memref<200x64xf32, #tpu.memory_space<vmem>>, vector<16xf32>,
        %parallel_loop3A_527 = arith.addf %parallel_loop3A_521, %parallel_loop3A_526 : vector<16xf32>
        %parallel_loop3A_528 = arith.constant 3 : i32
        %parallel_loop3A_529 = arith.addi %parallel_loop3A_308, %parallel_loop3A_528 : i32
        %parallel_loop3A_530 = arith.index_cast %parallel_loop3A_529 : i32 to index
        %parallel_loop3A_531 = arith.constant 16 : index
        %parallel_loop3A_532 = tpu.vector_load %arg8[%parallel_loop3A_530, %parallel_loop3A_531] {strides = array<i32>} : memref<208x64xf32, #tpu.memory_space<vmem>>, vector<16xf32>,
        tpu.vector_store %arg8[%parallel_loop3A_530, %parallel_loop3A_531], %parallel_loop3A_527 {strides = array<i32>} : memref<208x64xf32, #tpu.memory_space<vmem>>, vector<16xf32>,
        %parallel_loop3A_533 = arith.constant 3 : i32
        %parallel_loop3A_534 = arith.addi %parallel_loop3A_308, %parallel_loop3A_533 : i32
        %parallel_loop3A_535 = arith.index_cast %parallel_loop3A_534 : i32 to index
        %parallel_loop3A_536 = arith.constant 32 : index
        %parallel_loop3A_537 = tpu.vector_load %arg8[%parallel_loop3A_535, %parallel_loop3A_536] {strides = array<i32>} : memref<208x64xf32, #tpu.memory_space<vmem>>, vector<16xf32>,
        %parallel_loop3A_538 = arith.constant 3 : i32
        %parallel_loop3A_539 = arith.addi %parallel_loop3A_308, %parallel_loop3A_538 : i32
        %parallel_loop3A_540 = arith.index_cast %parallel_loop3A_539 : i32 to index
        %parallel_loop3A_541 = arith.constant 32 : index
        %parallel_loop3A_542 = tpu.vector_load %arg9[%parallel_loop3A_540, %parallel_loop3A_541] {strides = array<i32>} : memref<200x64xf32, #tpu.memory_space<vmem>>, vector<16xf32>,
        %parallel_loop3A_543 = arith.addf %parallel_loop3A_537, %parallel_loop3A_542 : vector<16xf32>
        %parallel_loop3A_544 = arith.constant 3 : i32
        %parallel_loop3A_545 = arith.addi %parallel_loop3A_308, %parallel_loop3A_544 : i32
        %parallel_loop3A_546 = arith.index_cast %parallel_loop3A_545 : i32 to index
        %parallel_loop3A_547 = arith.constant 32 : index
        %parallel_loop3A_548 = tpu.vector_load %arg8[%parallel_loop3A_546, %parallel_loop3A_547] {strides = array<i32>} : memref<208x64xf32, #tpu.memory_space<vmem>>, vector<16xf32>,
        tpu.vector_store %arg8[%parallel_loop3A_546, %parallel_loop3A_547], %parallel_loop3A_543 {strides = array<i32>} : memref<208x64xf32, #tpu.memory_space<vmem>>, vector<16xf32>,
        %parallel_loop3A_549 = arith.constant 3 : i32
        %parallel_loop3A_550 = arith.addi %parallel_loop3A_308, %parallel_loop3A_549 : i32
        %parallel_loop3A_551 = arith.index_cast %parallel_loop3A_550 : i32 to index
        %parallel_loop3A_552 = arith.constant 48 : index
        %parallel_loop3A_553 = tpu.vector_load %arg8[%parallel_loop3A_551, %parallel_loop3A_552] {strides = array<i32>} : memref<208x64xf32, #tpu.memory_space<vmem>>, vector<16xf32>,
        %parallel_loop3A_554 = arith.constant 3 : i32
        %parallel_loop3A_555 = arith.addi %parallel_loop3A_308, %parallel_loop3A_554 : i32
        %parallel_loop3A_556 = arith.index_cast %parallel_loop3A_555 : i32 to index
        %parallel_loop3A_557 = arith.constant 48 : index
        %parallel_loop3A_558 = tpu.vector_load %arg9[%parallel_loop3A_556, %parallel_loop3A_557] {strides = array<i32>} : memref<200x64xf32, #tpu.memory_space<vmem>>, vector<16xf32>,
        %parallel_loop3A_559 = arith.addf %parallel_loop3A_553, %parallel_loop3A_558 : vector<16xf32>
        %parallel_loop3A_560 = arith.constant 3 : i32
        %parallel_loop3A_561 = arith.addi %parallel_loop3A_308, %parallel_loop3A_560 : i32
        %parallel_loop3A_562 = arith.index_cast %parallel_loop3A_561 : i32 to index
        %parallel_loop3A_563 = arith.constant 48 : index
        %parallel_loop3A_564 = tpu.vector_load %arg8[%parallel_loop3A_562, %parallel_loop3A_563] {strides = array<i32>} : memref<208x64xf32, #tpu.memory_space<vmem>>, vector<16xf32>,
        tpu.vector_store %arg8[%parallel_loop3A_562, %parallel_loop3A_563], %parallel_loop3A_559 {strides = array<i32>} : memref<208x64xf32, #tpu.memory_space<vmem>>, vector<16xf32>,
      } {sc.loop_unroll_factor = 2 : i64, sc.parallel_access}
      %add3A_293 = arith.addi %mul3A_2, %add3A_233 : i32
      %dma_start3A_294 = arith.constant 0 : i32
      %dma_start3A_295 = arith.constant 0 : i32
      %dma_start3A_296 = tpu.memref_slice %arg8[%dma_start3A_294, %dma_start3A_295] : memref<208x64xf32, #tpu.memory_space<vmem>> -> memref<200x64xf32, #tpu.memory_space<vmem>>
      %dma_start3A_297 = arith.constant 0 : i32
      %dma_start3A_298 = arith.constant 0 : i32
      %dma_start3A_299 = tpu.memref_slice %arg5[%add3A_293, %dma_start3A_297, %dma_start3A_298] : memref<1024x200x64xf32, #tpu.memory_space<hbm>> -> memref<1x200x64xf32, #tpu.memory_space<hbm>>
      %dma_start3A_300 = tpu.memref_squeeze %dma_start3A_299 : memref<1x200x64xf32, #tpu.memory_space<hbm>> -> memref<200x64xf32, #tpu.memory_space<hbm>>
      %dma_start3A_301 = arith.constant 0 : i32
      %dma_start3A_302 = arith.constant 0 : i32
      %dma_start3A_303 = tpu.memref_slice %arg5[%add3A_293, %dma_start3A_301, %dma_start3A_302] : memref<1024x200x64xf32, #tpu.memory_space<hbm>> -> memref<1x200x64xf32, #tpu.memory_space<hbm>>
      %dma_start3A_304 = tpu.memref_squeeze %dma_start3A_303 : memref<1x200x64xf32, #tpu.memory_space<hbm>> -> memref<200x64xf32, #tpu.memory_space<hbm>>
      %dma_start3A_305 = arith.constant 0 : i32
      %dma_start3A_306 = arith.constant 0 : i32
      %dma_start3A_307 = tpu.memref_slice %arg8[%dma_start3A_305, %dma_start3A_306] : memref<208x64xf32, #tpu.memory_space<vmem>> -> memref<200x64xf32, #tpu.memory_space<vmem>>
      tpu.enqueue_dma source(%dma_start3A_307 : memref<200x64xf32, #tpu.memory_space<vmem>>) target(%dma_start3A_304 : memref<200x64xf32, #tpu.memory_space<hbm>>) target_semaphore(%arg13 : memref<!tpu.dma_semaphore, #tpu.memory_space<semaphore_mem>>)
    }
    %scan3A_108 = arith.constant 16 : i32
    %dma_wait3A = arith.constant 0 : i32
    %dma_wait3A_109 = arith.constant 0 : i32
    %dma_wait3A_110 = tpu.memref_slice %arg7[%dma_wait3A, %dma_wait3A_109] : memref<208x64xf32, #tpu.memory_space<vmem>> -> memref<104x64xf32, #tpu.memory_space<vmem>>
    %dma_wait3A_111 = arith.constant 0 : i32
    %dma_wait3A_112 = tpu.memref_slice %arg6[%dma_wait3A_111] : memref<6608xi32, #tpu.memory_space<vmem>> -> memref<104xi32, #tpu.memory_space<vmem>>
    %dma_wait3A_113 = arith.constant 0 : i32
    %dma_wait3A_114 = arith.constant 0 : i32
    %dma_wait3A_115 = tpu.memref_slice %arg3[%dma_wait3A_113, %dma_wait3A_114] : memref<1000000x64xf32, #tpu.memory_space<hbm>> -> memref<1000000x64xf32, #tpu.memory_space<hbm>>
    tpu.wait_indirect_dma semaphore(%arg10 : memref<!tpu.dma_semaphore, #tpu.memory_space<semaphore_mem>>) src(%dma_wait3A_115 : memref<1000000x64xf32, #tpu.memory_space<hbm>>) dst(%dma_wait3A_110 : memref<104x64xf32, #tpu.memory_space<vmem>>)
    %dma_wait3A_116 = arith.constant 104 : i32
    %dma_wait3A_117 = arith.constant 0 : i32
    %dma_wait3A_118 = tpu.memref_slice %arg7[%dma_wait3A_116, %dma_wait3A_117] : memref<208x64xf32, #tpu.memory_space<vmem>> -> memref<96x64xf32, #tpu.memory_space<vmem>>
    %dma_wait3A_119 = arith.constant 0 : i32
    %dma_wait3A_120 = tpu.memref_slice %arg6[%dma_wait3A_119] : memref<6608xi32, #tpu.memory_space<vmem>> -> memref<96xi32, #tpu.memory_space<vmem>>
    %dma_wait3A_121 = arith.constant 0 : i32
    %dma_wait3A_122 = arith.constant 0 : i32
    %dma_wait3A_123 = tpu.memref_slice %arg3[%dma_wait3A_121, %dma_wait3A_122] : memref<1000000x64xf32, #tpu.memory_space<hbm>> -> memref<1000000x64xf32, #tpu.memory_space<hbm>>
    tpu.wait_indirect_dma semaphore(%arg10 : memref<!tpu.dma_semaphore, #tpu.memory_space<semaphore_mem>>) src(%dma_wait3A_123 : memref<1000000x64xf32, #tpu.memory_space<hbm>>) dst(%dma_wait3A_118 : memref<96x64xf32, #tpu.memory_space<vmem>>)
    %dma_wait3A_124 = arith.constant 0 : i32
    %dma_wait3A_125 = arith.constant 0 : i32
    %dma_wait3A_126 = tpu.memref_slice %arg7[%dma_wait3A_124, %dma_wait3A_125] : memref<208x64xf32, #tpu.memory_space<vmem>> -> memref<200x64xf32, #tpu.memory_space<vmem>>
    %dma_wait3A_127 = arith.constant 0 : i32
    %dma_wait3A_128 = arith.constant 0 : i32
    %dma_wait3A_129 = tpu.memref_slice %arg5[%mul3A_2, %dma_wait3A_127, %dma_wait3A_128] : memref<1024x200x64xf32, #tpu.memory_space<hbm>> -> memref<1x200x64xf32, #tpu.memory_space<hbm>>
    %dma_wait3A_130 = tpu.memref_squeeze %dma_wait3A_129 : memref<1x200x64xf32, #tpu.memory_space<hbm>> -> memref<200x64xf32, #tpu.memory_space<hbm>>
    %dma_wait3A_131 = arith.constant 0 : i32
    %dma_wait3A_132 = arith.constant 0 : i32
    %dma_wait3A_133 = tpu.memref_slice %arg5[%mul3A_2, %dma_wait3A_131, %dma_wait3A_132] : memref<1024x200x64xf32, #tpu.memory_space<hbm>> -> memref<1x200x64xf32, #tpu.memory_space<hbm>>
    %dma_wait3A_134 = tpu.memref_squeeze %dma_wait3A_133 : memref<1x200x64xf32, #tpu.memory_space<hbm>> -> memref<200x64xf32, #tpu.memory_space<hbm>>
    %dma_wait3A_135 = arith.constant 0 : i32
    %dma_wait3A_136 = arith.constant 0 : i32
    %dma_wait3A_137 = tpu.memref_slice %arg7[%dma_wait3A_135, %dma_wait3A_136] : memref<208x64xf32, #tpu.memory_space<vmem>> -> memref<200x64xf32, #tpu.memory_space<vmem>>
    tpu.wait_dma2 semaphore(%arg12 : memref<!tpu.dma_semaphore, #tpu.memory_space<semaphore_mem>>) src(%dma_wait3A_137 : memref<200x64xf32, #tpu.memory_space<vmem>>) dst(%dma_wait3A_134 : memref<200x64xf32, #tpu.memory_space<hbm>>)
    %dma_wait3A_138 = arith.constant 0 : i32
    %dma_wait3A_139 = arith.constant 0 : i32
    %dma_wait3A_140 = tpu.memref_slice %arg8[%dma_wait3A_138, %dma_wait3A_139] : memref<208x64xf32, #tpu.memory_space<vmem>> -> memref<200x64xf32, #tpu.memory_space<vmem>>
    %dma_wait3A_141 = arith.constant 0 : i32
    %dma_wait3A_142 = arith.constant 0 : i32
    %dma_wait3A_143 = tpu.memref_slice %arg5[%mul3A_2, %dma_wait3A_141, %dma_wait3A_142] : memref<1024x200x64xf32, #tpu.memory_space<hbm>> -> memref<1x200x64xf32, #tpu.memory_space<hbm>>
    %dma_wait3A_144 = tpu.memref_squeeze %dma_wait3A_143 : memref<1x200x64xf32, #tpu.memory_space<hbm>> -> memref<200x64xf32, #tpu.memory_space<hbm>>
    %dma_wait3A_145 = arith.constant 0 : i32
    %dma_wait3A_146 = arith.constant 0 : i32
    %dma_wait3A_147 = tpu.memref_slice %arg5[%mul3A_2, %dma_wait3A_145, %dma_wait3A_146] : memref<1024x200x64xf32, #tpu.memory_space<hbm>> -> memref<1x200x64xf32, #tpu.memory_space<hbm>>
    %dma_wait3A_148 = tpu.memref_squeeze %dma_wait3A_147 : memref<1x200x64xf32, #tpu.memory_space<hbm>> -> memref<200x64xf32, #tpu.memory_space<hbm>>
    %dma_wait3A_149 = arith.constant 0 : i32
    %dma_wait3A_150 = arith.constant 0 : i32
    %dma_wait3A_151 = tpu.memref_slice %arg8[%dma_wait3A_149, %dma_wait3A_150] : memref<208x64xf32, #tpu.memory_space<vmem>> -> memref<200x64xf32, #tpu.memory_space<vmem>>
    tpu.wait_dma2 semaphore(%arg13 : memref<!tpu.dma_semaphore, #tpu.memory_space<semaphore_mem>>) src(%dma_wait3A_151 : memref<200x64xf32, #tpu.memory_space<vmem>>) dst(%dma_wait3A_148 : memref<200x64xf32, #tpu.memory_space<hbm>>)
    return
  }
}

</mosaic_0001>

<sc_bundles>
// kernel: kernel.3.cloned.1.call-start
scs
__scs_entry_jumppad:
0x0: {  	(pc) =	sbr.rel $0x88, $3  }
0x1: {  	(tag) =	ssettag $0x0;
	lr =	simm.s32 $0x1  }
0x2: {  	[smem:$0x3F9E] =	sst lr;
	_ =	strace $0xD0000000  }
0x3: {  	_ = 	snop  }
0x4: {  	_ = 	snop  }
0x5: {  	_ = 	snop  }
0x6: {  	_ = 	snop  }
0x7: {  	_ = 	snop  }
__scs_overlays_trampoline_lowered:
0x8: {  	[smem:$0x3FAD] =	sst s0  }
0x9: {  	[smem:$0x3FAE] =	sst s1  }
0xa: {  	[smem:$0x3FAF] =	sst s2  }
0xb: {  	[smem:$0x3FB0] =	sst s3  }
0xc: {  	[smem:$0x3FB1] =	sst s4  }
0xd: {  	[smem:$0x3FB2] =	sst s5  }
0xe: {  	[smem:$0x3FB3] =	sst s6  }
0xf: {  	[smem:$0x3FB4] =	sst s7  }
0x10: {  	[smem:$0x3FB5] =	sst s8  }
0x11: {  	[smem:$0x3FB6] =	sst s9;
	s0 =	simm.s32 @!p0 $0x0  }
0x12: {  	s1 =	sld [smem:$0x3F9C];
	s0 =	simm.s32 @p0 $0x1  }
0x13: {  	[smem:$0x3FB7] =	sst s0;
	s0 =	simm.s32 @!p1 $0x0  }
0x14: {  	s2 =	sld [smem:$0x3F9B];
	s0 =	simm.s32 @p1 $0x1  }
0x15: {  	[smem:$0x3FB8] =	sst s0;
	s0 =	simm.s32 @!p2 $0x0  }
0x16: {  	s3 =	sld [smem:$0x3FDB];
	s0 =	simm.s32 @p2 $0x1  }
0x17: {  	s4 =	simm.s32 $0x1BF5;
	[smem:$0x3FBA] =	sst s0  }
0x18: {  	s0 =	sld [smem:$0x3F9D];
	_ =	swait.ge [sflag:s4], $0x0  }
0x19: {  	s7 =	sld [smem:$0x3F9E]  }
0x1a: {  	s8 =	sadd.s32 $0xFFFFE003, lr  }
0x1b: {  	s9 =	sadd.s32 $0xFFFFFEF7, lr;
	s5 =	simm.s32 $0xFFFFFFFF;
	p2 =	slt.u32 s8, $0xFFFFF086  }
0x1c: {  	p1 =	slt.u32 s9, $0xF7A;
	s5 =	simm.s32 @!p2 $0x0  }
0x1d: {  	s5 =	simm.s32 @p1 $0x1;
	p0 =	seq.s32 s7, s2  }
0x1e: {  	s7 =	smul.u32 @!p0 $0xF7A, s2;
	p2 =	seq.s32 @!p0 s5, $0x0  }
0x1f: {  	s9 =	smul.u32 $0xF7A, s1;
	s8 =	simm.s32 @!p0 $0x1BF5;
	p2 =	por !p2, p0  }
0x20: {  	[sflag:s8] =	ssyncset.s32 @!p0 $0xFFFFF086;
	s6 =	sadd.s32 @!p0 s3, s7;
	s7 =	simm.s32 @!p0 $0x108  }
0x21: {  	s3 =	sadd.s32 s3, s9;
	s6 =	sadd.s32 @!p0 $0x88, s6;
	s7 =	simm.s32 @p2 $0x1082  }
0x22: {  	[simem:s7], [sflag:s8] =	dma.local @!p0 [hbm:s6], $0xF7A  }
0x23: {  	s9 =	sor.u32 $0xD0000000, s2;
	s6 =	simm.s32 $0x108;
	_ =	swait.ge @!p0 [sflag:s8], $0x0  }
0x24: {  	s3 =	sadd.s32 $0x88, s3;
	s6 =	simm.s32 @!p1 $0x1082;
	[sflag:s4] =	ssyncset.s32 $0xFFFFF086  }
0x25: {  	[simem:s6], [sflag:s4] =	dma.local [hbm:s3], $0xF7A  }
0x26: {  	[smem:$0x3F9E] =	sst s1;
	(tag) =	ssettag s2;
	_ =	strace s9  }
0x27: {  	s1 =	sld [smem:$0x3FAE]  }
0x28: {  	s2 =	sld [smem:$0x3FAF]  }
0x29: {  	s4 =	sld [smem:$0x3FB1]  }
0x2a: {  	p0 =	seq.s32 s5, $0x0;
	s5 =	sld [smem:$0x3FB2]  }
0x2b: {  	s6 =	sld [smem:$0x3FB3]  }
0x2c: {  	s7 =	sld [smem:$0x3FB4]  }
0x2d: {  	s3 =	simm.s32 $0x108;
	s8 =	sld [smem:$0x3FB5]  }
0x2e: {  	s3 =	simm.s32 @!p0 $0x1082;
	s9 =	sld [smem:$0x3FB6]  }
0x2f: {  	lr =	sadd.s32 s0, s3;
	s0 =	sld [smem:$0x3FAD]  }
0x30: {  	s3 =	sld [smem:$0x3FB0]  }
0x31: {  	[smem:$0x3FB9] =	sst s10  }
0x32: {  	s10 =	sld [smem:$0x3FB7];
	_ =	sdelay $0x3  }
0x33: {  	p0 =	seq.s32 s10, $0x1;
	s10 =	sld [smem:$0x3FB9];
	_ =	sdelay $0x3  }
0x34: {  	[smem:$0x3FB9] =	sst s10  }
0x35: {  	s10 =	sld [smem:$0x3FB8];
	_ =	sdelay $0x3  }
0x36: {  	p1 =	seq.s32 s10, $0x1;
	s10 =	sld [smem:$0x3FB9];
	_ =	sdelay $0x3  }
0x37: {  	[smem:$0x3FB9] =	sst s10  }
0x38: {  	s10 =	sld [smem:$0x3FBA]  }
0x39: {  	_ = 	snop;
	(pc) =	sbr.ind lr, $3  }
0x3a: {  	_ = 	snop  }
0x3b: {  	_ = 	snop  }
0x3c: {  	p2 =	seq.s32 s10, $0x1;
	s10 =	sld [smem:$0x3FB9]  }
0x3d: {  	_ =	shalt  }
0x3e: {  	_ =	shalt  }
0x3f: {  	_ =	shalt  }
0x40: {  	_ =	shalt  }
0x41: {  	_ =	shalt  }
0x42: {  	_ =	shalt  }
0x43: {  	_ =	shalt  }
0x44: {  	_ =	shalt  }
0x45: {  	_ =	shalt  }
0x46: {  	_ =	shalt  }
0x47: {  	_ =	shalt  }
0x48: {  	_ =	shalt  }
0x49: {  	_ =	shalt  }
0x4a: {  	_ =	shalt  }
0x4b: {  	_ =	shalt  }
0x4c: {  	_ =	shalt  }
0x4d: {  	_ =	shalt  }
0x4e: {  	_ =	shalt  }
0x4f: {  	_ =	shalt  }
0x50: {  	_ =	shalt  }
0x51: {  	_ =	shalt  }
0x52: {  	_ =	shalt  }
0x53: {  	_ =	shalt  }
0x54: {  	_ =	shalt  }
0x55: {  	_ =	shalt  }
0x56: {  	_ =	shalt  }
0x57: {  	_ =	shalt  }
0x58: {  	_ =	shalt  }
0x59: {  	_ =	shalt  }
0x5a: {  	_ =	shalt  }
0x5b: {  	_ =	shalt  }
0x5c: {  	_ =	shalt  }
0x5d: {  	_ =	shalt  }
0x5e: {  	_ =	shalt  }
0x5f: {  	_ =	shalt  }
0x60: {  	_ =	shalt  }
0x61: {  	_ =	shalt  }
0x62: {  	_ =	shalt  }
0x63: {  	_ =	shalt  }
0x64: {  	_ =	shalt  }
0x65: {  	_ =	shalt  }
0x66: {  	_ =	shalt  }
0x67: {  	_ =	shalt  }
0x68: {  	_ =	shalt  }
0x69: {  	_ =	shalt  }
0x6a: {  	_ =	shalt  }
0x6b: {  	_ =	shalt  }
0x6c: {  	_ =	shalt  }
0x6d: {  	_ =	shalt  }
0x6e: {  	_ =	shalt  }
0x6f: {  	_ =	shalt  }
0x70: {  	_ =	shalt  }
0x71: {  	_ =	shalt  }
0x72: {  	_ =	shalt  }
0x73: {  	_ =	shalt  }
0x74: {  	_ =	shalt  }
0x75: {  	_ =	shalt  }
0x76: {  	_ =	shalt  }
0x77: {  	_ =	shalt  }
0x78: {  	_ =	shalt  }
0x79: {  	_ =	shalt  }
0x7a: {  	_ =	shalt  }
0x7b: {  	_ =	shalt  }
0x7c: {  	_ =	shalt  }
0x7d: {  	_ =	shalt  }
0x7e: {  	_ =	shalt  }
0x7f: {  	_ =	shalt  }
0x80: {  	_ =	shalt  }
0x81: {  	_ =	shalt  }
0x82: {  	_ =	shalt  }
0x83: {  	_ =	shalt  }
0x84: {  	_ =	shalt  }
0x85: {  	_ =	shalt  }
0x86: {  	_ =	shalt  }
0x87: {  	_ =	shalt  }
.Lfunc_end0:
.L_simem_size_0:
called_computation.1_lowered:
.L_overlay_start_0:
0x88: {  	s2 =	sld [smem:$0x3FD9]  }
0x89: {  	s3 =	sld [smem:$0x3FFE];
	_ =	sdelay $0x1  }
0x8a: {  	s1 =	srdreg.scid  }
0x8b: {  	s0 =	sand.u32 $0x1, s1  }
0x8c: {  	s17 =	sshll.u32 s0, $0xA;
	s2 =	sadd.s32 s3, s2  }
0x8d: {  	s2 =	sadd.s32 s2, s17  }
0x8e: {  	[smem:$0x3FC5] =	sst s2  }
0x8f: {  	_ = 	snop  }
0x90: {  	s2 =	sld [smem:$0x3FD0];
	(tm) =	ssettm $0x1  }
0x91: {  	s18 =	sld [smem:$0x3FFB];
	_ =	sdelay $0x3  }
0x92: {  	_ =	strace s18  }
0x93: {  	s3 =	sld [smem:$0x3FFC];
	_ =	sdelay $0x3  }
0x94: {  	_ =	strace s3  }
0x95: {  	s3 =	sld [smem:$0x3FFD];
	_ =	sdelay $0x3  }
0x96: {  	_ =	strace s3  }
0x97: {  	_ =	strace $0x8FFFFFFF  }
0x98: {  	s19 =	sld [smem:$0x3FDB];
	_ =	sdelay $0x1  }
0x99: {  	s4 =	simm.s32 $_scs_section_size  }
0x9a: {  	s5 =	simm.s32 $_size__tile_overlayer_lowered;
	s6 =	simm.s32 $_tile_overlayer_lowered  }
0x9b: {  	s22 =	simm.s32 $0x1BFF;
	s21 =	sshll.u32 s6, $0x1;
	s3 =	sadd.s32 s4, s19  }
0x9c: {  	s7 =	simm.s32 $0x0;
	s20 =	sshll.u32 s5, $0x1;
	s5 =	sadd.s32 s21, s3  }
0x9d: {  	[timem:s7], [sflag:s22] =	dma.local [hbm:s5], s20  }
0x9e: {  	_ =	swait.ge [sflag:s22], s20  }
0x9f: {  	s4 =	ssub.s32 $0x0, s20;
	[sflag:s22] =	ssyncset.done $0x0  }
0xa0: {  	[sflag:s22] =	ssyncadd.s32 s4;
	_ =	sdelay $0x1  }
0xa1: {  	s23 =	simm.s32 $0x1B8B  }
0xa2: {  	_ =	swait.ge [sflag:s23], $0x1  }
0xa3: {  	[sflag:s23] =	ssyncset.done $0x0  }
0xa4: {  	s25 =	simm.s32 $0x1B8E;
	s24 =	sld [smem:$0x3FFE];
	[sflag:s23] =	ssyncadd.s32 $0xFFFFFFFF  }
0xa5: {  	s26 =	simm.s32 $execute0_lowered;
	[smem:$0x3FD2] =	sst s25  }
0xa6: {  	s5 =	sshll.u32 s26, $0x1;
	_ =	strace $0x80000046;
	[dreg:$0x1] =	wrdreg $0xFFFFFFFF  }
0xa7: {  	s28 =	simm.s32 $_size_execute0_lowered;
	s3 =	sadd.s32 s3, s5;
	[dreg:$0x0] =	wrdreg $0x0  }
0xa8: {  	s5 =	sshll.u32 s28, $0x1;
	[dreg:$0x2] =	wrdreg s3  }
0xa9: {  	[dreg:$0x3] =	wrdreg s5  }
0xaa: {  	[dreg:$0x4] =	wrdreg $0xC0  }
0xab: {  	_ =	task [dreg:s7], $0x5FFFF  }
0xac: {  	[dreg:$0x1] =	wrdreg $0xFFFFFFFF  }
0xad: {  	[dreg:$0x0] =	wrdreg $0x60  }
0xae: {  	[dreg:$0x2] =	wrdreg s24  }
0xaf: {  	[dreg:$0x3] =	wrdreg s2  }
0xb0: {  	[dreg:$0x4] =	wrdreg $0x9  }
0xb1: {  	_ =	task.clear_ibuf [dreg:s7], $0x5FFFF;
	_ =	strace $0x90000046  }
0xb2: {  	s29 =	simm.s32 $0x9;
	_ =	strace $0x80000048  }
0xb3: {  	_ =	swait.ge [sflag:s29], $0x1  }
0xb4: {  	[sflag:s29] =	ssyncadd.s32 $0xFFFFFFFF  }
0xb5: {  	_ =	strace $0x90000048  }
0xb6: {  	_ =	sfence  }
0xb7: {  	s30 =	sld [smem:$0x0];
	_ =	sdelay $0x2  }
0xb8: {  	s31 =	sshll.u32 s1, $0xD;
	s1 =	sshrl.u32 s1, $0x2  }
0xb9: {  	s3 =	sand.u32 $0x4000, s31;
	s1 =	sadd.s32 s1, s30  }
0xba: {  	s0 =	sor.u32 s3, s0;
	s1 =	sshll.u32 s1, $0x11  }
0xbb: {  	s0 =	sor.u32 s1, s0  }
0xbc: {  	s0 =	sadd.s32 $0x8F2B, s0  }
0xbd: {  	[sflag:s0] =	ssyncadd.remote.s32 $0x1  }
0xbe: {  	_ =	sfence.sel $0xFFFF  }
0xbf: {  	[dreg:$0x0] =	wrdreg $0xFFFFFFFF;
	(pc) =	sbr.abs _section_cstart, $3  }
0xc0: {  	[dreg:$0x1] =	wrdreg $0xFFFFFFFF  }
0xc1: {  	_ =	task.clear_ibuf [dreg:s7], $0x2FFFF;
	_ =	strace $0x9FFFFFFF  }
0xc2: {  	(tm) =	ssettm $0x7FFFFFFF  }
0xc3: {  	_ =	shalt  }
tec
execute0_lowered:
.L_overlay_start_1:
0x0: {  	(tag) =	ssettag $0x1  }
0x1: {  	s0 =	rddreg [dreg:$0x0]  }
0x2: {  	s1 =	srdreg.scid;
	s3 =	stileid.u32  }
0x3: {  	s2 =	rddreg [dreg:$0x1];
	s12 =	simm.s32 $0x5;
	s13 =	simm.s32 $0x19D0  }
0x4: {  	s14 =	simm.s32 $0x4DD0;
	s15 =	simm.s32 $0x68;
	s16 =	simm.s32 $0x60  }
0x5: {  	s17 =	simm.s32 $0x33D0;
	s18 =	simm.s32 $0x4;
	s19 =	simm.s32 $0x67D0  }
0x6: {  	s20 =	simm.s32 $0x1;
	s1 =	sand.u32 $0x1, s1;
	s4 =	sshll.u32 s3, $0x1  }
0x7: {  	s21 =	simm.s32 $0x3;
	s3 =	simm.s32 $0x0;
	s5 =	sor.u32 s1, s4  }
0x8: {  	[smem:$0x7FF] =	sst s3;
	s1 =	ssub.s32 $0x2, s1;
	s4 =	smul.u32 $0x320, s5  }
0x9: {  	_ =	strace $0x80000047;
	s6 =	sshrl.u32 s1, $0x1;
	s8 =	smul.u32 $0xC800, s5  }
0xa: {  	s7 =	sadd.s32 s4, s0;
	s4 =	sadd.s32 $0xF43000, s0;
	s0 =	sadd.s32 $0x7000, s0  }
0xb: {  	s8 =	sadd.s32 s2, s8;
	[dreg:$0x3] =	wrdreg s0;
	s30 =	sadd.s32 $0xC00, s7  }
0xc: {  	s29 =	ssub.s32 s1, s6;
	s31 =	sadd.s32 $0x640, s8;
	[dreg:$0x4] =	wrdreg s30  }
0xd: {  	v2 =	vlaneseq.u32;
	s22 =	simm.s32 $0x2;
	s0 =	smax.u32 s29, $0x1;
	[dreg:$0x5] =	wrdreg s31  }
0xe: {  	v0 =	vimm.s32 $0x0;
	v1 =	vimm.f32 $0.0e+00;
	s23 =	simm.s32 $0x0;
	v2 =	vmul.u32 $0x40, v2;
	s6 =	sshll.u32 s5, $0x5;
	[dreg:$0x6] =	wrdreg s0  }
.LBB2_1:
0xf: {  	s0 =	rddreg [dreg:$0x3];
	s1 =	simm.s32 $0x81D0  }
0x10: {  	[tilespmem:s1], [sflag:$0x5] =	stream.linear.gather [hbm4b:s0+s3], $0x3200, $0x38;
	[tilespmem:$0xB3D0] =	vst v63  }
0x11: {  	_ =	swait.ge [sflag:s12], $0x3200  }
0x12: {  	[sflag:s12] =	ssyncset.done $0x0  }
0x13: {  	s30 =	rddreg [dreg:$0x4];
	[sflag:s12] =	ssyncadd.s32 $0xFFFFCE00  }
0x14: {  	[tilespmem:s3], [sflag:$0x5] =	stream.linear.gather [hbm4b:s30+s3], $0x1900, $0x38;
	[tilespmem:$0xB3D0] =	vst v63  }
0x15: {  	_ =	swait.ge [sflag:s12], $0x1900  }
0x16: {  	[sflag:s12] =	ssyncset.done $0x0  }
0x17: {  	[sflag:s12] =	ssyncadd.s32 $0xFFFFE700  }
0x18: {  	[tilespmem:$0x1900] =	vst v0  }
0x19: {  	[tilespmem:$0x1910] =	vst v0  }
0x1a: {  	[tilespmem:$0x1920] =	vst v0  }
0x1b: {  	[tilespmem:$0x1930] =	vst v0  }
0x1c: {  	[tilespmem:$0x1940] =	vst v0  }
0x1d: {  	[tilespmem:$0x1950] =	vst v0  }
0x1e: {  	[tilespmem:$0x1960] =	vst v0  }
0x1f: {  	[tilespmem:$0x1970] =	vst v0  }
0x20: {  	[tilespmem:$0x1980] =	vst v0  }
0x21: {  	[tilespmem:$0x1990] =	vst v0  }
0x22: {  	[tilespmem:$0x19A0] =	vst v0  }
0x23: {  	[tilespmem:$0x19B0] =	vst v0  }
0x24: {  	[tilespmem:$0x19C0] =	vst v0  }
0x25: {  	[hbm4b:s8+s3] =	stream.linear.scatter [tilespmem:s13], [sflag:$0x3], $0x3200, $0x38;
	[tilespmem:$0xB3D0] =	vst v63  }
0x26: {  	s31 =	rddreg [dreg:$0x5]  }
0x27: {  	[hbm4b:s31+s3] =	stream.linear.scatter [tilespmem:s14], [sflag:$0x4], $0x3200, $0x38;
	[tilespmem:$0xB3D0] =	vst v63  }
0x28: {  	_ = 	snop  }
0x29: {  	[tilespmem:s13], [sflag:$0x1] =	stream.indirect.gather [hbm4b:s4+s15], $0x40, s3, s15, $0xb8;
	[tilespmem:$0xB3D0] =	vst v63  }
0x2a: {  	s24 =	simm.s32 $0xC8;
	s25 =	simm.s32 $0x0;
	s26 =	simm.s32 $0x0  }
0x2b: {  	[tilespmem:s17], [sflag:$0x1] =	stream.indirect.gather [hbm4b:s4+s16], $0x40, s15, s16, $0xb8;
	[tilespmem:$0xB3D0] =	vst v63  }
.LBB2_2:
0x2c: {  	s28 =	sshllo.u32 s26, $0x1  }
0x2d: {  	_ =	swait.ge [sflag:s18], $0x3200;
	s0 =	smul.u32 $0x320, s28  }
0x2e: {  	[sflag:s18] =	ssyncset.done $0x0  }
0x2f: {  	[sflag:s18] =	ssyncadd.s32 $0xFFFFCE00;
	s0 =	sshra.s32 s0, $0x2  }
0x30: {  	[tilespmem:s14], [sflag:$0x2] =	stream.indirect.gather [hbm4b:s4+s15], $0x40, s0, s15, $0xb8;
	[tilespmem:$0xB3D0] =	vst v63  }
0x31: {  	s0 =	sadd.s32 $0x68, s0  }
0x32: {  	[tilespmem:s19], [sflag:$0x2] =	stream.indirect.gather [hbm4b:s4+s16], $0x40, s0, s16, $0xb8;
	[tilespmem:$0xB3D0] =	vst v63  }
0x33: {  	_ =	swait.ge [sflag:s20], $0x1A00  }
.Ltmp0:
0x34: {  	[sflag:s20] =	ssyncset.done $0x0;
	(pc) =	sbr.rel .LBB2_3-.Ltmp0, $4  }
0x35: {  	[sflag:s20] =	ssyncadd.s32 $0xFFFFE600  }
0x36: {  	s31 =	smul.u32 $0x640, s26;
	_ =	swait.ge [sflag:s20], $0x1800  }
0x37: {  	s30 =	sshll.u32 s26, $0x1;
	s1 =	smov.u32 s25;
	[sflag:s20] =	ssyncset.done $0x0  }
0x38: {  	s29 =	sshra.s32 s31, $0x2;
	s0 =	simm.s32 $0x0;
	[sflag:s20] =	ssyncadd.s32 $0xFFFFE800  }
.LBB2_5:
0x39: {  	s0 =	sadd.s32 $0x10, s0  }
0x3a: {  	p0 =	sne.s32 s0, $0xD0  }
.Ltmp1:
0x3b: {  	_ = 	snop;
	(pc) =	sbr.rel @!p0 .LBB2_6-.Ltmp1, $2  }
0x3c: {  	_ =	sdelay $0x2  }
0x3d: {  	s1 =	sadd.s32 $0x10, s1  }
.LBB2_3:
0x3e: {  	v3 =	vld [tilespmem:s1+$0x0];
	_ =	sdelay $0x4  }
0x3f: {  	vm0 =	veq.s32 v3, $0x1  }
0x40: {  	v3 =	vsel vm0, $0x3F800000, v1  }
0x41: {  	(xrf0) =	vmax.scan.msk.f32 $0xffff, v3;
	_ =	sdelay $0x5  }
0x42: {  	v3, _, _ =	vpop (xrf0)  }
0x43: {  	(v2sf) =	vpush v3, $0xF;
	_ =	sdelay $0xe  }
0x44: {  	s5 =	spop (v2sf)  }
0x45: {  	p0 =	sgt.f32 s5, $0.0e+00  }
.Ltmp2:
0x46: {  	_ = 	snop;
	(pc) =	sbr.rel @!p0 .LBB2_5-.Ltmp2, $1  }
0x47: {  	_ =	sdelay $0x3  }
0x48: {  	v3 =	vmov s0  }
0x49: {  	v3 =	vshll.u32 v3, $0x6  }
0x4a: {  	v3 =	vor.u32 v2, v3  }
0x4b: {  	v4 =	vor.u32 $0x1, v3  }
0x4c: {  	v5 =	vor.u32 $0x2, v3  }
0x4d: {  	v6 =	vor.u32 $0x3, v3  }
0x4e: {  	v7 =	vor.u32 $0x4, v3  }
0x4f: {  	v8 =	vor.u32 $0x5, v3;
	[tilespmem:v3+s13+$0x0] =	vst.idx.msk vm0, v1  }
0x50: {  	v59 =	vor.u32 $0x6, v3;
	[tilespmem:v4+s13+$0x0] =	vst.idx.msk vm0, v1  }
0x51: {  	v60 =	vor.u32 $0x7, v3;
	[tilespmem:v5+s13+$0x0] =	vst.idx.msk vm0, v1  }
0x52: {  	v61 =	vor.u32 $0x8, v3;
	[tilespmem:v6+s13+$0x0] =	vst.idx.msk vm0, v1  }
0x53: {  	v62 =	vor.u32 $0x9, v3;
	[tilespmem:v7+s13+$0x0] =	vst.idx.msk vm0, v1  }
0x54: {  	v63 =	vor.u32 $0xA, v3;
	[tilespmem:v8+s13+$0x0] =	vst.idx.msk vm0, v1  }
0x55: {  	v12 =	vor.u32 $0xB, v3;
	[tilespmem:v59+s13+$0x0] =	vst.idx.msk vm0, v1  }
0x56: {  	v13 =	vor.u32 $0xC, v3;
	[tilespmem:v60+s13+$0x0] =	vst.idx.msk vm0, v1  }
0x57: {  	v14 =	vor.u32 $0xD, v3;
	[tilespmem:v61+s13+$0x0] =	vst.idx.msk vm0, v1  }
0x58: {  	v15 =	vor.u32 $0xE, v3;
	[tilespmem:v62+s13+$0x0] =	vst.idx.msk vm0, v1  }
0x59: {  	v16 =	vor.u32 $0xF, v3;
	[tilespmem:v63+s13+$0x0] =	vst.idx.msk vm0, v1  }
0x5a: {  	v17 =	vor.u32 $0x10, v3;
	[tilespmem:v12+s13+$0x0] =	vst.idx.msk vm0, v1  }
0x5b: {  	v18 =	vor.u32 $0x11, v3;
	[tilespmem:v13+s13+$0x0] =	vst.idx.msk vm0, v1  }
0x5c: {  	v19 =	vor.u32 $0x12, v3;
	[tilespmem:v14+s13+$0x0] =	vst.idx.msk vm0, v1  }
0x5d: {  	v20 =	vor.u32 $0x13, v3;
	[tilespmem:v15+s13+$0x0] =	vst.idx.msk vm0, v1  }
0x5e: {  	v21 =	vor.u32 $0x14, v3;
	[tilespmem:v16+s13+$0x0] =	vst.idx.msk vm0, v1  }
0x5f: {  	v22 =	vor.u32 $0x15, v3;
	[tilespmem:v17+s13+$0x0] =	vst.idx.msk vm0, v1  }
0x60: {  	v23 =	vor.u32 $0x16, v3;
	[tilespmem:v18+s13+$0x0] =	vst.idx.msk vm0, v1  }
0x61: {  	v24 =	vor.u32 $0x17, v3;
	[tilespmem:v19+s13+$0x0] =	vst.idx.msk vm0, v1  }
0x62: {  	v25 =	vor.u32 $0x18, v3;
	[tilespmem:v20+s13+$0x0] =	vst.idx.msk vm0, v1  }
0x63: {  	v26 =	vor.u32 $0x19, v3;
	[tilespmem:v21+s13+$0x0] =	vst.idx.msk vm0, v1  }
0x64: {  	v27 =	vor.u32 $0x1A, v3;
	[tilespmem:v22+s13+$0x0] =	vst.idx.msk vm0, v1  }
0x65: {  	v28 =	vor.u32 $0x1B, v3;
	[tilespmem:v23+s13+$0x0] =	vst.idx.msk vm0, v1  }
0x66: {  	v29 =	vor.u32 $0x1C, v3;
	[tilespmem:v24+s13+$0x0] =	vst.idx.msk vm0, v1  }
0x67: {  	v30 =	vor.u32 $0x1D, v3;
	[tilespmem:v25+s13+$0x0] =	vst.idx.msk vm0, v1  }
0x68: {  	v31 =	vor.u32 $0x1E, v3;
	[tilespmem:v26+s13+$0x0] =	vst.idx.msk vm0, v1  }
0x69: {  	v32 =	vor.u32 $0x1F, v3;
	[tilespmem:v27+s13+$0x0] =	vst.idx.msk vm0, v1  }
0x6a: {  	v33 =	vor.u32 $0x20, v3;
	[tilespmem:v28+s13+$0x0] =	vst.idx.msk vm0, v1  }
0x6b: {  	v34 =	vor.u32 $0x21, v3;
	[tilespmem:v29+s13+$0x0] =	vst.idx.msk vm0, v1  }
0x6c: {  	v35 =	vor.u32 $0x22, v3;
	[tilespmem:v30+s13+$0x0] =	vst.idx.msk vm0, v1  }
0x6d: {  	v36 =	vor.u32 $0x23, v3;
	[tilespmem:v31+s13+$0x0] =	vst.idx.msk vm0, v1  }
0x6e: {  	v37 =	vor.u32 $0x24, v3;
	[tilespmem:v32+s13+$0x0] =	vst.idx.msk vm0, v1  }
0x6f: {  	v38 =	vor.u32 $0x25, v3;
	[tilespmem:v33+s13+$0x0] =	vst.idx.msk vm0, v1  }
0x70: {  	v39 =	vor.u32 $0x26, v3;
	[tilespmem:v34+s13+$0x0] =	vst.idx.msk vm0, v1  }
0x71: {  	v40 =	vor.u32 $0x27, v3;
	[tilespmem:v35+s13+$0x0] =	vst.idx.msk vm0, v1  }
0x72: {  	v41 =	vor.u32 $0x28, v3;
	[tilespmem:v36+s13+$0x0] =	vst.idx.msk vm0, v1  }
0x73: {  	v42 =	vor.u32 $0x29, v3;
	[tilespmem:v37+s13+$0x0] =	vst.idx.msk vm0, v1  }
0x74: {  	v43 =	vor.u32 $0x2A, v3;
	[tilespmem:v38+s13+$0x0] =	vst.idx.msk vm0, v1  }
0x75: {  	v44 =	vor.u32 $0x2B, v3;
	[tilespmem:v39+s13+$0x0] =	vst.idx.msk vm0, v1  }
0x76: {  	v45 =	vor.u32 $0x2C, v3;
	[tilespmem:v40+s13+$0x0] =	vst.idx.msk vm0, v1  }
0x77: {  	v46 =	vor.u32 $0x2D, v3;
	[tilespmem:v41+s13+$0x0] =	vst.idx.msk vm0, v1  }
0x78: {  	v47 =	vor.u32 $0x2E, v3;
	[tilespmem:v42+s13+$0x0] =	vst.idx.msk vm0, v1  }
0x79: {  	v48 =	vor.u32 $0x2F, v3;
	[tilespmem:v43+s13+$0x0] =	vst.idx.msk vm0, v1  }
0x7a: {  	v49 =	vor.u32 $0x30, v3;
	[tilespmem:v44+s13+$0x0] =	vst.idx.msk vm0, v1  }
0x7b: {  	v50 =	vor.u32 $0x31, v3;
	[tilespmem:v45+s13+$0x0] =	vst.idx.msk vm0, v1  }
0x7c: {  	v51 =	vor.u32 $0x32, v3;
	[tilespmem:v46+s13+$0x0] =	vst.idx.msk vm0, v1  }
0x7d: {  	v52 =	vor.u32 $0x33, v3;
	[tilespmem:v47+s13+$0x0] =	vst.idx.msk vm0, v1  }
0x7e: {  	v53 =	vor.u32 $0x34, v3;
	[tilespmem:v48+s13+$0x0] =	vst.idx.msk vm0, v1  }
0x7f: {  	v54 =	vor.u32 $0x35, v3;
	[tilespmem:v49+s13+$0x0] =	vst.idx.msk vm0, v1  }
0x80: {  	v55 =	vor.u32 $0x36, v3;
	[tilespmem:v50+s13+$0x0] =	vst.idx.msk vm0, v1  }
0x81: {  	v56 =	vor.u32 $0x37, v3;
	[tilespmem:v51+s13+$0x0] =	vst.idx.msk vm0, v1  }
0x82: {  	v57 =	vor.u32 $0x38, v3;
	[tilespmem:v52+s13+$0x0] =	vst.idx.msk vm0, v1  }
0x83: {  	v58 =	vor.u32 $0x39, v3;
	[tilespmem:v53+s13+$0x0] =	vst.idx.msk vm0, v1  }
0x84: {  	v59 =	vor.u32 $0x3A, v3;
	[tilespmem:v54+s13+$0x0] =	vst.idx.msk vm0, v1  }
0x85: {  	v60 =	vor.u32 $0x3B, v3;
	[tilespmem:v55+s13+$0x0] =	vst.idx.msk vm0, v1  }
0x86: {  	v61 =	vor.u32 $0x3C, v3;
	[tilespmem:v56+s13+$0x0] =	vst.idx.msk vm0, v1  }
0x87: {  	v62 =	vor.u32 $0x3D, v3;
	[tilespmem:v57+s13+$0x0] =	vst.idx.msk vm0, v1  }
0x88: {  	v63 =	vor.u32 $0x3E, v3;
	[tilespmem:v58+s13+$0x0] =	vst.idx.msk vm0, v1  }
0x89: {  	v3 =	vor.u32 $0x3F, v3;
	[tilespmem:v59+s13+$0x0] =	vst.idx.msk vm0, v1  }
.Ltmp3:
0x8a: {  	[tilespmem:v60+s13+$0x0] =	vst.idx.msk vm0, v1;
	(pc) =	sbr.rel .LBB2_5-.Ltmp3, $4  }
0x8b: {  	[tilespmem:v61+s13+$0x0] =	vst.idx.msk vm0, v1  }
0x8c: {  	[tilespmem:v62+s13+$0x0] =	vst.idx.msk vm0, v1  }
0x8d: {  	[tilespmem:v63+s13+$0x0] =	vst.idx.msk vm0, v1  }
0x8e: {  	[tilespmem:v3+s13+$0x0] =	vst.idx.msk vm0, v1  }
.LBB2_6:
0x8f: {  	s31 =	simm.s32 $0x1AD0  }
0x90: {  	s7 =	simm.s32 $0x82D0;
	v3 =	vld [tilespmem:s31+$0x0]  }
0x91: {  	v4 =	vld [tilespmem:s7+$0x0];
	_ =	sdelay $0x4  }
0x92: {  	v3 =	vadd.f32 v4, v3;
	_ =	sdelay $0x1  }
0x93: {  	[tilespmem:s31+$0x0] =	vst v3;
	v3 =	vld [tilespmem:s31+$0x10]  }
0x94: {  	v4 =	vld [tilespmem:s7+$0x10];
	_ =	sdelay $0x4  }
0x95: {  	v3 =	vadd.f32 v4, v3;
	_ =	sdelay $0x1  }
0x96: {  	[tilespmem:s31+$0x10] =	vst v3;
	v3 =	vld [tilespmem:s31+$0x20]  }
0x97: {  	v4 =	vld [tilespmem:s7+$0x20];
	_ =	sdelay $0x3  }
0x98: {  	v5 =	vld [tilespmem:s31+$0xFFFFFF00]  }
0x99: {  	v3 =	vadd.f32 v4, v3;
	v4 =	vld [tilespmem:s7+$0xFFFFFF00];
	_ =	sdelay $0x2  }
0x9a: {  	[tilespmem:s31+$0x20] =	vst v3;
	v3 =	vld [tilespmem:s31+$0x30]  }
0x9b: {  	v6 =	vld [tilespmem:s7+$0x30]  }
0x9c: {  	v4 =	vadd.f32 v4, v5;
	_ =	sdelay $0x1  }
0x9d: {  	v7 =	vld [tilespmem:s31+$0xFFFFFF10];
	[tilespmem:s31+$0xFFFFFF00] =	vst v4  }
0x9e: {  	v4 =	vld [tilespmem:s7+$0xFFFFFF10]  }
0x9f: {  	v3 =	vadd.f32 v6, v3  }
0xa0: {  	v8 =	vld [tilespmem:s31+$0xFFFFFF30]  }
0xa1: {  	[tilespmem:s31+$0x30] =	vst v3;
	v3 =	vld [tilespmem:s31+$0x40]  }
0xa2: {  	v6 =	vld [tilespmem:s7+$0x40]  }
0xa3: {  	v9 =	vld [tilespmem:s31+$0xFFFFFF40];
	v4 =	vadd.f32 v4, v7  }
0xa4: {  	v10 =	vld [tilespmem:s31+$0xFFFFFF50]  }
0xa5: {  	v5 =	vld [tilespmem:s31+$0xFFFFFF20];
	[tilespmem:s31+$0xFFFFFF10] =	vst v4  }
0xa6: {  	v4 =	vld [tilespmem:s7+$0xFFFFFF20]  }
0xa7: {  	v11 =	vld [tilespmem:s31+$0xFFFFFF60];
	v3 =	vadd.f32 v6, v3  }
0xa8: {  	v13 =	vld [tilespmem:s31+$0xFFFFFF80]  }
0xa9: {  	[tilespmem:s31+$0x40] =	vst v3;
	v3 =	vld [tilespmem:s31+$0x50]  }
0xaa: {  	v6 =	vld [tilespmem:s7+$0x50]  }
0xab: {  	v15 =	vld [tilespmem:s31+$0xFFFFFFB0];
	v4 =	vadd.f32 v4, v5  }
0xac: {  	s1 =	simm.s32 $0x1CD0;
	v16 =	vld [tilespmem:s31+$0x80]  }
0xad: {  	v17 =	vld [tilespmem:s1+$0xFFFFFF00];
	[tilespmem:s31+$0xFFFFFF20] =	vst v4  }
0xae: {  	v4 =	vld [tilespmem:s7+$0xFFFFFF30]  }
0xaf: {  	v19 =	vld [tilespmem:s1+$0xFFFFFF10];
	v3 =	vadd.f32 v6, v3  }
0xb0: {  	v20 =	vld [tilespmem:s1+$0xFFFFFF40]  }
0xb1: {  	[tilespmem:s31+$0x50] =	vst v3;
	v3 =	vld [tilespmem:s31+$0x60]  }
0xb2: {  	v6 =	vld [tilespmem:s7+$0x60]  }
0xb3: {  	v22 =	vld [tilespmem:s1+$0xFFFFFF70];
	v4 =	vadd.f32 v4, v8  }
0xb4: {  	s11 =	simm.s32 $0x1ED0;
	v23 =	vld [tilespmem:s1+$0xFFFFFF80]  }
0xb5: {  	v26 =	vld [tilespmem:s11+$0xFFFFFF10];
	[tilespmem:s31+$0xFFFFFF30] =	vst v4  }
0xb6: {  	v4 =	vld [tilespmem:s7+$0xFFFFFF40]  }
0xb7: {  	v27 =	vld [tilespmem:s11+$0xFFFFFF30];
	v3 =	vadd.f32 v6, v3  }
0xb8: {  	v55 =	vld [tilespmem:s1+$0xA0]  }
0xb9: {  	[tilespmem:s31+$0x60] =	vst v3;
	v3 =	vld [tilespmem:s31+$0x70]  }
0xba: {  	v12 =	vld [tilespmem:s7+$0x70]  }
0xbb: {  	v56 =	vld [tilespmem:s11+$0xFFFFFF60];
	v4 =	vadd.f32 v4, v9  }
0xbc: {  	s0 =	simm.s32 $0x84D0;
	v9 =	vld [tilespmem:s1+$0x0]  }
0xbd: {  	[tilespmem:s31+$0xFFFFFF40] =	vst v4;
	v4 =	vld [tilespmem:s0+$0x0]  }
0xbe: {  	v14 =	vld [tilespmem:s7+$0xFFFFFF50]  }
0xbf: {  	v57 =	vld [tilespmem:s1+$0xB0];
	v3 =	vadd.f32 v12, v3  }
0xc0: {  	v59 =	vld [tilespmem:s1+$0xC0]  }
0xc1: {  	v62 =	vld [tilespmem:s1+$0xF0];
	[tilespmem:s31+$0x70] =	vst v3  }
0xc2: {  	v3 =	vld [tilespmem:s7+$0x80];
	v4 =	vadd.f32 v4, v9  }
0xc3: {  	v9 =	vld [tilespmem:s0+$0xFFFFFF00];
	v10 =	vadd.f32 v14, v10  }
0xc4: {  	[tilespmem:s1+$0x0] =	vst v4;
	v4 =	vld [tilespmem:s1+$0x10]  }
0xc5: {  	[tilespmem:s31+$0xFFFFFF50] =	vst v10;
	v10 =	vld [tilespmem:s0+$0x10]  }
0xc6: {  	v18 =	vld [tilespmem:s7+$0xFFFFFF60]  }
0xc7: {  	v7 =	vld [tilespmem:s31+$0xFFFFFFC0];
	v3 =	vadd.f32 v3, v16  }
0xc8: {  	v5 =	vld [tilespmem:s31+$0xFFFFFF70];
	v9 =	vadd.f32 v9, v17  }
0xc9: {  	v16 =	vld [tilespmem:s31+$0x90];
	[tilespmem:s31+$0x80] =	vst v3  }
0xca: {  	[tilespmem:s1+$0xFFFFFF00] =	vst v9;
	v3 =	vadd.f32 v10, v4;
	v4 =	vld [tilespmem:s7+$0x90]  }
0xcb: {  	v10 =	vld [tilespmem:s0+$0xFFFFFF10];
	v9 =	vadd.f32 v18, v11  }
0xcc: {  	[tilespmem:s1+$0x10] =	vst v3;
	v3 =	vld [tilespmem:s1+$0x20]  }
0xcd: {  	[tilespmem:s31+$0xFFFFFF60] =	vst v9;
	v9 =	vld [tilespmem:s0+$0x20]  }
0xce: {  	v8 =	vld [tilespmem:s31+$0xFFFFFF90]  }
0xcf: {  	v17 =	vld [tilespmem:s1+$0xFFFFFF20];
	v4 =	vadd.f32 v4, v16  }
0xd0: {  	v11 =	vld [tilespmem:s7+$0xFFFFFF70];
	v10 =	vadd.f32 v10, v19  }
0xd1: {  	v16 =	vld [tilespmem:s31+$0xA0];
	[tilespmem:s31+$0x90] =	vst v4  }
0xd2: {  	[tilespmem:s1+$0xFFFFFF10] =	vst v10;
	v3 =	vadd.f32 v9, v3;
	v4 =	vld [tilespmem:s7+$0xA0]  }
0xd3: {  	v9 =	vld [tilespmem:s0+$0xFFFFFF20]  }
0xd4: {  	v10 =	vld [tilespmem:s1+$0x30];
	[tilespmem:s1+$0x20] =	vst v3  }
0xd5: {  	v21 =	vld [tilespmem:s0+$0x30]  }
0xd6: {  	v6 =	vld [tilespmem:s31+$0xFFFFFFA0];
	v5 =	vadd.f32 v11, v5  }
0xd7: {  	v18 =	vld [tilespmem:s1+$0xFFFFFF30];
	v4 =	vadd.f32 v4, v16  }
0xd8: {  	[tilespmem:s31+$0xFFFFFF70] =	vst v5;
	v5 =	vld [tilespmem:s31+$0xB0];
	v9 =	vadd.f32 v9, v17  }
0xd9: {  	v16 =	vld [tilespmem:s7+$0xFFFFFF80];
	[tilespmem:s31+$0xA0] =	vst v4  }
0xda: {  	[tilespmem:s1+$0xFFFFFF20] =	vst v9;
	v4 =	vadd.f32 v21, v10;
	v17 =	vld [tilespmem:s7+$0xB0]  }
0xdb: {  	v9 =	vld [tilespmem:s0+$0xFFFFFF30]  }
0xdc: {  	[tilespmem:s1+$0x30] =	vst v4;
	v4 =	vld [tilespmem:s1+$0x40]  }
0xdd: {  	v21 =	vld [tilespmem:s0+$0x40]  }
0xde: {  	v12 =	vld [tilespmem:s31+$0xFFFFFFD0];
	v13 =	vadd.f32 v16, v13  }
0xdf: {  	v14 =	vld [tilespmem:s31+$0xFFFFFFE0];
	v5 =	vadd.f32 v17, v5  }
0xe0: {  	[tilespmem:s31+$0xFFFFFF80] =	vst v13;
	v13 =	vld [tilespmem:s31+$0xC0];
	v9 =	vadd.f32 v9, v18  }
0xe1: {  	v16 =	vld [tilespmem:s7+$0xFFFFFF90];
	[tilespmem:s31+$0xB0] =	vst v5  }
0xe2: {  	[tilespmem:s1+$0xFFFFFF30] =	vst v9;
	v4 =	vadd.f32 v21, v4;
	v5 =	vld [tilespmem:s7+$0xC0]  }
0xe3: {  	v18 =	vld [tilespmem:s0+$0xFFFFFF40]  }
0xe4: {  	[tilespmem:s1+$0x40] =	vst v4;
	v4 =	vld [tilespmem:s1+$0x50]  }
0xe5: {  	v21 =	vld [tilespmem:s0+$0x50]  }
0xe6: {  	v19 =	vld [tilespmem:s1+$0xFFFFFF50];
	v8 =	vadd.f32 v16, v8  }
0xe7: {  	v11 =	vld [tilespmem:s1+$0xFFFFFF60]  }
0xe8: {  	[tilespmem:s31+$0xFFFFFF90] =	vst v8;
	v8 =	vld [tilespmem:s31+$0xD0];
	v5 =	vadd.f32 v5, v13  }
0xe9: {  	v13 =	vadd.f32 v18, v20;
	v18 =	vld [tilespmem:s7+$0xFFFFFFA0]  }
0xea: {  	v20 =	vld [tilespmem:s1+$0x60];
	[tilespmem:s31+$0xC0] =	vst v5;
	v4 =	vadd.f32 v21, v4  }
0xeb: {  	[tilespmem:s1+$0xFFFFFF40] =	vst v13;
	v5 =	vld [tilespmem:s7+$0xD0]  }
0xec: {  	v13 =	vld [tilespmem:s0+$0xFFFFFF50];
	[tilespmem:s1+$0x50] =	vst v4  }
0xed: {  	v21 =	vld [tilespmem:s0+$0x60]  }
0xee: {  	v3 =	vld [tilespmem:s31+$0xFFFFFFF0];
	v6 =	vadd.f32 v18, v6  }
0xef: {  	v10 =	vld [tilespmem:s1+$0xFFFFFF90]  }
0xf0: {  	v17 =	vld [tilespmem:s1+$0xFFFFFFB0];
	[tilespmem:s31+$0xFFFFFFA0] =	vst v6;
	v5 =	vadd.f32 v5, v8  }
0xf1: {  	v8 =	vadd.f32 v13, v19;
	v13 =	vld [tilespmem:s7+$0xFFFFFFB0]  }
0xf2: {  	v6 =	vld [tilespmem:s31+$0xE0];
	[tilespmem:s31+$0xD0] =	vst v5;
	v5 =	vadd.f32 v21, v20  }
0xf3: {  	v19 =	vld [tilespmem:s1+$0x70]  }
0xf4: {  	v18 =	vld [tilespmem:s7+$0xE0];
	[tilespmem:s1+$0x60] =	vst v5  }
0xf5: {  	[tilespmem:s1+$0xFFFFFF50] =	vst v8;
	v20 =	vld [tilespmem:s0+$0x70]  }
0xf6: {  	v8 =	vld [tilespmem:s0+$0xFFFFFF60];
	v13 =	vadd.f32 v13, v15  }
0xf7: {  	s5 =	simm.s32 $0x86D0;
	v15 =	vld [tilespmem:s11+$0x0]  }
0xf8: {  	[tilespmem:s31+$0xFFFFFFB0] =	vst v13;
	v13 =	vld [tilespmem:s5+$0x0]  }
0xf9: {  	v9 =	vld [tilespmem:s1+$0xFFFFFFA0]  }
0xfa: {  	v16 =	vld [tilespmem:s1+$0xFFFFFFC0];
	v19 =	vadd.f32 v20, v19  }
0xfb: {  	v6 =	vadd.f32 v18, v6;
	v8 =	vadd.f32 v8, v11;
	v11 =	vld [tilespmem:s11+$0xFFFFFF00]  }
0xfc: {  	v20 =	vld [tilespmem:s1+$0x80];
	[tilespmem:s1+$0x70] =	vst v19  }
0xfd: {  	[tilespmem:s31+$0xE0] =	vst v6;
	v6 =	vadd.f32 v13, v15;
	v19 =	vld [tilespmem:s0+$0x80]  }
0xfe: {  	v13 =	vld [tilespmem:s5+$0xFFFFFF00]  }
0xff: {  	v15 =	vld [tilespmem:s11+$0x10];
	[tilespmem:s11+$0x0] =	vst v6  }
0x100: {  	[tilespmem:s1+$0xFFFFFF60] =	vst v8;
	v8 =	vld [tilespmem:s5+$0x10]  }
0x101: {  	v4 =	vld [tilespmem:s1+$0xFFFFFFD0]  }
0x102: {  	v5 =	vld [tilespmem:s1+$0xFFFFFFE0];
	v19 =	vadd.f32 v19, v20  }
0x103: {  	v21 =	vld [tilespmem:s7+$0xFFFFFFC0];
	v11 =	vadd.f32 v13, v11  }
0x104: {  	v20 =	vld [tilespmem:s1+$0x90];
	[tilespmem:s1+$0x80] =	vst v19  }
0x105: {  	[tilespmem:s11+$0xFFFFFF00] =	vst v11;
	v8 =	vadd.f32 v8, v15;
	v15 =	vld [tilespmem:s0+$0x90]  }
0x106: {  	v11 =	vld [tilespmem:s5+$0xFFFFFF10]  }
0x107: {  	v25 =	vld [tilespmem:s0+$0xFFFFFF70]  }
0x108: {  	[tilespmem:s11+$0x10] =	vst v8;
	v8 =	vld [tilespmem:s11+$0x20]  }
0x109: {  	v19 =	vld [tilespmem:s5+$0x20]  }
0x10a: {  	v18 =	vld [tilespmem:s31+$0xF0];
	v15 =	vadd.f32 v15, v20  }
0x10b: {  	v24 =	vld [tilespmem:s7+$0xF0];
	v11 =	vadd.f32 v11, v26  }
0x10c: {  	v22 =	vadd.f32 v25, v22;
	v13 =	vld [tilespmem:s11+$0xFFFFFF20];
	[tilespmem:s1+$0x90] =	vst v15  }
0x10d: {  	[tilespmem:s11+$0xFFFFFF10] =	vst v11;
	v11 =	vld [tilespmem:s0+$0xA0]  }
0x10e: {  	[tilespmem:s1+$0xFFFFFF70] =	vst v22;
	v8 =	vadd.f32 v19, v8;
	v19 =	vld [tilespmem:s5+$0xFFFFFF20]  }
0x10f: {  	v7 =	vadd.f32 v21, v7;
	v21 =	vld [tilespmem:s0+$0xFFFFFF80]  }
0x110: {  	[tilespmem:s11+$0x20] =	vst v8;
	v8 =	vld [tilespmem:s11+$0x30]  }
0x111: {  	[tilespmem:s31+$0xFFFFFFC0] =	vst v7;
	v7 =	vld [tilespmem:s5+$0x30]  }
0x112: {  	v6 =	vld [tilespmem:s1+$0xFFFFFFF0];
	v11 =	vadd.f32 v11, v55  }
0x113: {  	v22 =	vld [tilespmem:s7+$0xFFFFFFD0];
	v19 =	vadd.f32 v19, v13  }
0x114: {  	v20 =	vld [tilespmem:s11+$0xFFFFFF40];
	[tilespmem:s1+$0xA0] =	vst v11  }
0x115: {  	[tilespmem:s11+$0xFFFFFF20] =	vst v19;
	v11 =	vadd.f32 v21, v23;
	v21 =	vld [tilespmem:s0+$0xB0]  }
0x116: {  	v7 =	vadd.f32 v7, v8;
	v8 =	vld [tilespmem:s5+$0xFFFFFF30]  }
0x117: {  	v15 =	vld [tilespmem:s11+$0xFFFFFF50]  }
0x118: {  	v13 =	vld [tilespmem:s11+$0xFFFFFF70];
	[tilespmem:s1+$0xFFFFFF80] =	vst v11  }
0x119: {  	v19 =	vld [tilespmem:s0+$0xFFFFFF90]  }
0x11a: {  	[tilespmem:s11+$0x30] =	vst v7;
	v7 =	vld [tilespmem:s11+$0x40];
	v21 =	vadd.f32 v21, v57  }
0x11b: {  	v23 =	vld [tilespmem:s5+$0x40];
	v58 =	vadd.f32 v8, v27  }
0x11c: {  	v11 =	vld [tilespmem:s11+$0xFFFFFF80];
	[tilespmem:s1+$0xB0] =	vst v21  }
0x11d: {  	[tilespmem:s11+$0xFFFFFF30] =	vst v58;
	v21 =	vld [tilespmem:s0+$0xC0]  }
0x11e: {  	v10 =	vadd.f32 v19, v10;
	v19 =	vld [tilespmem:s5+$0xFFFFFF40]  }
0x11f: {  	v8 =	vld [tilespmem:s11+$0xFFFFFF90]  }
0x120: {  	v23 =	vadd.f32 v23, v7;
	v7 =	vld [tilespmem:s11+$0xFFFFFFA0];
	[tilespmem:s1+$0xFFFFFF90] =	vst v10  }
0x121: {  	v60 =	vld [tilespmem:s0+$0xFFFFFFA0]  }
0x122: {  	[tilespmem:s11+$0x40] =	vst v23;
	v23 =	vld [tilespmem:s11+$0x50];
	v10 =	vadd.f32 v21, v59  }
0x123: {  	v19 =	vadd.f32 v19, v20;
	v21 =	vld [tilespmem:s5+$0x50]  }
0x124: {  	v20 =	vld [tilespmem:s1+$0xD0];
	[tilespmem:s1+$0xC0] =	vst v10  }
0x125: {  	[tilespmem:s11+$0xFFFFFF40] =	vst v19;
	v19 =	vld [tilespmem:s0+$0xD0]  }
0x126: {  	v10 =	vld [tilespmem:s11+$0xFFFFFFB0];
	v26 =	vadd.f32 v60, v9  }
0x127: {  	v61 =	vld [tilespmem:s5+$0xFFFFFF50]  }
0x128: {  	v9 =	vld [tilespmem:s11+$0xFFFFFFC0];
	[tilespmem:s1+$0xFFFFFFA0] =	vst v26;
	v21 =	vadd.f32 v21, v23  }
0x129: {  	v23 =	vld [tilespmem:s0+$0xFFFFFFB0]  }
0x12a: {  	[tilespmem:s11+$0x50] =	vst v21;
	v21 =	vld [tilespmem:s1+$0xE0];
	v19 =	vadd.f32 v19, v20  }
0x12b: {  	v12 =	vadd.f32 v22, v12;
	v20 =	vld [tilespmem:s11+$0x60]  }
0x12c: {  	v26 =	vadd.f32 v61, v15;
	v22 =	vld [tilespmem:s5+$0x60];
	[tilespmem:s1+$0xD0] =	vst v19  }
0x12d: {  	[tilespmem:s31+$0xFFFFFFD0] =	vst v12;
	v19 =	vld [tilespmem:s0+$0xE0]  }
0x12e: {  	[tilespmem:s11+$0xFFFFFF50] =	vst v26;
	v12 =	vadd.f32 v23, v17;
	v17 =	vld [tilespmem:s7+$0xFFFFFFE0]  }
0x12f: {  	v23 =	vld [tilespmem:s5+$0xFFFFFF60]  }
0x130: {  	v15 =	vld [tilespmem:s11+$0xFFFFFFD0];
	[tilespmem:s1+$0xFFFFFFB0] =	vst v12  }
0x131: {  	v20 =	vadd.f32 v22, v20;
	v22 =	vld [tilespmem:s0+$0xFFFFFFC0]  }
0x132: {  	v12 =	vld [tilespmem:s11+$0xFFFFFFE0];
	v19 =	vadd.f32 v19, v21  }
0x133: {  	[tilespmem:s11+$0x60] =	vst v20;
	v14 =	vadd.f32 v17, v14;
	v21 =	vld [tilespmem:s11+$0x70]  }
0x134: {  	v17 =	vadd.f32 v23, v56;
	v23 =	vld [tilespmem:s5+$0x70];
	[tilespmem:s1+$0xE0] =	vst v19  }
0x135: {  	[tilespmem:s31+$0xFFFFFFE0] =	vst v14;
	v63 =	vld [tilespmem:s0+$0xF0]  }
0x136: {  	[tilespmem:s11+$0xFFFFFF60] =	vst v17;
	v17 =	vadd.f32 v22, v16;
	v16 =	vld [tilespmem:s7+$0xFFFFFFF0]  }
0x137: {  	v20 =	vld [tilespmem:s5+$0xFFFFFF70]  }
0x138: {  	v18 =	vadd.f32 v24, v18;
	v14 =	vld [tilespmem:s11+$0xFFFFFFF0];
	[tilespmem:s1+$0xFFFFFFC0] =	vst v17  }
0x139: {  	v17 =	vld [tilespmem:s0+$0xFFFFFFD0];
	v21 =	vadd.f32 v23, v21  }
0x13a: {  	s9 =	simm.s32 $0x10;
	s10 =	simm.s32 $0x20D0;
	[tilespmem:s31+$0xF0] =	vst v18;
	v19 =	vld [tilespmem:s11+$0x80];
	s7 =	simm.s32 $0x86D0;
	v18 =	vadd.f32 v63, v62  }
.LBB2_7:
0x13b: {  	v22 =	vld [tilespmem:s10+$0x0];
	[tilespmem:s11+$0x70] =	vst v21;
	s5 =	sadd.s32 $0x200, s5;
	v16 =	vadd.f32 v16, v3;
	v3 =	vmov v6  }
0x13c: {  	v21 =	vld [tilespmem:s5+$0x0];
	v13 =	vadd.f32 v20, v13;
	[tilespmem:s1+$0xF0] =	vst v18  }
0x13d: {  	s9 =	sadd.s32 $0x8, s9;
	v18 =	vld [tilespmem:s7+$0x80];
	[tilespmem:s31+$0xFFFFFFF0] =	vst v16;
	v6 =	vmov v14;
	s31 =	smov.u32 s1;
	s1 =	smov.u32 s11  }
0x13e: {  	p0 =	slt.u32 s9, $0xC0;
	s11 =	smov.u32 s10;
	v14 =	vld [tilespmem:s5+$0xFFFFFF00];
	[tilespmem:s1+$0xFFFFFF70] =	vst v13;
	v13 =	vadd.f32 v17, v4;
	v4 =	vmov v15  }
0x13f: {  	v15 =	vld [tilespmem:s10+$0xFFFFFF00]  }
0x140: {  	v16 =	vld [tilespmem:s10+$0xFFFFFF10];
	[tilespmem:s31+$0xFFFFFFD0] =	vst v13  }
0x141: {  	v17 =	vld [tilespmem:s10+$0xFFFFFF20];
	v13 =	vadd.f32 v21, v22  }
0x142: {  	v18 =	vadd.f32 v18, v19;
	v19 =	vld [tilespmem:s1+$0x90]  }
0x143: {  	[tilespmem:s10+$0x0] =	vst v13;
	v13 =	vld [tilespmem:s10+$0x10]  }
0x144: {  	v14 =	vadd.f32 v14, v15;
	v15 =	vld [tilespmem:s5+$0x10];
	[tilespmem:s1+$0x80] =	vst v18  }
0x145: {  	v18 =	vld [tilespmem:s7+$0x90]  }
0x146: {  	[tilespmem:s10+$0xFFFFFF00] =	vst v14;
	v14 =	vld [tilespmem:s10+$0xFFFFFF30]  }
0x147: {  	v20 =	vld [tilespmem:s5+$0xFFFFFF10]  }
0x148: {  	v21 =	vld [tilespmem:s10+$0xFFFFFF40]  }
0x149: {  	v22 =	vld [tilespmem:s10+$0xFFFFFF50];
	v13 =	vadd.f32 v15, v13  }
0x14a: {  	v15 =	vadd.f32 v18, v19;
	v18 =	vld [tilespmem:s1+$0xA0]  }
0x14b: {  	[tilespmem:s10+$0x10] =	vst v13;
	v19 =	vld [tilespmem:s10+$0x20]  }
0x14c: {  	v13 =	vadd.f32 v20, v16;
	v16 =	vld [tilespmem:s5+$0x20];
	[tilespmem:s1+$0x90] =	vst v15  }
0x14d: {  	v15 =	vld [tilespmem:s7+$0xA0]  }
0x14e: {  	[tilespmem:s10+$0xFFFFFF10] =	vst v13;
	v20 =	vld [tilespmem:s10+$0xFFFFFF60]  }
0x14f: {  	v23 =	vld [tilespmem:s5+$0xFFFFFF20]  }
0x150: {  	v13 =	vld [tilespmem:s10+$0xFFFFFF70]  }
0x151: {  	v16 =	vadd.f32 v16, v19;
	v19 =	vld [tilespmem:s7+$0xFFFFFF80]  }
0x152: {  	v15 =	vadd.f32 v15, v18;
	v18 =	vld [tilespmem:s1+$0xB0]  }
0x153: {  	[tilespmem:s10+$0x20] =	vst v16;
	v16 =	vld [tilespmem:s10+$0x30]  }
0x154: {  	v17 =	vadd.f32 v23, v17;
	v23 =	vld [tilespmem:s5+$0x30];
	[tilespmem:s1+$0xA0] =	vst v15  }
0x155: {  	v15 =	vld [tilespmem:s7+$0xB0]  }
0x156: {  	[tilespmem:s10+$0xFFFFFF20] =	vst v17;
	v17 =	vadd.f32 v19, v11;
	v11 =	vld [tilespmem:s10+$0xFFFFFF80]  }
0x157: {  	v19 =	vld [tilespmem:s5+$0xFFFFFF30]  }
0x158: {  	v24 =	vld [tilespmem:s10+$0xFFFFFF90];
	[tilespmem:s1+$0xFFFFFF80] =	vst v17  }
0x159: {  	v16 =	vadd.f32 v23, v16;
	v17 =	vld [tilespmem:s7+$0xFFFFFF90]  }
0x15a: {  	v15 =	vadd.f32 v15, v18;
	v18 =	vld [tilespmem:s1+$0xC0]  }
0x15b: {  	[tilespmem:s10+$0x30] =	vst v16;
	v16 =	vld [tilespmem:s10+$0x40]  }
0x15c: {  	v14 =	vadd.f32 v19, v14;
	v19 =	vld [tilespmem:s5+$0x40];
	[tilespmem:s1+$0xB0] =	vst v15  }
0x15d: {  	v15 =	vld [tilespmem:s7+$0xC0]  }
0x15e: {  	[tilespmem:s10+$0xFFFFFF30] =	vst v14;
	v14 =	vld [tilespmem:s10+$0xFFFFFFA0];
	v17 =	vadd.f32 v17, v8;
	v8 =	vmov v24  }
0x15f: {  	v23 =	vld [tilespmem:s5+$0xFFFFFF40]  }
0x160: {  	v24 =	vld [tilespmem:s10+$0xFFFFFFB0];
	[tilespmem:s1+$0xFFFFFF90] =	vst v17  }
0x161: {  	v16 =	vadd.f32 v19, v16;
	v17 =	vld [tilespmem:s7+$0xFFFFFFA0]  }
0x162: {  	v15 =	vadd.f32 v15, v18;
	v18 =	vld [tilespmem:s1+$0xD0]  }
0x163: {  	[tilespmem:s10+$0x40] =	vst v16;
	v16 =	vld [tilespmem:s10+$0x50]  }
0x164: {  	v19 =	vadd.f32 v23, v21;
	v21 =	vld [tilespmem:s5+$0x50];
	[tilespmem:s1+$0xC0] =	vst v15  }
0x165: {  	v23 =	vld [tilespmem:s7+$0xD0]  }
0x166: {  	[tilespmem:s10+$0xFFFFFF40] =	vst v19;
	v19 =	vld [tilespmem:s10+$0xFFFFFFC0];
	v17 =	vadd.f32 v17, v7;
	v7 =	vmov v14  }
0x167: {  	v14 =	vld [tilespmem:s5+$0xFFFFFF50]  }
0x168: {  	v15 =	vld [tilespmem:s10+$0xFFFFFFD0];
	[tilespmem:s1+$0xFFFFFFA0] =	vst v17  }
0x169: {  	v16 =	vadd.f32 v21, v16;
	v17 =	vld [tilespmem:s7+$0xFFFFFFB0]  }
0x16a: {  	v18 =	vadd.f32 v23, v18;
	v21 =	vld [tilespmem:s1+$0xE0]  }
0x16b: {  	[tilespmem:s10+$0x50] =	vst v16;
	v16 =	vld [tilespmem:s10+$0x60]  }
0x16c: {  	v14 =	vadd.f32 v14, v22;
	v22 =	vld [tilespmem:s5+$0x60];
	[tilespmem:s1+$0xD0] =	vst v18  }
0x16d: {  	v18 =	vld [tilespmem:s7+$0xE0]  }
0x16e: {  	[tilespmem:s10+$0xFFFFFF50] =	vst v14;
	v14 =	vadd.f32 v17, v10;
	v17 =	vld [tilespmem:s0+$0xFFFFFFE0];
	v10 =	vmov v24  }
0x16f: {  	v23 =	vld [tilespmem:s5+$0xFFFFFF60]  }
0x170: {  	v24 =	vld [tilespmem:s10+$0xFFFFFFE0];
	[tilespmem:s1+$0xFFFFFFB0] =	vst v14  }
0x171: {  	v14 =	vadd.f32 v22, v16;
	v16 =	vld [tilespmem:s7+$0xFFFFFFC0]  }
0x172: {  	v18 =	vadd.f32 v18, v21;
	v22 =	vld [tilespmem:s1+$0xF0]  }
0x173: {  	[tilespmem:s10+$0x60] =	vst v14;
	v21 =	vld [tilespmem:s10+$0x70];
	v14 =	vadd.f32 v17, v5;
	v5 =	vmov v12  }
0x174: {  	v17 =	vadd.f32 v23, v20;
	v23 =	vld [tilespmem:s5+$0x70];
	[tilespmem:s1+$0xE0] =	vst v18  }
0x175: {  	v18 =	vld [tilespmem:s7+$0xF0];
	[tilespmem:s31+$0xFFFFFFE0] =	vst v14;
	v12 =	vmov v24  }
.Ltmp4:
0x176: {  	[tilespmem:s10+$0xFFFFFF60] =	vst v17;
	v17 =	vadd.f32 v16, v9;
	v16 =	vld [tilespmem:s0+$0xFFFFFFF0];
	v9 =	vmov v19;
	s0 =	smov.u32 s7;
	s7 =	smov.u32 s5;
	(pc) =	sbr.rel @p0 .LBB2_7-.Ltmp4, $4  }
0x177: {  	v20 =	vld [tilespmem:s5+$0xFFFFFF70]  }
0x178: {  	v14 =	vld [tilespmem:s10+$0xFFFFFFF0];
	[tilespmem:s1+$0xFFFFFFC0] =	vst v17  }
0x179: {  	v21 =	vadd.f32 v23, v21;
	v17 =	vld [tilespmem:s0+$0xFFFFFFD0]  }
0x17a: {  	s10 =	sadd.s32 $0x200, s10;
	v19 =	vld [tilespmem:s11+$0x80];
	v18 =	vadd.f32 v18, v22  }
0x17b: {  	_ = 	snop  }
0x17c: {  	v13 =	vadd.f32 v20, v13  }
0x17d: {  	[tilespmem:s11+$0x70] =	vst v21  }
0x17e: {  	v49 =	vld [tilespmem:s7+$0x80];
	[tilespmem:s11+$0xFFFFFF70] =	vst v13  }
0x17f: {  	v13 =	vld [tilespmem:s7+$0xFFFFFF80];
	_ =	sdelay $0x3  }
0x180: {  	v19 =	vadd.f32 v49, v19  }
0x181: {  	v11 =	vadd.f32 v13, v11  }
0x182: {  	v50 =	vld [tilespmem:s11+$0x90];
	[tilespmem:s11+$0x80] =	vst v19  }
0x183: {  	v51 =	vld [tilespmem:s7+$0x90];
	[tilespmem:s11+$0xFFFFFF80] =	vst v11  }
0x184: {  	v11 =	vld [tilespmem:s7+$0xFFFFFF90];
	_ =	sdelay $0x3  }
0x185: {  	v13 =	vadd.f32 v51, v50  }
0x186: {  	v8 =	vadd.f32 v11, v8  }
0x187: {  	v52 =	vld [tilespmem:s11+$0xA0];
	[tilespmem:s11+$0x90] =	vst v13  }
0x188: {  	v53 =	vld [tilespmem:s7+$0xA0];
	[tilespmem:s11+$0xFFFFFF90] =	vst v8  }
0x189: {  	v8 =	vld [tilespmem:s7+$0xFFFFFFA0];
	_ =	sdelay $0x3  }
0x18a: {  	v11 =	vadd.f32 v53, v52  }
0x18b: {  	v7 =	vadd.f32 v8, v7  }
0x18c: {  	v54 =	vld [tilespmem:s11+$0xB0];
	[tilespmem:s11+$0xA0] =	vst v11  }
0x18d: {  	v55 =	vld [tilespmem:s7+$0xB0];
	[tilespmem:s11+$0xFFFFFFA0] =	vst v7  }
0x18e: {  	v7 =	vld [tilespmem:s7+$0xFFFFFFB0];
	_ =	sdelay $0x3  }
0x18f: {  	v8 =	vadd.f32 v55, v54  }
0x190: {  	v7 =	vadd.f32 v7, v10  }
0x191: {  	v56 =	vld [tilespmem:s11+$0xC0];
	[tilespmem:s11+$0xB0] =	vst v8  }
0x192: {  	v8 =	vld [tilespmem:s7+$0xC0];
	[tilespmem:s11+$0xFFFFFFB0] =	vst v7  }
0x193: {  	v7 =	vld [tilespmem:s7+$0xFFFFFFC0];
	_ =	sdelay $0x3  }
0x194: {  	v8 =	vadd.f32 v8, v56  }
0x195: {  	v7 =	vadd.f32 v7, v9  }
0x196: {  	v57 =	vld [tilespmem:s11+$0xD0];
	[tilespmem:s11+$0xC0] =	vst v8  }
0x197: {  	v8 =	vld [tilespmem:s7+$0xD0];
	[tilespmem:s11+$0xFFFFFFC0] =	vst v7  }
0x198: {  	v7 =	vld [tilespmem:s7+$0xFFFFFFD0];
	_ =	sdelay $0x2  }
0x199: {  	v4 =	vadd.f32 v17, v4  }
0x19a: {  	v8 =	vadd.f32 v8, v57  }
0x19b: {  	v58 =	vld [tilespmem:s11+$0xE0];
	[tilespmem:s1+$0xFFFFFFD0] =	vst v4;
	v7 =	vadd.f32 v7, v15  }
0x19c: {  	v60 =	vld [tilespmem:s0+$0xFFFFFFE0];
	[tilespmem:s11+$0xD0] =	vst v8  }
0x19d: {  	v59 =	vld [tilespmem:s7+$0xE0];
	[tilespmem:s11+$0xFFFFFFD0] =	vst v7  }
0x19e: {  	v7 =	vld [tilespmem:s7+$0xFFFFFFE0];
	_ =	sdelay $0x2  }
0x19f: {  	v5 =	vadd.f32 v60, v5  }
0x1a0: {  	v4 =	vadd.f32 v59, v58  }
0x1a1: {  	v61 =	vld [tilespmem:s11+$0xF0];
	[tilespmem:s1+$0xFFFFFFE0] =	vst v5;
	v62 =	vadd.f32 v7, v12  }
0x1a2: {  	v5 =	vld [tilespmem:s0+$0xFFFFFFF0];
	[tilespmem:s11+$0xE0] =	vst v4  }
0x1a3: {  	v63 =	vld [tilespmem:s7+$0xF0];
	[tilespmem:s11+$0xFFFFFFE0] =	vst v62  }
0x1a4: {  	v4 =	vld [tilespmem:s7+$0xFFFFFFF0]  }
0x1a5: {  	v3 =	vadd.f32 v16, v3;
	_ =	sdelay $0x1  }
0x1a6: {  	[tilespmem:s31+$0xFFFFFFF0] =	vst v3;
	v3 =	vadd.f32 v5, v6  }
0x1a7: {  	s10 =	sadd.s32 s6, s30;
	[tilespmem:s1+$0xF0] =	vst v18;
	v7 =	vadd.f32 v63, v61  }
0x1a8: {  	s0 =	smul.u32 $0x640, s10;
	[tilespmem:s1+$0xFFFFFFF0] =	vst v3;
	v4 =	vadd.f32 v4, v14  }
0x1a9: {  	[tilespmem:s11+$0xF0] =	vst v7  }
0x1aa: {  	[tilespmem:s11+$0xFFFFFFF0] =	vst v4;
	s11 =	sadd.s32 s2, s0;
	s0 =	simm.s32 $0x0  }
0x1ab: {  	[hbm4b:s11+s0] =	stream.linear.scatter [tilespmem:s13], [sflag:$0x3], $0x3200, $0x38;
	[tilespmem:$0xB3D0] =	vst v63  }
0x1ac: {  	_ =	swait.ge [sflag:s21], $0x3200  }
0x1ad: {  	[sflag:s21] =	ssyncset.done $0x0  }
0x1ae: {  	s30 =	sadd.s32 $0x190, s29;
	[sflag:s21] =	ssyncadd.s32 $0xFFFFCE00  }
0x1af: {  	[tilespmem:s13], [sflag:$0x1] =	stream.indirect.gather [hbm4b:s4+s15], $0x40, s30, s15, $0xb8;
	[tilespmem:$0xB3D0] =	vst v63  }
0x1b0: {  	s31 =	sadd.s32 $0x1F8, s29  }
0x1b1: {  	[tilespmem:s17], [sflag:$0x1] =	stream.indirect.gather [hbm4b:s4+s16], $0x40, s31, s16, $0xb8;
	[tilespmem:$0xB3D0] =	vst v63  }
0x1b2: {  	_ =	swait.ge [sflag:s22], $0x1A00  }
.Ltmp5:
0x1b3: {  	[sflag:s22] =	ssyncset.done $0x0;
	(pc) =	sbr.rel .LBB2_9-.Ltmp5, $4  }
0x1b4: {  	[sflag:s22] =	ssyncadd.s32 $0xFFFFE600  }
0x1b5: {  	_ =	swait.ge [sflag:s22], $0x1800  }
0x1b6: {  	[sflag:s22] =	ssyncset.done $0x0  }
0x1b7: {  	s1 =	smov.u32 s24;
	[sflag:s22] =	ssyncadd.s32 $0xFFFFE800  }
.LBB2_11:
0x1b8: {  	s0 =	sadd.s32 $0x10, s0  }
0x1b9: {  	p0 =	sne.s32 s0, $0xD0  }
.Ltmp6:
0x1ba: {  	_ = 	snop;
	(pc) =	sbr.rel @!p0 .LBB2_12-.Ltmp6, $2  }
0x1bb: {  	_ =	sdelay $0x2  }
0x1bc: {  	s1 =	sadd.s32 $0x10, s1  }
.LBB2_9:
0x1bd: {  	v3 =	vld [tilespmem:s1+$0x0];
	_ =	sdelay $0x4  }
0x1be: {  	vm0 =	veq.s32 v3, $0x1  }
0x1bf: {  	v3 =	vsel vm0, $0x3F800000, v1  }
0x1c0: {  	(xrf0) =	vmax.scan.msk.f32 $0xffff, v3;
	_ =	sdelay $0x5  }
0x1c1: {  	v3, _, _ =	vpop (xrf0)  }
0x1c2: {  	(v2sf) =	vpush v3, $0xF;
	_ =	sdelay $0xe  }
0x1c3: {  	s5 =	spop (v2sf)  }
0x1c4: {  	p0 =	sgt.f32 s5, $0.0e+00  }
.Ltmp7:
0x1c5: {  	_ = 	snop;
	(pc) =	sbr.rel @!p0 .LBB2_11-.Ltmp7, $1  }
0x1c6: {  	_ =	sdelay $0x3  }
0x1c7: {  	v3 =	vmov s0  }
0x1c8: {  	v3 =	vshll.u32 v3, $0x6  }
0x1c9: {  	v3 =	vor.u32 v2, v3  }
0x1ca: {  	v4 =	vor.u32 $0x1, v3  }
0x1cb: {  	v5 =	vor.u32 $0x2, v3  }
0x1cc: {  	v6 =	vor.u32 $0x3, v3  }
0x1cd: {  	v7 =	vor.u32 $0x4, v3  }
0x1ce: {  	v8 =	vor.u32 $0x5, v3;
	[tilespmem:v3+s14+$0x0] =	vst.idx.msk vm0, v1  }
0x1cf: {  	v59 =	vor.u32 $0x6, v3;
	[tilespmem:v4+s14+$0x0] =	vst.idx.msk vm0, v1  }
0x1d0: {  	v60 =	vor.u32 $0x7, v3;
	[tilespmem:v5+s14+$0x0] =	vst.idx.msk vm0, v1  }
0x1d1: {  	v61 =	vor.u32 $0x8, v3;
	[tilespmem:v6+s14+$0x0] =	vst.idx.msk vm0, v1  }
0x1d2: {  	v62 =	vor.u32 $0x9, v3;
	[tilespmem:v7+s14+$0x0] =	vst.idx.msk vm0, v1  }
0x1d3: {  	v63 =	vor.u32 $0xA, v3;
	[tilespmem:v8+s14+$0x0] =	vst.idx.msk vm0, v1  }
0x1d4: {  	v12 =	vor.u32 $0xB, v3;
	[tilespmem:v59+s14+$0x0] =	vst.idx.msk vm0, v1  }
0x1d5: {  	v13 =	vor.u32 $0xC, v3;
	[tilespmem:v60+s14+$0x0] =	vst.idx.msk vm0, v1  }
0x1d6: {  	v14 =	vor.u32 $0xD, v3;
	[tilespmem:v61+s14+$0x0] =	vst.idx.msk vm0, v1  }
0x1d7: {  	v15 =	vor.u32 $0xE, v3;
	[tilespmem:v62+s14+$0x0] =	vst.idx.msk vm0, v1  }
0x1d8: {  	v16 =	vor.u32 $0xF, v3;
	[tilespmem:v63+s14+$0x0] =	vst.idx.msk vm0, v1  }
0x1d9: {  	v17 =	vor.u32 $0x10, v3;
	[tilespmem:v12+s14+$0x0] =	vst.idx.msk vm0, v1  }
0x1da: {  	v18 =	vor.u32 $0x11, v3;
	[tilespmem:v13+s14+$0x0] =	vst.idx.msk vm0, v1  }
0x1db: {  	v19 =	vor.u32 $0x12, v3;
	[tilespmem:v14+s14+$0x0] =	vst.idx.msk vm0, v1  }
0x1dc: {  	v20 =	vor.u32 $0x13, v3;
	[tilespmem:v15+s14+$0x0] =	vst.idx.msk vm0, v1  }
0x1dd: {  	v21 =	vor.u32 $0x14, v3;
	[tilespmem:v16+s14+$0x0] =	vst.idx.msk vm0, v1  }
0x1de: {  	v22 =	vor.u32 $0x15, v3;
	[tilespmem:v17+s14+$0x0] =	vst.idx.msk vm0, v1  }
0x1df: {  	v23 =	vor.u32 $0x16, v3;
	[tilespmem:v18+s14+$0x0] =	vst.idx.msk vm0, v1  }
0x1e0: {  	v24 =	vor.u32 $0x17, v3;
	[tilespmem:v19+s14+$0x0] =	vst.idx.msk vm0, v1  }
0x1e1: {  	v25 =	vor.u32 $0x18, v3;
	[tilespmem:v20+s14+$0x0] =	vst.idx.msk vm0, v1  }
0x1e2: {  	v26 =	vor.u32 $0x19, v3;
	[tilespmem:v21+s14+$0x0] =	vst.idx.msk vm0, v1  }
0x1e3: {  	v27 =	vor.u32 $0x1A, v3;
	[tilespmem:v22+s14+$0x0] =	vst.idx.msk vm0, v1  }
0x1e4: {  	v28 =	vor.u32 $0x1B, v3;
	[tilespmem:v23+s14+$0x0] =	vst.idx.msk vm0, v1  }
0x1e5: {  	v29 =	vor.u32 $0x1C, v3;
	[tilespmem:v24+s14+$0x0] =	vst.idx.msk vm0, v1  }
0x1e6: {  	v30 =	vor.u32 $0x1D, v3;
	[tilespmem:v25+s14+$0x0] =	vst.idx.msk vm0, v1  }
0x1e7: {  	v31 =	vor.u32 $0x1E, v3;
	[tilespmem:v26+s14+$0x0] =	vst.idx.msk vm0, v1  }
0x1e8: {  	v32 =	vor.u32 $0x1F, v3;
	[tilespmem:v27+s14+$0x0] =	vst.idx.msk vm0, v1  }
0x1e9: {  	v33 =	vor.u32 $0x20, v3;
	[tilespmem:v28+s14+$0x0] =	vst.idx.msk vm0, v1  }
0x1ea: {  	v34 =	vor.u32 $0x21, v3;
	[tilespmem:v29+s14+$0x0] =	vst.idx.msk vm0, v1  }
0x1eb: {  	v35 =	vor.u32 $0x22, v3;
	[tilespmem:v30+s14+$0x0] =	vst.idx.msk vm0, v1  }
0x1ec: {  	v36 =	vor.u32 $0x23, v3;
	[tilespmem:v31+s14+$0x0] =	vst.idx.msk vm0, v1  }
0x1ed: {  	v37 =	vor.u32 $0x24, v3;
	[tilespmem:v32+s14+$0x0] =	vst.idx.msk vm0, v1  }
0x1ee: {  	v38 =	vor.u32 $0x25, v3;
	[tilespmem:v33+s14+$0x0] =	vst.idx.msk vm0, v1  }
0x1ef: {  	v39 =	vor.u32 $0x26, v3;
	[tilespmem:v34+s14+$0x0] =	vst.idx.msk vm0, v1  }
0x1f0: {  	v40 =	vor.u32 $0x27, v3;
	[tilespmem:v35+s14+$0x0] =	vst.idx.msk vm0, v1  }
0x1f1: {  	v41 =	vor.u32 $0x28, v3;
	[tilespmem:v36+s14+$0x0] =	vst.idx.msk vm0, v1  }
0x1f2: {  	v42 =	vor.u32 $0x29, v3;
	[tilespmem:v37+s14+$0x0] =	vst.idx.msk vm0, v1  }
0x1f3: {  	v43 =	vor.u32 $0x2A, v3;
	[tilespmem:v38+s14+$0x0] =	vst.idx.msk vm0, v1  }
0x1f4: {  	v44 =	vor.u32 $0x2B, v3;
	[tilespmem:v39+s14+$0x0] =	vst.idx.msk vm0, v1  }
0x1f5: {  	v45 =	vor.u32 $0x2C, v3;
	[tilespmem:v40+s14+$0x0] =	vst.idx.msk vm0, v1  }
0x1f6: {  	v46 =	vor.u32 $0x2D, v3;
	[tilespmem:v41+s14+$0x0] =	vst.idx.msk vm0, v1  }
0x1f7: {  	v47 =	vor.u32 $0x2E, v3;
	[tilespmem:v42+s14+$0x0] =	vst.idx.msk vm0, v1  }
0x1f8: {  	v48 =	vor.u32 $0x2F, v3;
	[tilespmem:v43+s14+$0x0] =	vst.idx.msk vm0, v1  }
0x1f9: {  	v49 =	vor.u32 $0x30, v3;
	[tilespmem:v44+s14+$0x0] =	vst.idx.msk vm0, v1  }
0x1fa: {  	v50 =	vor.u32 $0x31, v3;
	[tilespmem:v45+s14+$0x0] =	vst.idx.msk vm0, v1  }
0x1fb: {  	v51 =	vor.u32 $0x32, v3;
	[tilespmem:v46+s14+$0x0] =	vst.idx.msk vm0, v1  }
0x1fc: {  	v52 =	vor.u32 $0x33, v3;
	[tilespmem:v47+s14+$0x0] =	vst.idx.msk vm0, v1  }
0x1fd: {  	v53 =	vor.u32 $0x34, v3;
	[tilespmem:v48+s14+$0x0] =	vst.idx.msk vm0, v1  }
0x1fe: {  	v54 =	vor.u32 $0x35, v3;
	[tilespmem:v49+s14+$0x0] =	vst.idx.msk vm0, v1  }
0x1ff: {  	v55 =	vor.u32 $0x36, v3;
	[tilespmem:v50+s14+$0x0] =	vst.idx.msk vm0, v1  }
0x200: {  	v56 =	vor.u32 $0x37, v3;
	[tilespmem:v51+s14+$0x0] =	vst.idx.msk vm0, v1  }
0x201: {  	v57 =	vor.u32 $0x38, v3;
	[tilespmem:v52+s14+$0x0] =	vst.idx.msk vm0, v1  }
0x202: {  	v58 =	vor.u32 $0x39, v3;
	[tilespmem:v53+s14+$0x0] =	vst.idx.msk vm0, v1  }
0x203: {  	v59 =	vor.u32 $0x3A, v3;
	[tilespmem:v54+s14+$0x0] =	vst.idx.msk vm0, v1  }
0x204: {  	v60 =	vor.u32 $0x3B, v3;
	[tilespmem:v55+s14+$0x0] =	vst.idx.msk vm0, v1  }
0x205: {  	v61 =	vor.u32 $0x3C, v3;
	[tilespmem:v56+s14+$0x0] =	vst.idx.msk vm0, v1  }
0x206: {  	v62 =	vor.u32 $0x3D, v3;
	[tilespmem:v57+s14+$0x0] =	vst.idx.msk vm0, v1  }
0x207: {  	v63 =	vor.u32 $0x3E, v3;
	[tilespmem:v58+s14+$0x0] =	vst.idx.msk vm0, v1  }
0x208: {  	v3 =	vor.u32 $0x3F, v3;
	[tilespmem:v59+s14+$0x0] =	vst.idx.msk vm0, v1  }
.Ltmp8:
0x209: {  	[tilespmem:v60+s14+$0x0] =	vst.idx.msk vm0, v1;
	(pc) =	sbr.rel .LBB2_11-.Ltmp8, $4  }
0x20a: {  	[tilespmem:v61+s14+$0x0] =	vst.idx.msk vm0, v1  }
0x20b: {  	[tilespmem:v62+s14+$0x0] =	vst.idx.msk vm0, v1  }
0x20c: {  	[tilespmem:v63+s14+$0x0] =	vst.idx.msk vm0, v1  }
0x20d: {  	[tilespmem:v3+s14+$0x0] =	vst.idx.msk vm0, v1  }
.LBB2_12:
0x20e: {  	s29 =	simm.s32 $0x4ED0  }
0x20f: {  	s7 =	simm.s32 $0x82D0;
	v3 =	vld [tilespmem:s29+$0x0]  }
0x210: {  	v4 =	vld [tilespmem:s7+$0x0];
	_ =	sdelay $0x4  }
0x211: {  	v3 =	vadd.f32 v4, v3;
	_ =	sdelay $0x1  }
0x212: {  	[tilespmem:s29+$0x0] =	vst v3;
	v3 =	vld [tilespmem:s29+$0x10]  }
0x213: {  	v4 =	vld [tilespmem:s7+$0x10];
	_ =	sdelay $0x4  }
0x214: {  	v3 =	vadd.f32 v4, v3;
	_ =	sdelay $0x1  }
0x215: {  	[tilespmem:s29+$0x10] =	vst v3;
	v3 =	vld [tilespmem:s29+$0x20]  }
0x216: {  	v4 =	vld [tilespmem:s7+$0x20];
	_ =	sdelay $0x3  }
0x217: {  	v5 =	vld [tilespmem:s29+$0xFFFFFF00]  }
0x218: {  	v3 =	vadd.f32 v4, v3;
	v4 =	vld [tilespmem:s7+$0xFFFFFF00];
	_ =	sdelay $0x2  }
0x219: {  	[tilespmem:s29+$0x20] =	vst v3;
	v3 =	vld [tilespmem:s29+$0x30]  }
0x21a: {  	v6 =	vld [tilespmem:s7+$0x30]  }
0x21b: {  	v4 =	vadd.f32 v4, v5;
	_ =	sdelay $0x1  }
0x21c: {  	v7 =	vld [tilespmem:s29+$0xFFFFFF10];
	[tilespmem:s29+$0xFFFFFF00] =	vst v4  }
0x21d: {  	v4 =	vld [tilespmem:s7+$0xFFFFFF10]  }
0x21e: {  	v3 =	vadd.f32 v6, v3  }
0x21f: {  	v8 =	vld [tilespmem:s29+$0xFFFFFF30]  }
0x220: {  	[tilespmem:s29+$0x30] =	vst v3;
	v3 =	vld [tilespmem:s29+$0x40]  }
0x221: {  	v6 =	vld [tilespmem:s7+$0x40]  }
0x222: {  	v9 =	vld [tilespmem:s29+$0xFFFFFF40];
	v4 =	vadd.f32 v4, v7  }
0x223: {  	v10 =	vld [tilespmem:s29+$0xFFFFFF50]  }
0x224: {  	v5 =	vld [tilespmem:s29+$0xFFFFFF20];
	[tilespmem:s29+$0xFFFFFF10] =	vst v4  }
0x225: {  	v4 =	vld [tilespmem:s7+$0xFFFFFF20]  }
0x226: {  	v11 =	vld [tilespmem:s29+$0xFFFFFF60];
	v3 =	vadd.f32 v6, v3  }
0x227: {  	v13 =	vld [tilespmem:s29+$0xFFFFFF80]  }
0x228: {  	[tilespmem:s29+$0x40] =	vst v3;
	v3 =	vld [tilespmem:s29+$0x50]  }
0x229: {  	v6 =	vld [tilespmem:s7+$0x50]  }
0x22a: {  	v15 =	vld [tilespmem:s29+$0xFFFFFFB0];
	v4 =	vadd.f32 v4, v5  }
0x22b: {  	s1 =	simm.s32 $0x50D0;
	v16 =	vld [tilespmem:s29+$0x80]  }
0x22c: {  	v17 =	vld [tilespmem:s1+$0xFFFFFF00];
	[tilespmem:s29+$0xFFFFFF20] =	vst v4  }
0x22d: {  	v4 =	vld [tilespmem:s7+$0xFFFFFF30]  }
0x22e: {  	v19 =	vld [tilespmem:s1+$0xFFFFFF10];
	v3 =	vadd.f32 v6, v3  }
0x22f: {  	v20 =	vld [tilespmem:s1+$0xFFFFFF40]  }
0x230: {  	[tilespmem:s29+$0x50] =	vst v3;
	v3 =	vld [tilespmem:s29+$0x60]  }
0x231: {  	v6 =	vld [tilespmem:s7+$0x60]  }
0x232: {  	v22 =	vld [tilespmem:s1+$0xFFFFFF70];
	v4 =	vadd.f32 v4, v8  }
0x233: {  	s11 =	simm.s32 $0x52D0;
	v23 =	vld [tilespmem:s1+$0xFFFFFF80]  }
0x234: {  	v26 =	vld [tilespmem:s11+$0xFFFFFF10];
	[tilespmem:s29+$0xFFFFFF30] =	vst v4  }
0x235: {  	v4 =	vld [tilespmem:s7+$0xFFFFFF40]  }
0x236: {  	v27 =	vld [tilespmem:s11+$0xFFFFFF30];
	v3 =	vadd.f32 v6, v3  }
0x237: {  	v55 =	vld [tilespmem:s1+$0xA0]  }
0x238: {  	[tilespmem:s29+$0x60] =	vst v3;
	v3 =	vld [tilespmem:s29+$0x70]  }
0x239: {  	v12 =	vld [tilespmem:s7+$0x70]  }
0x23a: {  	v56 =	vld [tilespmem:s11+$0xFFFFFF60];
	v4 =	vadd.f32 v4, v9  }
0x23b: {  	s0 =	simm.s32 $0x84D0;
	v9 =	vld [tilespmem:s1+$0x0]  }
0x23c: {  	[tilespmem:s29+$0xFFFFFF40] =	vst v4;
	v4 =	vld [tilespmem:s0+$0x0]  }
0x23d: {  	v14 =	vld [tilespmem:s7+$0xFFFFFF50]  }
0x23e: {  	v57 =	vld [tilespmem:s1+$0xB0];
	v3 =	vadd.f32 v12, v3  }
0x23f: {  	v59 =	vld [tilespmem:s1+$0xC0]  }
0x240: {  	v62 =	vld [tilespmem:s1+$0xF0];
	[tilespmem:s29+$0x70] =	vst v3  }
0x241: {  	v3 =	vld [tilespmem:s7+$0x80];
	v4 =	vadd.f32 v4, v9  }
0x242: {  	v9 =	vld [tilespmem:s0+$0xFFFFFF00];
	v10 =	vadd.f32 v14, v10  }
0x243: {  	[tilespmem:s1+$0x0] =	vst v4;
	v4 =	vld [tilespmem:s1+$0x10]  }
0x244: {  	[tilespmem:s29+$0xFFFFFF50] =	vst v10;
	v10 =	vld [tilespmem:s0+$0x10]  }
0x245: {  	v18 =	vld [tilespmem:s7+$0xFFFFFF60]  }
0x246: {  	v7 =	vld [tilespmem:s29+$0xFFFFFFC0];
	v3 =	vadd.f32 v3, v16  }
0x247: {  	v5 =	vld [tilespmem:s29+$0xFFFFFF70];
	v9 =	vadd.f32 v9, v17  }
0x248: {  	v16 =	vld [tilespmem:s29+$0x90];
	[tilespmem:s29+$0x80] =	vst v3  }
0x249: {  	[tilespmem:s1+$0xFFFFFF00] =	vst v9;
	v3 =	vadd.f32 v10, v4;
	v4 =	vld [tilespmem:s7+$0x90]  }
0x24a: {  	v10 =	vld [tilespmem:s0+$0xFFFFFF10];
	v9 =	vadd.f32 v18, v11  }
0x24b: {  	[tilespmem:s1+$0x10] =	vst v3;
	v3 =	vld [tilespmem:s1+$0x20]  }
0x24c: {  	[tilespmem:s29+$0xFFFFFF60] =	vst v9;
	v9 =	vld [tilespmem:s0+$0x20]  }
0x24d: {  	v8 =	vld [tilespmem:s29+$0xFFFFFF90]  }
0x24e: {  	v17 =	vld [tilespmem:s1+$0xFFFFFF20];
	v4 =	vadd.f32 v4, v16  }
0x24f: {  	v11 =	vld [tilespmem:s7+$0xFFFFFF70];
	v10 =	vadd.f32 v10, v19  }
0x250: {  	v16 =	vld [tilespmem:s29+$0xA0];
	[tilespmem:s29+$0x90] =	vst v4  }
0x251: {  	[tilespmem:s1+$0xFFFFFF10] =	vst v10;
	v3 =	vadd.f32 v9, v3;
	v4 =	vld [tilespmem:s7+$0xA0]  }
0x252: {  	v9 =	vld [tilespmem:s0+$0xFFFFFF20]  }
0x253: {  	v10 =	vld [tilespmem:s1+$0x30];
	[tilespmem:s1+$0x20] =	vst v3  }
0x254: {  	v21 =	vld [tilespmem:s0+$0x30]  }
0x255: {  	v6 =	vld [tilespmem:s29+$0xFFFFFFA0];
	v5 =	vadd.f32 v11, v5  }
0x256: {  	v18 =	vld [tilespmem:s1+$0xFFFFFF30];
	v4 =	vadd.f32 v4, v16  }
0x257: {  	[tilespmem:s29+$0xFFFFFF70] =	vst v5;
	v5 =	vld [tilespmem:s29+$0xB0];
	v9 =	vadd.f32 v9, v17  }
0x258: {  	v16 =	vld [tilespmem:s7+$0xFFFFFF80];
	[tilespmem:s29+$0xA0] =	vst v4  }
0x259: {  	[tilespmem:s1+$0xFFFFFF20] =	vst v9;
	v4 =	vadd.f32 v21, v10;
	v17 =	vld [tilespmem:s7+$0xB0]  }
0x25a: {  	v9 =	vld [tilespmem:s0+$0xFFFFFF30]  }
0x25b: {  	[tilespmem:s1+$0x30] =	vst v4;
	v4 =	vld [tilespmem:s1+$0x40]  }
0x25c: {  	v21 =	vld [tilespmem:s0+$0x40]  }
0x25d: {  	v12 =	vld [tilespmem:s29+$0xFFFFFFD0];
	v13 =	vadd.f32 v16, v13  }
0x25e: {  	v14 =	vld [tilespmem:s29+$0xFFFFFFE0];
	v5 =	vadd.f32 v17, v5  }
0x25f: {  	[tilespmem:s29+$0xFFFFFF80] =	vst v13;
	v13 =	vld [tilespmem:s29+$0xC0];
	v9 =	vadd.f32 v9, v18  }
0x260: {  	v16 =	vld [tilespmem:s7+$0xFFFFFF90];
	[tilespmem:s29+$0xB0] =	vst v5  }
0x261: {  	[tilespmem:s1+$0xFFFFFF30] =	vst v9;
	v4 =	vadd.f32 v21, v4;
	v5 =	vld [tilespmem:s7+$0xC0]  }
0x262: {  	v18 =	vld [tilespmem:s0+$0xFFFFFF40]  }
0x263: {  	[tilespmem:s1+$0x40] =	vst v4;
	v4 =	vld [tilespmem:s1+$0x50]  }
0x264: {  	v21 =	vld [tilespmem:s0+$0x50]  }
0x265: {  	v19 =	vld [tilespmem:s1+$0xFFFFFF50];
	v8 =	vadd.f32 v16, v8  }
0x266: {  	v11 =	vld [tilespmem:s1+$0xFFFFFF60]  }
0x267: {  	[tilespmem:s29+$0xFFFFFF90] =	vst v8;
	v8 =	vld [tilespmem:s29+$0xD0];
	v5 =	vadd.f32 v5, v13  }
0x268: {  	v13 =	vadd.f32 v18, v20;
	v18 =	vld [tilespmem:s7+$0xFFFFFFA0]  }
0x269: {  	v20 =	vld [tilespmem:s1+$0x60];
	[tilespmem:s29+$0xC0] =	vst v5;
	v4 =	vadd.f32 v21, v4  }
0x26a: {  	[tilespmem:s1+$0xFFFFFF40] =	vst v13;
	v5 =	vld [tilespmem:s7+$0xD0]  }
0x26b: {  	v13 =	vld [tilespmem:s0+$0xFFFFFF50];
	[tilespmem:s1+$0x50] =	vst v4  }
0x26c: {  	v21 =	vld [tilespmem:s0+$0x60]  }
0x26d: {  	v3 =	vld [tilespmem:s29+$0xFFFFFFF0];
	v6 =	vadd.f32 v18, v6  }
0x26e: {  	v10 =	vld [tilespmem:s1+$0xFFFFFF90]  }
0x26f: {  	v17 =	vld [tilespmem:s1+$0xFFFFFFB0];
	[tilespmem:s29+$0xFFFFFFA0] =	vst v6;
	v5 =	vadd.f32 v5, v8  }
0x270: {  	v8 =	vadd.f32 v13, v19;
	v13 =	vld [tilespmem:s7+$0xFFFFFFB0]  }
0x271: {  	v6 =	vld [tilespmem:s29+$0xE0];
	[tilespmem:s29+$0xD0] =	vst v5;
	v5 =	vadd.f32 v21, v20  }
0x272: {  	v19 =	vld [tilespmem:s1+$0x70]  }
0x273: {  	v18 =	vld [tilespmem:s7+$0xE0];
	[tilespmem:s1+$0x60] =	vst v5  }
0x274: {  	[tilespmem:s1+$0xFFFFFF50] =	vst v8;
	v20 =	vld [tilespmem:s0+$0x70]  }
0x275: {  	v8 =	vld [tilespmem:s0+$0xFFFFFF60];
	v13 =	vadd.f32 v13, v15  }
0x276: {  	s5 =	simm.s32 $0x86D0;
	v15 =	vld [tilespmem:s11+$0x0]  }
0x277: {  	[tilespmem:s29+$0xFFFFFFB0] =	vst v13;
	v13 =	vld [tilespmem:s5+$0x0]  }
0x278: {  	v9 =	vld [tilespmem:s1+$0xFFFFFFA0]  }
0x279: {  	v16 =	vld [tilespmem:s1+$0xFFFFFFC0];
	v19 =	vadd.f32 v20, v19  }
0x27a: {  	v6 =	vadd.f32 v18, v6;
	v8 =	vadd.f32 v8, v11;
	v11 =	vld [tilespmem:s11+$0xFFFFFF00]  }
0x27b: {  	v20 =	vld [tilespmem:s1+$0x80];
	[tilespmem:s1+$0x70] =	vst v19  }
0x27c: {  	[tilespmem:s29+$0xE0] =	vst v6;
	v6 =	vadd.f32 v13, v15;
	v19 =	vld [tilespmem:s0+$0x80]  }
0x27d: {  	v13 =	vld [tilespmem:s5+$0xFFFFFF00]  }
0x27e: {  	v15 =	vld [tilespmem:s11+$0x10];
	[tilespmem:s11+$0x0] =	vst v6  }
0x27f: {  	[tilespmem:s1+$0xFFFFFF60] =	vst v8;
	v8 =	vld [tilespmem:s5+$0x10]  }
0x280: {  	v4 =	vld [tilespmem:s1+$0xFFFFFFD0]  }
0x281: {  	v5 =	vld [tilespmem:s1+$0xFFFFFFE0];
	v19 =	vadd.f32 v19, v20  }
0x282: {  	v21 =	vld [tilespmem:s7+$0xFFFFFFC0];
	v11 =	vadd.f32 v13, v11  }
0x283: {  	v20 =	vld [tilespmem:s1+$0x90];
	[tilespmem:s1+$0x80] =	vst v19  }
0x284: {  	[tilespmem:s11+$0xFFFFFF00] =	vst v11;
	v8 =	vadd.f32 v8, v15;
	v15 =	vld [tilespmem:s0+$0x90]  }
0x285: {  	v11 =	vld [tilespmem:s5+$0xFFFFFF10]  }
0x286: {  	v25 =	vld [tilespmem:s0+$0xFFFFFF70]  }
0x287: {  	[tilespmem:s11+$0x10] =	vst v8;
	v8 =	vld [tilespmem:s11+$0x20]  }
0x288: {  	v19 =	vld [tilespmem:s5+$0x20]  }
0x289: {  	v18 =	vld [tilespmem:s29+$0xF0];
	v15 =	vadd.f32 v15, v20  }
0x28a: {  	v24 =	vld [tilespmem:s7+$0xF0];
	v11 =	vadd.f32 v11, v26  }
0x28b: {  	v22 =	vadd.f32 v25, v22;
	v13 =	vld [tilespmem:s11+$0xFFFFFF20];
	[tilespmem:s1+$0x90] =	vst v15  }
0x28c: {  	[tilespmem:s11+$0xFFFFFF10] =	vst v11;
	v11 =	vld [tilespmem:s0+$0xA0]  }
0x28d: {  	[tilespmem:s1+$0xFFFFFF70] =	vst v22;
	v8 =	vadd.f32 v19, v8;
	v19 =	vld [tilespmem:s5+$0xFFFFFF20]  }
0x28e: {  	v7 =	vadd.f32 v21, v7;
	v21 =	vld [tilespmem:s0+$0xFFFFFF80]  }
0x28f: {  	[tilespmem:s11+$0x20] =	vst v8;
	v8 =	vld [tilespmem:s11+$0x30]  }
0x290: {  	[tilespmem:s29+$0xFFFFFFC0] =	vst v7;
	v7 =	vld [tilespmem:s5+$0x30]  }
0x291: {  	v6 =	vld [tilespmem:s1+$0xFFFFFFF0];
	v11 =	vadd.f32 v11, v55  }
0x292: {  	v22 =	vld [tilespmem:s7+$0xFFFFFFD0];
	v19 =	vadd.f32 v19, v13  }
0x293: {  	v20 =	vld [tilespmem:s11+$0xFFFFFF40];
	[tilespmem:s1+$0xA0] =	vst v11  }
0x294: {  	[tilespmem:s11+$0xFFFFFF20] =	vst v19;
	v11 =	vadd.f32 v21, v23;
	v21 =	vld [tilespmem:s0+$0xB0]  }
0x295: {  	v7 =	vadd.f32 v7, v8;
	v8 =	vld [tilespmem:s5+$0xFFFFFF30]  }
0x296: {  	v15 =	vld [tilespmem:s11+$0xFFFFFF50]  }
0x297: {  	v13 =	vld [tilespmem:s11+$0xFFFFFF70];
	[tilespmem:s1+$0xFFFFFF80] =	vst v11  }
0x298: {  	v19 =	vld [tilespmem:s0+$0xFFFFFF90]  }
0x299: {  	[tilespmem:s11+$0x30] =	vst v7;
	v7 =	vld [tilespmem:s11+$0x40];
	v21 =	vadd.f32 v21, v57  }
0x29a: {  	v23 =	vld [tilespmem:s5+$0x40];
	v58 =	vadd.f32 v8, v27  }
0x29b: {  	v11 =	vld [tilespmem:s11+$0xFFFFFF80];
	[tilespmem:s1+$0xB0] =	vst v21  }
0x29c: {  	[tilespmem:s11+$0xFFFFFF30] =	vst v58;
	v21 =	vld [tilespmem:s0+$0xC0]  }
0x29d: {  	v10 =	vadd.f32 v19, v10;
	v19 =	vld [tilespmem:s5+$0xFFFFFF40]  }
0x29e: {  	v8 =	vld [tilespmem:s11+$0xFFFFFF90]  }
0x29f: {  	v23 =	vadd.f32 v23, v7;
	v7 =	vld [tilespmem:s11+$0xFFFFFFA0];
	[tilespmem:s1+$0xFFFFFF90] =	vst v10  }
0x2a0: {  	v60 =	vld [tilespmem:s0+$0xFFFFFFA0]  }
0x2a1: {  	[tilespmem:s11+$0x40] =	vst v23;
	v23 =	vld [tilespmem:s11+$0x50];
	v10 =	vadd.f32 v21, v59  }
0x2a2: {  	v19 =	vadd.f32 v19, v20;
	v21 =	vld [tilespmem:s5+$0x50]  }
0x2a3: {  	v20 =	vld [tilespmem:s1+$0xD0];
	[tilespmem:s1+$0xC0] =	vst v10  }
0x2a4: {  	[tilespmem:s11+$0xFFFFFF40] =	vst v19;
	v19 =	vld [tilespmem:s0+$0xD0]  }
0x2a5: {  	v10 =	vld [tilespmem:s11+$0xFFFFFFB0];
	v26 =	vadd.f32 v60, v9  }
0x2a6: {  	v61 =	vld [tilespmem:s5+$0xFFFFFF50]  }
0x2a7: {  	v9 =	vld [tilespmem:s11+$0xFFFFFFC0];
	[tilespmem:s1+$0xFFFFFFA0] =	vst v26;
	v21 =	vadd.f32 v21, v23  }
0x2a8: {  	v23 =	vld [tilespmem:s0+$0xFFFFFFB0]  }
0x2a9: {  	[tilespmem:s11+$0x50] =	vst v21;
	v21 =	vld [tilespmem:s1+$0xE0];
	v19 =	vadd.f32 v19, v20  }
0x2aa: {  	v12 =	vadd.f32 v22, v12;
	v20 =	vld [tilespmem:s11+$0x60]  }
0x2ab: {  	v26 =	vadd.f32 v61, v15;
	v22 =	vld [tilespmem:s5+$0x60];
	[tilespmem:s1+$0xD0] =	vst v19  }
0x2ac: {  	[tilespmem:s29+$0xFFFFFFD0] =	vst v12;
	v19 =	vld [tilespmem:s0+$0xE0]  }
0x2ad: {  	[tilespmem:s11+$0xFFFFFF50] =	vst v26;
	v12 =	vadd.f32 v23, v17;
	v17 =	vld [tilespmem:s7+$0xFFFFFFE0]  }
0x2ae: {  	v23 =	vld [tilespmem:s5+$0xFFFFFF60]  }
0x2af: {  	v15 =	vld [tilespmem:s11+$0xFFFFFFD0];
	[tilespmem:s1+$0xFFFFFFB0] =	vst v12  }
0x2b0: {  	v20 =	vadd.f32 v22, v20;
	v22 =	vld [tilespmem:s0+$0xFFFFFFC0]  }
0x2b1: {  	v12 =	vld [tilespmem:s11+$0xFFFFFFE0];
	v19 =	vadd.f32 v19, v21  }
0x2b2: {  	[tilespmem:s11+$0x60] =	vst v20;
	v14 =	vadd.f32 v17, v14;
	v21 =	vld [tilespmem:s11+$0x70]  }
0x2b3: {  	v17 =	vadd.f32 v23, v56;
	v23 =	vld [tilespmem:s5+$0x70];
	[tilespmem:s1+$0xE0] =	vst v19  }
0x2b4: {  	[tilespmem:s29+$0xFFFFFFE0] =	vst v14;
	v63 =	vld [tilespmem:s0+$0xF0]  }
0x2b5: {  	[tilespmem:s11+$0xFFFFFF60] =	vst v17;
	v17 =	vadd.f32 v22, v16;
	v16 =	vld [tilespmem:s7+$0xFFFFFFF0]  }
0x2b6: {  	v20 =	vld [tilespmem:s5+$0xFFFFFF70]  }
0x2b7: {  	v18 =	vadd.f32 v24, v18;
	v14 =	vld [tilespmem:s11+$0xFFFFFFF0];
	[tilespmem:s1+$0xFFFFFFC0] =	vst v17  }
0x2b8: {  	v17 =	vld [tilespmem:s0+$0xFFFFFFD0];
	v21 =	vadd.f32 v23, v21  }
0x2b9: {  	s9 =	simm.s32 $0x10;
	s10 =	simm.s32 $0x54D0;
	[tilespmem:s29+$0xF0] =	vst v18;
	v19 =	vld [tilespmem:s11+$0x80];
	s7 =	simm.s32 $0x86D0;
	v18 =	vadd.f32 v63, v62  }
.LBB2_13:
0x2ba: {  	v22 =	vld [tilespmem:s10+$0x0];
	[tilespmem:s11+$0x70] =	vst v21;
	s5 =	sadd.s32 $0x200, s5;
	v16 =	vadd.f32 v16, v3;
	v3 =	vmov v6  }
0x2bb: {  	v21 =	vld [tilespmem:s5+$0x0];
	v13 =	vadd.f32 v20, v13;
	[tilespmem:s1+$0xF0] =	vst v18  }
0x2bc: {  	s9 =	sadd.s32 $0x8, s9;
	v18 =	vld [tilespmem:s7+$0x80];
	[tilespmem:s29+$0xFFFFFFF0] =	vst v16;
	v6 =	vmov v14;
	s29 =	smov.u32 s1;
	s1 =	smov.u32 s11  }
0x2bd: {  	p0 =	slt.u32 s9, $0xC0;
	s11 =	smov.u32 s10;
	v14 =	vld [tilespmem:s5+$0xFFFFFF00];
	[tilespmem:s1+$0xFFFFFF70] =	vst v13;
	v13 =	vadd.f32 v17, v4;
	v4 =	vmov v15  }
0x2be: {  	v15 =	vld [tilespmem:s10+$0xFFFFFF00]  }
0x2bf: {  	v16 =	vld [tilespmem:s10+$0xFFFFFF10];
	[tilespmem:s29+$0xFFFFFFD0] =	vst v13  }
0x2c0: {  	v17 =	vld [tilespmem:s10+$0xFFFFFF20];
	v13 =	vadd.f32 v21, v22  }
0x2c1: {  	v18 =	vadd.f32 v18, v19;
	v19 =	vld [tilespmem:s1+$0x90]  }
0x2c2: {  	[tilespmem:s10+$0x0] =	vst v13;
	v13 =	vld [tilespmem:s10+$0x10]  }
0x2c3: {  	v14 =	vadd.f32 v14, v15;
	v15 =	vld [tilespmem:s5+$0x10];
	[tilespmem:s1+$0x80] =	vst v18  }
0x2c4: {  	v18 =	vld [tilespmem:s7+$0x90]  }
0x2c5: {  	[tilespmem:s10+$0xFFFFFF00] =	vst v14;
	v14 =	vld [tilespmem:s10+$0xFFFFFF30]  }
0x2c6: {  	v20 =	vld [tilespmem:s5+$0xFFFFFF10]  }
0x2c7: {  	v21 =	vld [tilespmem:s10+$0xFFFFFF40]  }
0x2c8: {  	v22 =	vld [tilespmem:s10+$0xFFFFFF50];
	v13 =	vadd.f32 v15, v13  }
0x2c9: {  	v15 =	vadd.f32 v18, v19;
	v18 =	vld [tilespmem:s1+$0xA0]  }
0x2ca: {  	[tilespmem:s10+$0x10] =	vst v13;
	v19 =	vld [tilespmem:s10+$0x20]  }
0x2cb: {  	v13 =	vadd.f32 v20, v16;
	v16 =	vld [tilespmem:s5+$0x20];
	[tilespmem:s1+$0x90] =	vst v15  }
0x2cc: {  	v15 =	vld [tilespmem:s7+$0xA0]  }
0x2cd: {  	[tilespmem:s10+$0xFFFFFF10] =	vst v13;
	v20 =	vld [tilespmem:s10+$0xFFFFFF60]  }
0x2ce: {  	v23 =	vld [tilespmem:s5+$0xFFFFFF20]  }
0x2cf: {  	v13 =	vld [tilespmem:s10+$0xFFFFFF70]  }
0x2d0: {  	v16 =	vadd.f32 v16, v19;
	v19 =	vld [tilespmem:s7+$0xFFFFFF80]  }
0x2d1: {  	v15 =	vadd.f32 v15, v18;
	v18 =	vld [tilespmem:s1+$0xB0]  }
0x2d2: {  	[tilespmem:s10+$0x20] =	vst v16;
	v16 =	vld [tilespmem:s10+$0x30]  }
0x2d3: {  	v17 =	vadd.f32 v23, v17;
	v23 =	vld [tilespmem:s5+$0x30];
	[tilespmem:s1+$0xA0] =	vst v15  }
0x2d4: {  	v15 =	vld [tilespmem:s7+$0xB0]  }
0x2d5: {  	[tilespmem:s10+$0xFFFFFF20] =	vst v17;
	v17 =	vadd.f32 v19, v11;
	v11 =	vld [tilespmem:s10+$0xFFFFFF80]  }
0x2d6: {  	v19 =	vld [tilespmem:s5+$0xFFFFFF30]  }
0x2d7: {  	v24 =	vld [tilespmem:s10+$0xFFFFFF90];
	[tilespmem:s1+$0xFFFFFF80] =	vst v17  }
0x2d8: {  	v16 =	vadd.f32 v23, v16;
	v17 =	vld [tilespmem:s7+$0xFFFFFF90]  }
0x2d9: {  	v15 =	vadd.f32 v15, v18;
	v18 =	vld [tilespmem:s1+$0xC0]  }
0x2da: {  	[tilespmem:s10+$0x30] =	vst v16;
	v16 =	vld [tilespmem:s10+$0x40]  }
0x2db: {  	v14 =	vadd.f32 v19, v14;
	v19 =	vld [tilespmem:s5+$0x40];
	[tilespmem:s1+$0xB0] =	vst v15  }
0x2dc: {  	v15 =	vld [tilespmem:s7+$0xC0]  }
0x2dd: {  	[tilespmem:s10+$0xFFFFFF30] =	vst v14;
	v14 =	vld [tilespmem:s10+$0xFFFFFFA0];
	v17 =	vadd.f32 v17, v8;
	v8 =	vmov v24  }
0x2de: {  	v23 =	vld [tilespmem:s5+$0xFFFFFF40]  }
0x2df: {  	v24 =	vld [tilespmem:s10+$0xFFFFFFB0];
	[tilespmem:s1+$0xFFFFFF90] =	vst v17  }
0x2e0: {  	v16 =	vadd.f32 v19, v16;
	v17 =	vld [tilespmem:s7+$0xFFFFFFA0]  }
0x2e1: {  	v15 =	vadd.f32 v15, v18;
	v18 =	vld [tilespmem:s1+$0xD0]  }
0x2e2: {  	[tilespmem:s10+$0x40] =	vst v16;
	v16 =	vld [tilespmem:s10+$0x50]  }
0x2e3: {  	v19 =	vadd.f32 v23, v21;
	v21 =	vld [tilespmem:s5+$0x50];
	[tilespmem:s1+$0xC0] =	vst v15  }
0x2e4: {  	v23 =	vld [tilespmem:s7+$0xD0]  }
0x2e5: {  	[tilespmem:s10+$0xFFFFFF40] =	vst v19;
	v19 =	vld [tilespmem:s10+$0xFFFFFFC0];
	v17 =	vadd.f32 v17, v7;
	v7 =	vmov v14  }
0x2e6: {  	v14 =	vld [tilespmem:s5+$0xFFFFFF50]  }
0x2e7: {  	v15 =	vld [tilespmem:s10+$0xFFFFFFD0];
	[tilespmem:s1+$0xFFFFFFA0] =	vst v17  }
0x2e8: {  	v16 =	vadd.f32 v21, v16;
	v17 =	vld [tilespmem:s7+$0xFFFFFFB0]  }
0x2e9: {  	v18 =	vadd.f32 v23, v18;
	v21 =	vld [tilespmem:s1+$0xE0]  }
0x2ea: {  	[tilespmem:s10+$0x50] =	vst v16;
	v16 =	vld [tilespmem:s10+$0x60]  }
0x2eb: {  	v14 =	vadd.f32 v14, v22;
	v22 =	vld [tilespmem:s5+$0x60];
	[tilespmem:s1+$0xD0] =	vst v18  }
0x2ec: {  	v18 =	vld [tilespmem:s7+$0xE0]  }
0x2ed: {  	[tilespmem:s10+$0xFFFFFF50] =	vst v14;
	v14 =	vadd.f32 v17, v10;
	v17 =	vld [tilespmem:s0+$0xFFFFFFE0];
	v10 =	vmov v24  }
0x2ee: {  	v23 =	vld [tilespmem:s5+$0xFFFFFF60]  }
0x2ef: {  	v24 =	vld [tilespmem:s10+$0xFFFFFFE0];
	[tilespmem:s1+$0xFFFFFFB0] =	vst v14  }
0x2f0: {  	v14 =	vadd.f32 v22, v16;
	v16 =	vld [tilespmem:s7+$0xFFFFFFC0]  }
0x2f1: {  	v18 =	vadd.f32 v18, v21;
	v22 =	vld [tilespmem:s1+$0xF0]  }
0x2f2: {  	[tilespmem:s10+$0x60] =	vst v14;
	v21 =	vld [tilespmem:s10+$0x70];
	v14 =	vadd.f32 v17, v5;
	v5 =	vmov v12  }
0x2f3: {  	v17 =	vadd.f32 v23, v20;
	v23 =	vld [tilespmem:s5+$0x70];
	[tilespmem:s1+$0xE0] =	vst v18  }
0x2f4: {  	v18 =	vld [tilespmem:s7+$0xF0];
	[tilespmem:s29+$0xFFFFFFE0] =	vst v14;
	v12 =	vmov v24  }
.Ltmp9:
0x2f5: {  	[tilespmem:s10+$0xFFFFFF60] =	vst v17;
	v17 =	vadd.f32 v16, v9;
	v16 =	vld [tilespmem:s0+$0xFFFFFFF0];
	v9 =	vmov v19;
	s0 =	smov.u32 s7;
	s7 =	smov.u32 s5;
	(pc) =	sbr.rel @p0 .LBB2_13-.Ltmp9, $4  }
0x2f6: {  	v20 =	vld [tilespmem:s5+$0xFFFFFF70]  }
0x2f7: {  	v14 =	vld [tilespmem:s10+$0xFFFFFFF0];
	[tilespmem:s1+$0xFFFFFFC0] =	vst v17  }
0x2f8: {  	v21 =	vadd.f32 v23, v21;
	v17 =	vld [tilespmem:s0+$0xFFFFFFD0]  }
0x2f9: {  	s10 =	sadd.s32 $0x200, s10;
	v19 =	vld [tilespmem:s11+$0x80];
	v18 =	vadd.f32 v18, v22  }
0x2fa: {  	_ = 	snop  }
0x2fb: {  	v13 =	vadd.f32 v20, v13  }
0x2fc: {  	[tilespmem:s11+$0x70] =	vst v21  }
0x2fd: {  	v49 =	vld [tilespmem:s7+$0x80];
	[tilespmem:s11+$0xFFFFFF70] =	vst v13  }
0x2fe: {  	v13 =	vld [tilespmem:s7+$0xFFFFFF80];
	_ =	sdelay $0x3  }
0x2ff: {  	v19 =	vadd.f32 v49, v19  }
0x300: {  	v11 =	vadd.f32 v13, v11  }
0x301: {  	v50 =	vld [tilespmem:s11+$0x90];
	[tilespmem:s11+$0x80] =	vst v19  }
0x302: {  	v51 =	vld [tilespmem:s7+$0x90];
	[tilespmem:s11+$0xFFFFFF80] =	vst v11  }
0x303: {  	v11 =	vld [tilespmem:s7+$0xFFFFFF90];
	_ =	sdelay $0x3  }
0x304: {  	v13 =	vadd.f32 v51, v50  }
0x305: {  	v8 =	vadd.f32 v11, v8  }
0x306: {  	v52 =	vld [tilespmem:s11+$0xA0];
	[tilespmem:s11+$0x90] =	vst v13  }
0x307: {  	v53 =	vld [tilespmem:s7+$0xA0];
	[tilespmem:s11+$0xFFFFFF90] =	vst v8  }
0x308: {  	v8 =	vld [tilespmem:s7+$0xFFFFFFA0];
	_ =	sdelay $0x3  }
0x309: {  	v11 =	vadd.f32 v53, v52  }
0x30a: {  	v7 =	vadd.f32 v8, v7  }
0x30b: {  	v54 =	vld [tilespmem:s11+$0xB0];
	[tilespmem:s11+$0xA0] =	vst v11  }
0x30c: {  	v55 =	vld [tilespmem:s7+$0xB0];
	[tilespmem:s11+$0xFFFFFFA0] =	vst v7  }
0x30d: {  	v7 =	vld [tilespmem:s7+$0xFFFFFFB0];
	_ =	sdelay $0x3  }
0x30e: {  	v8 =	vadd.f32 v55, v54  }
0x30f: {  	v7 =	vadd.f32 v7, v10  }
0x310: {  	v56 =	vld [tilespmem:s11+$0xC0];
	[tilespmem:s11+$0xB0] =	vst v8  }
0x311: {  	v8 =	vld [tilespmem:s7+$0xC0];
	[tilespmem:s11+$0xFFFFFFB0] =	vst v7  }
0x312: {  	v7 =	vld [tilespmem:s7+$0xFFFFFFC0];
	_ =	sdelay $0x3  }
0x313: {  	v8 =	vadd.f32 v8, v56  }
0x314: {  	v7 =	vadd.f32 v7, v9  }
0x315: {  	v57 =	vld [tilespmem:s11+$0xD0];
	[tilespmem:s11+$0xC0] =	vst v8  }
0x316: {  	v8 =	vld [tilespmem:s7+$0xD0];
	[tilespmem:s11+$0xFFFFFFC0] =	vst v7  }
0x317: {  	v7 =	vld [tilespmem:s7+$0xFFFFFFD0];
	_ =	sdelay $0x2  }
0x318: {  	v4 =	vadd.f32 v17, v4  }
0x319: {  	v8 =	vadd.f32 v8, v57  }
0x31a: {  	v58 =	vld [tilespmem:s11+$0xE0];
	[tilespmem:s1+$0xFFFFFFD0] =	vst v4;
	v7 =	vadd.f32 v7, v15  }
0x31b: {  	v60 =	vld [tilespmem:s0+$0xFFFFFFE0];
	[tilespmem:s11+$0xD0] =	vst v8  }
0x31c: {  	v59 =	vld [tilespmem:s7+$0xE0];
	[tilespmem:s11+$0xFFFFFFD0] =	vst v7  }
0x31d: {  	v7 =	vld [tilespmem:s7+$0xFFFFFFE0];
	_ =	sdelay $0x2  }
0x31e: {  	v5 =	vadd.f32 v60, v5  }
0x31f: {  	v4 =	vadd.f32 v59, v58  }
0x320: {  	v61 =	vld [tilespmem:s11+$0xF0];
	[tilespmem:s1+$0xFFFFFFE0] =	vst v5;
	v62 =	vadd.f32 v7, v12  }
0x321: {  	v5 =	vld [tilespmem:s0+$0xFFFFFFF0];
	[tilespmem:s11+$0xE0] =	vst v4  }
0x322: {  	v63 =	vld [tilespmem:s7+$0xF0];
	[tilespmem:s11+$0xFFFFFFE0] =	vst v62  }
0x323: {  	v4 =	vld [tilespmem:s7+$0xFFFFFFF0]  }
0x324: {  	v3 =	vadd.f32 v16, v3  }
0x325: {  	s26 =	sadd.s32 $0x1, s26  }
0x326: {  	p0 =	sne.s32 s26, $0x10;
	[tilespmem:s29+$0xFFFFFFF0] =	vst v3;
	v3 =	vadd.f32 v5, v6  }
.Ltmp10:
0x327: {  	s31 =	sadd.s32 s6, s28;
	[tilespmem:s1+$0xF0] =	vst v18;
	v7 =	vadd.f32 v63, v61;
	(pc) =	sbr.rel @p0 .LBB2_2-.Ltmp10, $4  }
0x328: {  	s0 =	smul.u32 $0x640, s31;
	[tilespmem:s1+$0xFFFFFFF0] =	vst v3;
	v4 =	vadd.f32 v4, v14  }
0x329: {  	[tilespmem:s11+$0xF0] =	vst v7  }
0x32a: {  	s25 =	sadd.s32 $0x190, s25;
	s24 =	sadd.s32 $0x190, s24;
	s0 =	sadd.s32 s2, s0;
	[tilespmem:s11+$0xFFFFFFF0] =	vst v4  }
0x32b: {  	[hbm4b:s0+s3] =	stream.linear.scatter [tilespmem:s14], [sflag:$0x4], $0x3200, $0x38;
	[tilespmem:$0xB3D0] =	vst v63  }
0x32c: {  	_ =	swait.ge [sflag:s20], $0x1A00  }
0x32d: {  	[sflag:s20] =	ssyncset.done $0x0  }
0x32e: {  	[sflag:s20] =	ssyncadd.s32 $0xFFFFE600  }
0x32f: {  	_ =	swait.ge [sflag:s20], $0x1800  }
0x330: {  	[sflag:s20] =	ssyncset.done $0x0  }
0x331: {  	[sflag:s20] =	ssyncadd.s32 $0xFFFFE800  }
0x332: {  	_ =	swait.ge [sflag:s21], $0x3200  }
0x333: {  	[sflag:s21] =	ssyncset.done $0x0  }
0x334: {  	[sflag:s21] =	ssyncadd.s32 $0xFFFFCE00  }
0x335: {  	_ =	swait.ge [sflag:s18], $0x3200  }
0x336: {  	s23 =	sadd.s32 $0x1, s23;
	s0 =	rddreg [dreg:$0x6]  }
0x337: {  	p0 =	sne.s32 s23, s0  }
.Ltmp11:
0x338: {  	_ = 	snop;
	(pc) =	sbr.rel @p0 .LBB2_1-.Ltmp11, $3  }
0x339: {  	_ =	sdelay $0x1  }
0x33a: {  	[sflag:s18] =	ssyncset.done $0x0  }
0x33b: {  	[sflag:s18] =	ssyncadd.s32 $0xFFFFCE00  }
0x33c: {  	_ =	sfence.sel $0x180000  }
0x33d: {  	[bflag:$0x0] =	sbarrier.arrive $0xFFFF  }
0x33e: {  	_ =	strace $0x90000047  }
0x33f: {  	s0 =	stileid.u32;
	[bflag:$0x2] =	sbarrier.arrive $0xFFFF  }
0x340: {  	p0 =	sne.s32 s0, $0x0;
	s0 =	rddreg [dreg:$0x2]  }
0x341: {  	s0 =	sadd.s32 @!p0 $0x100000, s0  }
0x342: {  	[sflag:s0] =	ssyncadd.tile.s32 @!p0 $0x1;
	_ =	shalt  }
.Lfunc_end2:
_tile_overlayer_lowered:
.L_overlay_start_2:
0x343: {  	(tag) =	ssettag $0x2  }
0x344: {  	s0 =	rddreg [dreg:$0x0];
	s2 =	stileid.u32  }
0x345: {  	s1 =	rddreg [dreg:$0x1];
	p0 =	sne.s32 s2, $0x0  }
0x346: {  	s3 =	rddreg [dreg:$0x2];
	[bflag:$0x3] =	sbarrier.arrive $0xFFFF;
	s2 =	simm.s32 @!p0 $0x1C05  }
0x347: {  	[timem:s3], [sflag:s2] =	dma.local @!p0 [hbm:s0], s1  }
0x348: {  	s0 =	simm.s32 @!p0 $0x5  }
0x349: {  	_ =	swait.ge @!p0 [sflag:s0], s1  }
0x34a: {  	s1 =	ssub.s32 @!p0 $0x0, s1;
	[sflag:s0] =	ssyncset.done @!p0 $0x0  }
0x34b: {  	[sflag:s0] =	ssyncadd.s32 @!p0 s1  }
0x34c: {  	[bflag:$0x3] =	sbarrier.arrive $0xFFFF  }
0x34d: {  	_ =	shalt  }

// kernel: sparse-core-data-format-call.cloned.1.call-start
scs
called_computation_lowered:
.L_overlay_start_0:
0x0: {  	s2 =	sld [smem:$0x3FD9]  }
0x1: {  	s3 =	sld [smem:$0x3FFE];
	_ =	sdelay $0x1  }
0x2: {  	s1 =	srdreg.scid  }
0x3: {  	s0 =	sand.u32 $0x1, s1  }
0x4: {  	s18 =	sshll.u32 s0, $0xA;
	s2 =	sadd.s32 s3, s2  }
0x5: {  	s2 =	sadd.s32 s2, s18  }
0x6: {  	[smem:$0x3FC5] =	sst s2  }
0x7: {  	_ = 	snop  }
0x8: {  	s2 =	sld [smem:$0x3FD0];
	(tm) =	ssettm $0x1  }
0x9: {  	s19 =	sld [smem:$0x3FFB];
	_ =	sdelay $0x3  }
0xa: {  	_ =	strace s19  }
0xb: {  	s3 =	sld [smem:$0x3FFC];
	_ =	sdelay $0x3  }
0xc: {  	_ =	strace s3  }
0xd: {  	s3 =	sld [smem:$0x3FFD];
	_ =	sdelay $0x3  }
0xe: {  	_ =	strace s3  }
0xf: {  	_ =	strace $0x8FFFFFFF  }
0x10: {  	s20 =	sld [smem:$0x3FDB];
	_ =	sdelay $0x1  }
0x11: {  	s4 =	simm.s32 $_scs_section_size  }
0x12: {  	s5 =	simm.s32 $_size__tile_overlayer_lowered;
	s6 =	simm.s32 $_tile_overlayer_lowered  }
0x13: {  	s23 =	simm.s32 $0x1BFF;
	s22 =	sshll.u32 s6, $0x1;
	s3 =	sadd.s32 s4, s20  }
0x14: {  	s7 =	simm.s32 $0x0;
	s21 =	sshll.u32 s5, $0x1;
	s5 =	sadd.s32 s22, s3  }
0x15: {  	[timem:s7], [sflag:s23] =	dma.local [hbm:s5], s21  }
0x16: {  	_ =	swait.ge [sflag:s23], s21  }
0x17: {  	s4 =	ssub.s32 $0x0, s21;
	[sflag:s23] =	ssyncset.done $0x0  }
0x18: {  	[sflag:s23] =	ssyncadd.s32 s4;
	_ =	sdelay $0x1  }
0x19: {  	s24 =	simm.s32 $0x1B8B  }
0x1a: {  	_ =	swait.ge [sflag:s24], $0x1  }
0x1b: {  	[sflag:s24] =	ssyncset.done $0x0  }
0x1c: {  	s26 =	simm.s32 $0x1B8E;
	s25 =	sld [smem:$0x3FFE];
	[sflag:s24] =	ssyncadd.s32 $0xFFFFFFFF  }
0x1d: {  	s27 =	simm.s32 $execute0_lowered;
	[smem:$0x3FD2] =	sst s26  }
0x1e: {  	s5 =	sshll.u32 s27, $0x1;
	_ =	strace $0x80000049;
	[dreg:$0x1] =	wrdreg $0xFFFFFFFF  }
0x1f: {  	s28 =	simm.s32 $_size_execute0_lowered;
	s3 =	sadd.s32 s3, s5;
	[dreg:$0x0] =	wrdreg $0x0  }
0x20: {  	s5 =	sshll.u32 s28, $0x1;
	[dreg:$0x2] =	wrdreg s3  }
0x21: {  	[dreg:$0x3] =	wrdreg s5  }
0x22: {  	[dreg:$0x4] =	wrdreg $0xC0  }
0x23: {  	_ =	task [dreg:s7], $0x5FFFF  }
0x24: {  	[dreg:$0x1] =	wrdreg $0xFFFFFFFF  }
0x25: {  	[dreg:$0x0] =	wrdreg $0x60  }
0x26: {  	[dreg:$0x2] =	wrdreg s25  }
0x27: {  	[dreg:$0x3] =	wrdreg s2  }
0x28: {  	[dreg:$0x4] =	wrdreg $0x9  }
0x29: {  	_ =	task.clear_ibuf [dreg:s7], $0x5FFFF;
	_ =	strace $0x90000049  }
0x2a: {  	s29 =	simm.s32 $0x9;
	_ =	strace $0x8000004B  }
0x2b: {  	_ =	swait.ge [sflag:s29], $0x1  }
0x2c: {  	[sflag:s29] =	ssyncadd.s32 $0xFFFFFFFF  }
0x2d: {  	_ =	strace $0x9000004B  }
0x2e: {  	_ =	sfence  }
0x2f: {  	s30 =	sld [smem:$0x0];
	_ =	sdelay $0x2  }
0x30: {  	s31 =	sshll.u32 s1, $0xD;
	s1 =	sshrl.u32 s1, $0x2  }
0x31: {  	s3 =	sand.u32 $0x4000, s31;
	s1 =	sadd.s32 s1, s30  }
0x32: {  	s0 =	sor.u32 s3, s0;
	s1 =	sshll.u32 s1, $0x11  }
0x33: {  	s0 =	sor.u32 s1, s0  }
0x34: {  	s0 =	sadd.s32 $0x8F2B, s0  }
0x35: {  	[sflag:s0] =	ssyncadd.remote.s32 $0x1  }
0x36: {  	_ =	sfence.sel $0xFFFF  }
0x37: {  	[dreg:$0x0] =	wrdreg $0xFFFFFFFF;
	(pc) =	sbr.abs _section_cstart, $3  }
0x38: {  	[dreg:$0x1] =	wrdreg $0xFFFFFFFF  }
0x39: {  	_ =	task.clear_ibuf [dreg:s7], $0x2FFFF;
	_ =	strace $0x9FFFFFFF  }
0x3a: {  	(tm) =	ssettm $0x7FFFFFFF  }
0x3b: {  	_ =	shalt  }
tec
execute0_lowered:
.L_overlay_start_1:
0x0: {  	(tag) =	ssettag $0x1  }
0x1: {  	s0 =	stileid.u32;
	s6 =	rddreg [dreg:$0x0]  }
0x2: {  	s2 =	rddreg [dreg:$0x1];
	s5 =	srdreg.scid  }
0x3: {  	s31 =	simm.s32 $0x2;
	s13 =	simm.s32 $0x0;
	s1 =	sshll.u32 s0, $0x7  }
0x4: {  	s14 =	simm.s32 $0x0;
	s12 =	simm.s32 $0x0;
	s3 =	sand.u32 $0x380, s1  }
0x5: {  	s5 =	sshll.u32 s5, $0x4;
	s6 =	sadd.s32 $0xC00, s6;
	s4 =	ssub.s32 $0x400, s3  }
0x6: {  	s1 =	rddreg [dreg:$0x2];
	_ =	strace $0x8000004A;
	s7 =	sand.u32 $0x380, s4  }
0x7: {  	s5 =	sand.u32 $0x10, s5;
	p0 =	sne.s32 s7, $0x0;
	s7 =	simm.s32 $0x1  }
.Ltmp0:
0x8: {  	s8 =	sshrl.u32 s4, $0xA;
	s7 =	simm.s32 @!p0 $0x0;
	(pc) =	sbr.rel .LBB1_1-.Ltmp0, $4  }
0x9: {  	s9 =	sor.u32 s0, s5;
	s4 =	simm.s32 $0x1;
	s30 =	sadd.s32 s7, s8  }
0xa: {  	s11 =	smov.u32 s3;
	[sflag:s4] =	ssyncpa.u1 $0x0;
	s5 =	smul.u32 $0x32, s30  }
0xb: {  	[sflag:s31] =	ssyncpa.u1 $0x0;
	p0 =	por $0x0, $0x0;
	s7 =	sshrl.u32 s9, $0x3  }
0xc: {  	s9 =	simm.s32 $0x2000;
	s10 =	smov.u32 s7;
	s8 =	sor.u32 $0x1, s5  }
.LBB1_4:
0xd: {  	s17 =	sand.u32 $0x1F80, s14;
	s13 =	sshll.u32 s13, $0xD  }
0xe: {  	[tilespmem:s16+$0x810 ss:$0x81] =	vst.msk $0xffff, v2;
	s18 =	sshrl.u32 s14, $0x3;
	s31 =	sand.u32 $0x7, s14;
	s17 =	sadd.s32 s2, s17  }
0xf: {  	[tilespmem:s16+$0x1020 ss:$0x81] =	vst.msk $0xffff, v0;
	s18 =	sand.u32 $0xF, s18;
	s14 =	sshll.u32 s31, $0x12;
	s13 =	sadd.s32 s13, s17  }
0x10: {  	[tilespmem:s16+$0x0 ss:$0x81] =	vst.msk $0xffff, v1;
	s14 =	sor.u32 $0x400, s14;
	s13 =	sadd.s32 s18, s13  }
0x11: {  	[hbm4b:s13+s14] =	stream.strided.scatter [tilespmem:s15], [sflag:$0x2], $0x2000, s9, s14, $0x20;
	[tilespmem:$0x8080] =	vst v63  }
.LBB1_5:
0x12: {  	s15 =	sadd.s32 $0x4, s10  }
0x13: {  	s13 =	sadd.s32 $0x400, s11;
	s17 =	smov.u32 s11;
	p2 =	sgt.s32 s15, $0xC7  }
0x14: {  	s17 =	smov.u32 @p2 s13  }
0x15: {  	s15 =	smov.u32 @p2 s7;
	p2 =	sgt.s32 s17, $0x3FF  }
0x16: {  	s17 =	smov.u32 @p2 s3;
	p2 =	sne.s32 s12, s8  }
.Ltmp1:
0x17: {  	p1 =	slt.u32 s12, $0x2;
	(pc) =	sbr.rel @!p2 .LBB1_6-.Ltmp1, $4  }
0x18: {  	s16 =	simm.s32 @!p1 $0x2  }
0x19: {  	s14 =	smov.u32 s11;
	p0 =	por !p0, !p0;
	_ =	swait.ge @!p1 [sflag:s16], $0x2000  }
0x1a: {  	s13 =	smov.u32 s10;
	[sflag:s16] =	ssyncset.done @!p1 $0x0;
	s10 =	smov.u32 s15  }
0x1b: {  	s12 =	sadd.s32 $0x1, s12;
	[sflag:s16] =	ssyncadd.s32 @!p1 $0xFFFFE000;
	s11 =	smov.u32 s17  }
.LBB1_1:
0x1c: {  	p1 =	sge.u32 s12, s5  }
0x1d: {  	s15 =	sand.u32 @!p1 $0x1FFFFFF, s10  }
0x1e: {  	s16 =	smulhi.u32 @!p1 $0x147AE15, s15;
	_ =	sdelay $0x1  }
0x1f: {  	s16 =	smul.u32 @!p1 $0xC8, s16  }
0x20: {  	s17 =	sxor.u32 @!p1 $0xFFFFFFFF, s12;
	s18 =	smul.u32 @!p1 $0xC80, s11  }
0x21: {  	s31 =	sadd.s32 $0xFFFFFFFF, s12;
	s17 =	sshll.u32 @!p1 s17, $0xD;
	s15 =	ssub.s32 @!p1 s15, s16  }
0x22: {  	s16 =	sand.u32 @!p1 $0x2000, s17;
	s17 =	sadd.s32 @!p1 s6, s18;
	s15 =	sshll.u32 @!p1 s15, $0x4  }
0x23: {  	s18 =	simm.s32 @!p1 $0x6400;
	s15 =	sadd.s32 @!p1 s15, s17;
	s17 =	simm.s32 @!p1 $0x40  }
0x24: {  	[tilespmem:s16], [sflag:$0x1] =	stream.strided.gather @!p1 [hbm4b:s15+s17], $0x2000, s18, s17, $0x38;
	[tilespmem:$0x8080] =	vst v63  }
0x25: {  	p1 =	sge.u32 s31, s5  }
.Ltmp2:
0x26: {  	_ = 	snop;
	(pc) =	sbr.rel @p1 .LBB1_5-.Ltmp2, $1  }
0x27: {  	_ =	sdelay $0x3  }
0x28: {  	s15 =	simm.s32 $0x1  }
0x29: {  	_ =	swait.ge [sflag:s4], $0x2000;
	s15 =	simm.s32 @!p0 $0x0  }
0x2a: {  	[sflag:s4] =	ssyncset.done $0x0;
	s16 =	sshll.u32 s15, $0xD  }
0x2b: {  	[sflag:s4] =	ssyncadd.s32 $0xFFFFE000;
	s19 =	sor.u32 $0x20, s16  }
0x2c: {  	s15 =	smul.u32 $0x8100, s15;
	v3 =	vld [tilespmem:s19+$0x10]  }
0x2d: {  	s30 =	sand.u32 $0x1, s12;
	v2 =	vld [tilespmem:s19+$0xFFFFFFF0]  }
0x2e: {  	s16 =	smul.u32 $0x8100, s30;
	s15 =	sshrl.u32 s15, $0x2;
	v0 =	vld [tilespmem:s19+$0x0]  }
0x2f: {  	v1 =	vld [tilespmem:s19+$0xFFFFFFE0];
	s17 =	sor.u32 $0x4000, s15  }
0x30: {  	s31 =	sshrl.u32 s16, $0x2;
	s16 =	sadd.s32 $0x0, s17  }
0x31: {  	s18 =	simm.s32 $0x4;
	s19 =	sadd.s32 $0x40, s19;
	s15 =	sor.u32 $0x4000, s31;
	[tilespmem:s16+$0x1830 ss:$0x81] =	vst.msk $0xffff, v3  }
.LBB1_3:
0x32: {  	v3 =	vld [tilespmem:s19+$0x10];
	p1 =	sne.s32 s18, $0x1FC;
	[tilespmem:s16+$0x810 ss:$0x81] =	vst.msk $0xffff, v2;
	s20 =	smov.u32 s18;
	s18 =	sadd.s32 $0x4, s18  }
.Ltmp3:
0x33: {  	v2 =	vld [tilespmem:s19+$0xFFFFFFF0];
	[tilespmem:s16+$0x1020 ss:$0x81] =	vst.msk $0xffff, v0;
	(pc) =	sbr.rel @p1 .LBB1_3-.Ltmp3, $4  }
0x34: {  	v0 =	vld [tilespmem:s19+$0x0];
	[tilespmem:s16+$0x0 ss:$0x81] =	vst.msk $0xffff, v1  }
0x35: {  	s16 =	sshra.s32 s20, $0x2;
	v1 =	vld [tilespmem:s19+$0xFFFFFFE0]  }
0x36: {  	s16 =	sadd.s32 s16, s17  }
0x37: {  	s19 =	sadd.s32 $0x40, s19;
	[tilespmem:s16+$0x1830 ss:$0x81] =	vst.msk $0xffff, v3  }
.Ltmp4:
0x38: {  	_ = 	snop;
	(pc) =	sbr.rel .LBB1_4-.Ltmp4, $1  }
0x39: {  	_ =	sdelay $0x3  }
.LBB1_6:
0x3a: {  	_ =	sfence.sel $0x180000  }
0x3b: {  	s2 =	simm.s32 $0x1;
	[bflag:$0x0] =	sbarrier.arrive $0xFFFF  }
0x3c: {  	s31 =	simm.s32 $0x2;
	[sflag:s2] =	ssyncpa.u1 $0x1  }
0x3d: {  	[sflag:s31] =	ssyncpa.u1 $0x1  }
0x3e: {  	p0 =	sne.s32 s0, $0x0;
	_ =	strace $0x9000004A  }
0x3f: {  	s0 =	sadd.s32 @!p0 $0x100000, s1;
	[bflag:$0x2] =	sbarrier.arrive $0xFFFF  }
0x40: {  	[sflag:s0] =	ssyncadd.tile.s32 @!p0 $0x1;
	_ =	shalt  }
.Lfunc_end1:
_tile_overlayer_lowered:
.L_overlay_start_2:
0x41: {  	(tag) =	ssettag $0x2  }
0x42: {  	s0 =	rddreg [dreg:$0x0];
	s2 =	stileid.u32  }
0x43: {  	s1 =	rddreg [dreg:$0x1];
	p0 =	sne.s32 s2, $0x0  }
0x44: {  	s3 =	rddreg [dreg:$0x2];
	[bflag:$0x3] =	sbarrier.arrive $0xFFFF;
	s2 =	simm.s32 @!p0 $0x1C01  }
0x45: {  	[timem:s3], [sflag:s2] =	dma.local @!p0 [hbm:s0], s1  }
0x46: {  	s0 =	simm.s32 @!p0 $0x1  }
0x47: {  	_ =	swait.ge @!p0 [sflag:s0], s1  }
0x48: {  	s1 =	ssub.s32 @!p0 $0x0, s1;
	[sflag:s0] =	ssyncset.done @!p0 $0x0  }
0x49: {  	[sflag:s0] =	ssyncadd.s32 @!p0 s1  }
0x4a: {  	[bflag:$0x3] =	sbarrier.arrive $0xFFFF  }
0x4b: {  	_ =	shalt  }

</sc_bundles>
